<compile_context>
chip_gen: v7x
topology: tpu7x:2x2x1
jax: 0.10.2.dev20260603
libtpu: 0.0.44.dev20260713+nightly
codegen_flags: <defaults>
</compile_context>

<pallas_src>
import functools

import jax
import jax.numpy as jnp
from jax import lax
from jax.experimental import pallas as pl
from jax.experimental.pallas import tpu as pltpu
from jax.experimental.pallas import tpu_sc as plsc

N = 16 * 384 * 384
K = 1024
W = 8.0
SCALE = K / W
NC, NS = 2, 16
NW = NC * NS
ROWS_W = 384 // 2
CR = 32
N_CH = ROWS_W // CR
VPC = CR * 384 // 16
PACK = 8192


def _sc_hist_body(x_hbm, l_hbm, out_hbm,
                  xb0, lb0, xb1, lb1, table, outtab, sx0, sl0, sx1, sl1):
    c = lax.axis_index("c")
    s = lax.axis_index("s")
    wid = s * NC + c
    img = wid >> 1
    row0 = (wid & 1) * ROWS_W
    lane = lax.iota(jnp.int32, 16)
    lane_k = lane * K
    magic = lane_k.astype(jnp.float32) + jnp.float32(2.0 ** 23)
    zeros16 = jnp.zeros((16,), jnp.int32)

    bufs = ((xb0, lb0, sx0, sl0), (xb1, lb1, sx1, sl1))

    def start(ci):
        r = row0 + ci * CR
        xb, lb, sx, sl = bufs[ci % 2]
        hx = pltpu.async_copy(x_hbm.at[img, 0, pl.ds(r, CR), :], xb, sx)
        hl = pltpu.async_copy(l_hbm.at[img, 0, pl.ds(r, CR), :], lb, sl)
        return hx, hl

    pending = {0: start(0)}

    @plsc.parallel_loop(0, K, unroll=4)
    def zero_col(j):
        table[pl.ds(j * 16, 16)] = zeros16

    for ci in range(N_CH):
        if ci + 1 < N_CH:
            pending[ci + 1] = start(ci + 1)
        hx, hl = pending.pop(ci)
        hx.wait()
        hl.wait()
        xb, lb, _, _ = bufs[ci % 2]

        @plsc.parallel_loop(0, VPC, unroll=16)
        def elem_body(j, xb=xb, lb=lb):
            r = j & (CR - 1)
            col = (j >> 5) * 16
            x = xb[r, pl.ds(col, 16)]
            li = lb[r, pl.ds(col, 16)]
            e = jnp.abs(x - li.astype(jnp.float32))
            addr = plsc.bitcast(e * SCALE + magic, jnp.int32) & (16 * K - 1)
            plsc.addupdate_scatter(table, [addr], li + PACK)

    @plsc.parallel_loop(0, K // 16, unroll=2)
    def red_body(j):
        cnt = zeros16
        pos = zeros16
        for r in range(16):
            v = table[pl.ds(r * K + j * 16, 16)]
            cnt = cnt + (v >> 13)
            pos = pos + (v & (PACK - 1))
        outtab[pl.ds(j * 16, 16)] = cnt
        outtab[pl.ds(K + j * 16, 16)] = pos

    pltpu.sync_copy(outtab, out_hbm.at[wid])


def _finisher_body(t_ref, out_ref):
    T = t_ref[...].astype(jnp.float32)
    cnt = jnp.sum(T[:, :K], axis=0, keepdims=True)
    pos = jnp.sum(T[:, K:], axis=0, keepdims=True)
    ra = lax.broadcasted_iota(jnp.int32, (K, K), 0)
    rb = lax.broadcasted_iota(jnp.int32, (K, K), 1)
    M = jnp.where(ra >= rb, 1.0, 0.0)
    dims = (((1,), (0,)), ((), ()))
    F = lax.dot_general(cnt, M, dims, precision=lax.Precision.HIGHEST,
                        preferred_element_type=jnp.float32)
    P = lax.dot_general(pos, M, dims, precision=lax.Precision.HIGHEST,
                        preferred_element_type=jnp.float32)
    p = jnp.sum(pos)
    J = 1.0 - (p - P) / (p + F - P)
    j0 = jnp.sum(J[0:1, 0:1])
    j1 = jnp.sum(J[0:1, 1:2])
    loss = (W / K) * (jnp.sum(J) - 0.75 * j0 - 0.25 * j1)
    out_ref[...] = jnp.full((1, 1), loss, dtype=jnp.float32)


@functools.partial(
    pl.kernel,
    out_type=jax.ShapeDtypeStruct((NW, 2 * K), jnp.int32),
    mesh=plsc.VectorSubcoreMesh(core_axis_name="c", subcore_axis_name="s"),
    compiler_params=pltpu.CompilerParams(needs_layout_passes=False),
    scratch_types=[
        pltpu.VMEM((CR, 384), jnp.float32),
        pltpu.VMEM((CR, 384), jnp.int32),
        pltpu.VMEM((CR, 384), jnp.float32),
        pltpu.VMEM((CR, 384), jnp.int32),
        pltpu.VMEM((16 * K,), jnp.int32),
        pltpu.VMEM((2 * K,), jnp.int32),
        pltpu.SemaphoreType.DMA,
        pltpu.SemaphoreType.DMA,
        pltpu.SemaphoreType.DMA,
        pltpu.SemaphoreType.DMA,
    ],
)
def _sc_hist(x_hbm, l_hbm, out_hbm,
             xb0, lb0, xb1, lb1, table, outtab, sx0, sl0, sx1, sl1):
    _sc_hist_body(x_hbm, l_hbm, out_hbm,
                  xb0, lb0, xb1, lb1, table, outtab, sx0, sl0, sx1, sl1)


_finisher = pl.pallas_call(
    _finisher_body,
    out_shape=jax.ShapeDtypeStruct((1, 1), jnp.float32),
)


def kernel(logits, labels):
    hist = _sc_hist(logits, labels.astype(jnp.int32))
    return _finisher(hist)[0, 0]

# --- scband reference (transcript-rebuilt; emitter-appended) ---
"""Pipeline reference for scband-lovasz-hinge-loss-26980984553919 (READ-ONLY COPY).

The authoritative reference and input builder live on the scoring server;
editing this copy changes nothing except your own understanding.
"""

import jax, jax.numpy as jnp
import numpy as np


def setup_inputs(seed: int = 0) -> dict:
    key = jax.random.key(seed)
    k1, k2 = jax.random.split(key)
    logits = jax.random.normal(k1, (16, 1, 384, 384), dtype=jnp.float32)
    labels = jax.random.randint(k2, (16, 1, 384, 384), 0, 2)
    return {"logits": logits, "labels": labels}


def lovasz_grad(gt_sorted):
    gts = gt_sorted.sum()
    intersection = gts - jnp.cumsum(gt_sorted)
    union = gts + jnp.cumsum(1.0 - gt_sorted)
    jaccard = 1.0 - intersection / union
    jaccard = jnp.concatenate([jaccard[:1], jaccard[1:] - jaccard[:-1]])
    return jaccard


def reference(logits, labels):
    logits_flat = logits.reshape(-1)
    labels_flat = labels.reshape(-1).astype(jnp.float32)
    errors = jnp.abs(logits_flat - labels_flat)
    order = jnp.argsort(-errors)  # descending sort
    errors_sorted = errors[order]
    gt_sorted = labels_flat[order]
    grad = lovasz_grad(gt_sorted)
    loss = jnp.dot(jax.nn.relu(errors_sorted), grad)
    return loss

if __name__ == "__main__":
    import jax
    _d = setup_inputs()
    print(jax.jit(kernel)(*tuple(_d.values())))

</pallas_src>

<mosaic_0001>
#map = affine_map<(d0, d1) -> (0, 0, 0, 0)>
#map1 = affine_map<(d0, d1) -> (0, 0)>
module attributes {stable_mosaic.version = 14 : i64} {
  func.func @_sc_hist(%arg0: i32, %arg1: i32, %arg2: memref<16x1x384x384xf32, #tpu.memory_space<hbm>>, %arg3: memref<16x1x384x384xi32, #tpu.memory_space<hbm>>, %arg4: memref<32x2048xi32, #tpu.memory_space<hbm>>, %arg5: memref<32x384xf32, #tpu.memory_space<vmem>>, %arg6: memref<32x384xi32, #tpu.memory_space<vmem>>, %arg7: memref<32x384xf32, #tpu.memory_space<vmem>>, %arg8: memref<32x384xi32, #tpu.memory_space<vmem>>, %arg9: memref<16384xi32, #tpu.memory_space<vmem>>, %arg10: memref<2048xi32, #tpu.memory_space<vmem>>, %arg11: memref<!tpu.dma_semaphore, #tpu.memory_space<semaphore_mem>>, %arg12: memref<!tpu.dma_semaphore, #tpu.memory_space<semaphore_mem>>, %arg13: memref<!tpu.dma_semaphore, #tpu.memory_space<semaphore_mem>>, %arg14: memref<!tpu.dma_semaphore, #tpu.memory_space<semaphore_mem>>) attributes {dimension_semantics = [#tpu.dimension_semantics<core_parallel>, #tpu.dimension_semantics<subcore_parallel>], iteration_bounds = array<i64: 2, 16>, scalar_prefetch = 0 : i64, scratch_operands = 10 : i64, tpu.core_type = #tpu.core_type<sc_vector_subcore>, window_params = [{transform_indices = #map}, {transform_indices = #map}, {transform_indices = #map1}]} {
    %mul3A = arith.constant 2 : i32
    %mul3A_0 = arith.muli %arg1, %mul3A : i32
    %add3A = arith.addi %mul3A_0, %arg0 : i32
    %shift_right_arithmetic3A = arith.constant 1 : i32
    %shift_right_arithmetic3A_1 = arith.shrsi %add3A, %shift_right_arithmetic3A : i32
    %and3A = arith.constant 1 : i32
    %and3A_2 = arith.andi %add3A, %and3A : i32
    %mul3A_3 = arith.constant 192 : i32
    %mul3A_4 = arith.muli %and3A_2, %mul3A_3 : i32
    %iota3A = tpu.iota {dimensions = array<i32: 0>} : vector<16xi32>
    %mul3A_5 = arith.constant 1024 : i32
    %mul3A_6 = vector.broadcast %mul3A_5 : i32 to vector<16xi32>
    %mul3A_7 = arith.muli %iota3A, %mul3A_6 : vector<16xi32>
    %convert_element_type3A = arith.sitofp %mul3A_7 : vector<16xi32> to vector<16xf32>
    %add3A_8 = arith.constant 0x4B000000 : f32
    %add3A_9 = vector.broadcast %add3A_8 : f32 to vector<16xf32>
    %add3A_10 = arith.addf %convert_element_type3A, %add3A_9 : vector<16xf32>
    %broadcast_in_dim3A = arith.constant 0 : i32
    %broadcast_in_dim3A_11 = vector.broadcast %broadcast_in_dim3A : i32 to vector<16xi32>
    %add3A_12 = arith.constant 0 : i32
    %add3A_13 = arith.addi %mul3A_4, %add3A_12 : i32
    %dma_start3A = arith.constant 0 : i32
    %dma_start3A_14 = arith.constant 0 : i32
    %dma_start3A_15 = tpu.memref_slice %arg2[%shift_right_arithmetic3A_1, %dma_start3A, %add3A_13, %dma_start3A_14] : memref<16x1x384x384xf32, #tpu.memory_space<hbm>> -> memref<1x1x32x384xf32, #tpu.memory_space<hbm>>
    %dma_start3A_16 = tpu.memref_squeeze %dma_start3A_15 : memref<1x1x32x384xf32, #tpu.memory_space<hbm>> -> memref<32x384xf32, #tpu.memory_space<hbm>>
    %dma_start3A_17 = arith.constant 0 : i32
    %dma_start3A_18 = tpu.memref_slice %arg2[%shift_right_arithmetic3A_1, %dma_start3A, %add3A_13, %dma_start3A_17] : memref<16x1x384x384xf32, #tpu.memory_space<hbm>> -> memref<1x1x32x384xf32, #tpu.memory_space<hbm>>
    %dma_start3A_19 = tpu.memref_squeeze %dma_start3A_18 : memref<1x1x32x384xf32, #tpu.memory_space<hbm>> -> memref<32x384xf32, #tpu.memory_space<hbm>>
    tpu.enqueue_dma source(%dma_start3A_19 : memref<32x384xf32, #tpu.memory_space<hbm>>) target(%arg5 : memref<32x384xf32, #tpu.memory_space<vmem>>) target_semaphore(%arg11 : memref<!tpu.dma_semaphore, #tpu.memory_space<semaphore_mem>>)
    %dma_start3A_20 = arith.constant 0 : i32
    %dma_start3A_21 = arith.constant 0 : i32
    %dma_start3A_22 = tpu.memref_slice %arg3[%shift_right_arithmetic3A_1, %dma_start3A_20, %add3A_13, %dma_start3A_21] : memref<16x1x384x384xi32, #tpu.memory_space<hbm>> -> memref<1x1x32x384xi32, #tpu.memory_space<hbm>>
    %dma_start3A_23 = tpu.memref_squeeze %dma_start3A_22 : memref<1x1x32x384xi32, #tpu.memory_space<hbm>> -> memref<32x384xi32, #tpu.memory_space<hbm>>
    %dma_start3A_24 = arith.constant 0 : i32
    %dma_start3A_25 = tpu.memref_slice %arg3[%shift_right_arithmetic3A_1, %dma_start3A_20, %add3A_13, %dma_start3A_24] : memref<16x1x384x384xi32, #tpu.memory_space<hbm>> -> memref<1x1x32x384xi32, #tpu.memory_space<hbm>>
    %dma_start3A_26 = tpu.memref_squeeze %dma_start3A_25 : memref<1x1x32x384xi32, #tpu.memory_space<hbm>> -> memref<32x384xi32, #tpu.memory_space<hbm>>
    tpu.enqueue_dma source(%dma_start3A_26 : memref<32x384xi32, #tpu.memory_space<hbm>>) target(%arg6 : memref<32x384xi32, #tpu.memory_space<vmem>>) target_semaphore(%arg12 : memref<!tpu.dma_semaphore, #tpu.memory_space<semaphore_mem>>)
    %parallel_loop3A = arith.constant 0 : i32
    %parallel_loop3A_27 = arith.constant 1024 : i32
    %parallel_loop3A_28 = arith.constant 1 : i32
    scf.for %parallel_loop3A_213 = %parallel_loop3A to %parallel_loop3A_27 step %parallel_loop3A_28  : i32 {
      %parallel_loop3A_214 = arith.constant 16 : i32
      %parallel_loop3A_215 = arith.muli %parallel_loop3A_213, %parallel_loop3A_214 : i32
      %parallel_loop3A_216 = arith.index_cast %parallel_loop3A_215 : i32 to index
      %parallel_loop3A_217 = tpu.vector_load %arg9[%parallel_loop3A_216] {strides = array<i32>} : memref<16384xi32, #tpu.memory_space<vmem>>, vector<16xi32>,
      tpu.vector_store %arg9[%parallel_loop3A_216], %broadcast_in_dim3A_11 {strides = array<i32>} : memref<16384xi32, #tpu.memory_space<vmem>>, vector<16xi32>,
    } {sc.loop_unroll_factor = 4 : i64, sc.parallel_access}
    %add3A_29 = arith.constant 32 : i32
    %add3A_30 = arith.addi %mul3A_4, %add3A_29 : i32
    %dma_start3A_31 = arith.constant 0 : i32
    %dma_start3A_32 = arith.constant 0 : i32
    %dma_start3A_33 = tpu.memref_slice %arg2[%shift_right_arithmetic3A_1, %dma_start3A_31, %add3A_30, %dma_start3A_32] : memref<16x1x384x384xf32, #tpu.memory_space<hbm>> -> memref<1x1x32x384xf32, #tpu.memory_space<hbm>>
    %dma_start3A_34 = tpu.memref_squeeze %dma_start3A_33 : memref<1x1x32x384xf32, #tpu.memory_space<hbm>> -> memref<32x384xf32, #tpu.memory_space<hbm>>
    %dma_start3A_35 = arith.constant 0 : i32
    %dma_start3A_36 = tpu.memref_slice %arg2[%shift_right_arithmetic3A_1, %dma_start3A_31, %add3A_30, %dma_start3A_35] : memref<16x1x384x384xf32, #tpu.memory_space<hbm>> -> memref<1x1x32x384xf32, #tpu.memory_space<hbm>>
    %dma_start3A_37 = tpu.memref_squeeze %dma_start3A_36 : memref<1x1x32x384xf32, #tpu.memory_space<hbm>> -> memref<32x384xf32, #tpu.memory_space<hbm>>
    tpu.enqueue_dma source(%dma_start3A_37 : memref<32x384xf32, #tpu.memory_space<hbm>>) target(%arg7 : memref<32x384xf32, #tpu.memory_space<vmem>>) target_semaphore(%arg13 : memref<!tpu.dma_semaphore, #tpu.memory_space<semaphore_mem>>)
    %dma_start3A_38 = arith.constant 0 : i32
    %dma_start3A_39 = arith.constant 0 : i32
    %dma_start3A_40 = tpu.memref_slice %arg3[%shift_right_arithmetic3A_1, %dma_start3A_38, %add3A_30, %dma_start3A_39] : memref<16x1x384x384xi32, #tpu.memory_space<hbm>> -> memref<1x1x32x384xi32, #tpu.memory_space<hbm>>
    %dma_start3A_41 = tpu.memref_squeeze %dma_start3A_40 : memref<1x1x32x384xi32, #tpu.memory_space<hbm>> -> memref<32x384xi32, #tpu.memory_space<hbm>>
    %dma_start3A_42 = arith.constant 0 : i32
    %dma_start3A_43 = tpu.memref_slice %arg3[%shift_right_arithmetic3A_1, %dma_start3A_38, %add3A_30, %dma_start3A_42] : memref<16x1x384x384xi32, #tpu.memory_space<hbm>> -> memref<1x1x32x384xi32, #tpu.memory_space<hbm>>
    %dma_start3A_44 = tpu.memref_squeeze %dma_start3A_43 : memref<1x1x32x384xi32, #tpu.memory_space<hbm>> -> memref<32x384xi32, #tpu.memory_space<hbm>>
    tpu.enqueue_dma source(%dma_start3A_44 : memref<32x384xi32, #tpu.memory_space<hbm>>) target(%arg8 : memref<32x384xi32, #tpu.memory_space<vmem>>) target_semaphore(%arg14 : memref<!tpu.dma_semaphore, #tpu.memory_space<semaphore_mem>>)
    %dma_wait3A = arith.constant 0 : i32
    %dma_wait3A_45 = arith.constant 0 : i32
    %dma_wait3A_46 = tpu.memref_slice %arg2[%shift_right_arithmetic3A_1, %dma_wait3A, %add3A_13, %dma_wait3A_45] : memref<16x1x384x384xf32, #tpu.memory_space<hbm>> -> memref<1x1x32x384xf32, #tpu.memory_space<hbm>>
    %dma_wait3A_47 = tpu.memref_squeeze %dma_wait3A_46 : memref<1x1x32x384xf32, #tpu.memory_space<hbm>> -> memref<32x384xf32, #tpu.memory_space<hbm>>
    %dma_wait3A_48 = arith.constant 0 : i32
    %dma_wait3A_49 = tpu.memref_slice %arg2[%shift_right_arithmetic3A_1, %dma_wait3A, %add3A_13, %dma_wait3A_48] : memref<16x1x384x384xf32, #tpu.memory_space<hbm>> -> memref<1x1x32x384xf32, #tpu.memory_space<hbm>>
    %dma_wait3A_50 = tpu.memref_squeeze %dma_wait3A_49 : memref<1x1x32x384xf32, #tpu.memory_space<hbm>> -> memref<32x384xf32, #tpu.memory_space<hbm>>
    tpu.wait_dma2 semaphore(%arg11 : memref<!tpu.dma_semaphore, #tpu.memory_space<semaphore_mem>>) src(%dma_wait3A_50 : memref<32x384xf32, #tpu.memory_space<hbm>>) dst(%arg5 : memref<32x384xf32, #tpu.memory_space<vmem>>)
    %dma_wait3A_51 = arith.constant 0 : i32
    %dma_wait3A_52 = arith.constant 0 : i32
    %dma_wait3A_53 = tpu.memref_slice %arg3[%shift_right_arithmetic3A_1, %dma_wait3A_51, %add3A_13, %dma_wait3A_52] : memref<16x1x384x384xi32, #tpu.memory_space<hbm>> -> memref<1x1x32x384xi32, #tpu.memory_space<hbm>>
    %dma_wait3A_54 = tpu.memref_squeeze %dma_wait3A_53 : memref<1x1x32x384xi32, #tpu.memory_space<hbm>> -> memref<32x384xi32, #tpu.memory_space<hbm>>
    %dma_wait3A_55 = arith.constant 0 : i32
    %dma_wait3A_56 = tpu.memref_slice %arg3[%shift_right_arithmetic3A_1, %dma_wait3A_51, %add3A_13, %dma_wait3A_55] : memref<16x1x384x384xi32, #tpu.memory_space<hbm>> -> memref<1x1x32x384xi32, #tpu.memory_space<hbm>>
    %dma_wait3A_57 = tpu.memref_squeeze %dma_wait3A_56 : memref<1x1x32x384xi32, #tpu.memory_space<hbm>> -> memref<32x384xi32, #tpu.memory_space<hbm>>
    tpu.wait_dma2 semaphore(%arg12 : memref<!tpu.dma_semaphore, #tpu.memory_space<semaphore_mem>>) src(%dma_wait3A_57 : memref<32x384xi32, #tpu.memory_space<hbm>>) dst(%arg6 : memref<32x384xi32, #tpu.memory_space<vmem>>)
    %parallel_loop3A_58 = arith.constant 0 : i32
    %parallel_loop3A_59 = arith.constant 768 : i32
    %parallel_loop3A_60 = arith.constant 1 : i32
    scf.for %parallel_loop3A_213 = %parallel_loop3A_58 to %parallel_loop3A_59 step %parallel_loop3A_60  : i32 {
      %parallel_loop3A_214 = arith.constant 31 : i32
      %parallel_loop3A_215 = arith.andi %parallel_loop3A_213, %parallel_loop3A_214 : i32
      %parallel_loop3A_216 = arith.constant 5 : i32
      %parallel_loop3A_217 = arith.shrsi %parallel_loop3A_213, %parallel_loop3A_216 : i32
      %parallel_loop3A_218 = arith.constant 16 : i32
      %parallel_loop3A_219 = arith.muli %parallel_loop3A_217, %parallel_loop3A_218 : i32
      %parallel_loop3A_220 = arith.index_cast %parallel_loop3A_215 : i32 to index
      %parallel_loop3A_221 = arith.index_cast %parallel_loop3A_219 : i32 to index
      %parallel_loop3A_222 = tpu.vector_load %arg5[%parallel_loop3A_220, %parallel_loop3A_221] {strides = array<i32>} : memref<32x384xf32, #tpu.memory_space<vmem>>, vector<16xf32>,
      %parallel_loop3A_223 = arith.index_cast %parallel_loop3A_215 : i32 to index
      %parallel_loop3A_224 = arith.index_cast %parallel_loop3A_219 : i32 to index
      %parallel_loop3A_225 = tpu.vector_load %arg6[%parallel_loop3A_223, %parallel_loop3A_224] {strides = array<i32>} : memref<32x384xi32, #tpu.memory_space<vmem>>, vector<16xi32>,
      %parallel_loop3A_226 = arith.sitofp %parallel_loop3A_225 : vector<16xi32> to vector<16xf32>
      %parallel_loop3A_227 = arith.subf %parallel_loop3A_222, %parallel_loop3A_226 : vector<16xf32>
      %parallel_loop3A_228 = math.absf %parallel_loop3A_227 : vector<16xf32>
      %parallel_loop3A_229 = arith.constant 1.280000e+02 : f32
      %parallel_loop3A_230 = vector.broadcast %parallel_loop3A_229 : f32 to vector<16xf32>
      %parallel_loop3A_231 = arith.mulf %parallel_loop3A_228, %parallel_loop3A_230 : vector<16xf32>
      %parallel_loop3A_232 = arith.addf %parallel_loop3A_231, %add3A_10 : vector<16xf32>
      %parallel_loop3A_233 = vector.bitcast %parallel_loop3A_232 : vector<16xf32> to vector<16xi32>
      %parallel_loop3A_234 = arith.constant 16383 : i32
      %parallel_loop3A_235 = vector.broadcast %parallel_loop3A_234 : i32 to vector<16xi32>
      %parallel_loop3A_236 = arith.andi %parallel_loop3A_233, %parallel_loop3A_235 : vector<16xi32>
      %parallel_loop3A_237 = arith.constant 8192 : i32
      %parallel_loop3A_238 = vector.broadcast %parallel_loop3A_237 : i32 to vector<16xi32>
      %parallel_loop3A_239 = arith.addi %parallel_loop3A_225, %parallel_loop3A_238 : vector<16xi32>
      tpu.vector_store_idx %arg9[%parallel_loop3A_236], %parallel_loop3A_239 {add = true} : memref<16384xi32, #tpu.memory_space<vmem>>[vector<16xi32>], vector<16xi32>,
    } {sc.loop_unroll_factor = 16 : i64, sc.parallel_access}
    %add3A_61 = arith.constant 64 : i32
    %add3A_62 = arith.addi %mul3A_4, %add3A_61 : i32
    %dma_start3A_63 = arith.constant 0 : i32
    %dma_start3A_64 = arith.constant 0 : i32
    %dma_start3A_65 = tpu.memref_slice %arg2[%shift_right_arithmetic3A_1, %dma_start3A_63, %add3A_62, %dma_start3A_64] : memref<16x1x384x384xf32, #tpu.memory_space<hbm>> -> memref<1x1x32x384xf32, #tpu.memory_space<hbm>>
    %dma_start3A_66 = tpu.memref_squeeze %dma_start3A_65 : memref<1x1x32x384xf32, #tpu.memory_space<hbm>> -> memref<32x384xf32, #tpu.memory_space<hbm>>
    %dma_start3A_67 = arith.constant 0 : i32
    %dma_start3A_68 = tpu.memref_slice %arg2[%shift_right_arithmetic3A_1, %dma_start3A_63, %add3A_62, %dma_start3A_67] : memref<16x1x384x384xf32, #tpu.memory_space<hbm>> -> memref<1x1x32x384xf32, #tpu.memory_space<hbm>>
    %dma_start3A_69 = tpu.memref_squeeze %dma_start3A_68 : memref<1x1x32x384xf32, #tpu.memory_space<hbm>> -> memref<32x384xf32, #tpu.memory_space<hbm>>
    tpu.enqueue_dma source(%dma_start3A_69 : memref<32x384xf32, #tpu.memory_space<hbm>>) target(%arg5 : memref<32x384xf32, #tpu.memory_space<vmem>>) target_semaphore(%arg11 : memref<!tpu.dma_semaphore, #tpu.memory_space<semaphore_mem>>)
    %dma_start3A_70 = arith.constant 0 : i32
    %dma_start3A_71 = arith.constant 0 : i32
    %dma_start3A_72 = tpu.memref_slice %arg3[%shift_right_arithmetic3A_1, %dma_start3A_70, %add3A_62, %dma_start3A_71] : memref<16x1x384x384xi32, #tpu.memory_space<hbm>> -> memref<1x1x32x384xi32, #tpu.memory_space<hbm>>
    %dma_start3A_73 = tpu.memref_squeeze %dma_start3A_72 : memref<1x1x32x384xi32, #tpu.memory_space<hbm>> -> memref<32x384xi32, #tpu.memory_space<hbm>>
    %dma_start3A_74 = arith.constant 0 : i32
    %dma_start3A_75 = tpu.memref_slice %arg3[%shift_right_arithmetic3A_1, %dma_start3A_70, %add3A_62, %dma_start3A_74] : memref<16x1x384x384xi32, #tpu.memory_space<hbm>> -> memref<1x1x32x384xi32, #tpu.memory_space<hbm>>
    %dma_start3A_76 = tpu.memref_squeeze %dma_start3A_75 : memref<1x1x32x384xi32, #tpu.memory_space<hbm>> -> memref<32x384xi32, #tpu.memory_space<hbm>>
    tpu.enqueue_dma source(%dma_start3A_76 : memref<32x384xi32, #tpu.memory_space<hbm>>) target(%arg6 : memref<32x384xi32, #tpu.memory_space<vmem>>) target_semaphore(%arg12 : memref<!tpu.dma_semaphore, #tpu.memory_space<semaphore_mem>>)
    %dma_wait3A_77 = arith.constant 0 : i32
    %dma_wait3A_78 = arith.constant 0 : i32
    %dma_wait3A_79 = tpu.memref_slice %arg2[%shift_right_arithmetic3A_1, %dma_wait3A_77, %add3A_30, %dma_wait3A_78] : memref<16x1x384x384xf32, #tpu.memory_space<hbm>> -> memref<1x1x32x384xf32, #tpu.memory_space<hbm>>
    %dma_wait3A_80 = tpu.memref_squeeze %dma_wait3A_79 : memref<1x1x32x384xf32, #tpu.memory_space<hbm>> -> memref<32x384xf32, #tpu.memory_space<hbm>>
    %dma_wait3A_81 = arith.constant 0 : i32
    %dma_wait3A_82 = tpu.memref_slice %arg2[%shift_right_arithmetic3A_1, %dma_wait3A_77, %add3A_30, %dma_wait3A_81] : memref<16x1x384x384xf32, #tpu.memory_space<hbm>> -> memref<1x1x32x384xf32, #tpu.memory_space<hbm>>
    %dma_wait3A_83 = tpu.memref_squeeze %dma_wait3A_82 : memref<1x1x32x384xf32, #tpu.memory_space<hbm>> -> memref<32x384xf32, #tpu.memory_space<hbm>>
    tpu.wait_dma2 semaphore(%arg13 : memref<!tpu.dma_semaphore, #tpu.memory_space<semaphore_mem>>) src(%dma_wait3A_83 : memref<32x384xf32, #tpu.memory_space<hbm>>) dst(%arg7 : memref<32x384xf32, #tpu.memory_space<vmem>>)
    %dma_wait3A_84 = arith.constant 0 : i32
    %dma_wait3A_85 = arith.constant 0 : i32
    %dma_wait3A_86 = tpu.memref_slice %arg3[%shift_right_arithmetic3A_1, %dma_wait3A_84, %add3A_30, %dma_wait3A_85] : memref<16x1x384x384xi32, #tpu.memory_space<hbm>> -> memref<1x1x32x384xi32, #tpu.memory_space<hbm>>
    %dma_wait3A_87 = tpu.memref_squeeze %dma_wait3A_86 : memref<1x1x32x384xi32, #tpu.memory_space<hbm>> -> memref<32x384xi32, #tpu.memory_space<hbm>>
    %dma_wait3A_88 = arith.constant 0 : i32
    %dma_wait3A_89 = tpu.memref_slice %arg3[%shift_right_arithmetic3A_1, %dma_wait3A_84, %add3A_30, %dma_wait3A_88] : memref<16x1x384x384xi32, #tpu.memory_space<hbm>> -> memref<1x1x32x384xi32, #tpu.memory_space<hbm>>
    %dma_wait3A_90 = tpu.memref_squeeze %dma_wait3A_89 : memref<1x1x32x384xi32, #tpu.memory_space<hbm>> -> memref<32x384xi32, #tpu.memory_space<hbm>>
    tpu.wait_dma2 semaphore(%arg14 : memref<!tpu.dma_semaphore, #tpu.memory_space<semaphore_mem>>) src(%dma_wait3A_90 : memref<32x384xi32, #tpu.memory_space<hbm>>) dst(%arg8 : memref<32x384xi32, #tpu.memory_space<vmem>>)
    %parallel_loop3A_91 = arith.constant 0 : i32
    %parallel_loop3A_92 = arith.constant 768 : i32
    %parallel_loop3A_93 = arith.constant 1 : i32
    scf.for %parallel_loop3A_213 = %parallel_loop3A_91 to %parallel_loop3A_92 step %parallel_loop3A_93  : i32 {
      %parallel_loop3A_214 = arith.constant 31 : i32
      %parallel_loop3A_215 = arith.andi %parallel_loop3A_213, %parallel_loop3A_214 : i32
      %parallel_loop3A_216 = arith.constant 5 : i32
      %parallel_loop3A_217 = arith.shrsi %parallel_loop3A_213, %parallel_loop3A_216 : i32
      %parallel_loop3A_218 = arith.constant 16 : i32
      %parallel_loop3A_219 = arith.muli %parallel_loop3A_217, %parallel_loop3A_218 : i32
      %parallel_loop3A_220 = arith.index_cast %parallel_loop3A_215 : i32 to index
      %parallel_loop3A_221 = arith.index_cast %parallel_loop3A_219 : i32 to index
      %parallel_loop3A_222 = tpu.vector_load %arg7[%parallel_loop3A_220, %parallel_loop3A_221] {strides = array<i32>} : memref<32x384xf32, #tpu.memory_space<vmem>>, vector<16xf32>,
      %parallel_loop3A_223 = arith.index_cast %parallel_loop3A_215 : i32 to index
      %parallel_loop3A_224 = arith.index_cast %parallel_loop3A_219 : i32 to index
      %parallel_loop3A_225 = tpu.vector_load %arg8[%parallel_loop3A_223, %parallel_loop3A_224] {strides = array<i32>} : memref<32x384xi32, #tpu.memory_space<vmem>>, vector<16xi32>,
      %parallel_loop3A_226 = arith.sitofp %parallel_loop3A_225 : vector<16xi32> to vector<16xf32>
      %parallel_loop3A_227 = arith.subf %parallel_loop3A_222, %parallel_loop3A_226 : vector<16xf32>
      %parallel_loop3A_228 = math.absf %parallel_loop3A_227 : vector<16xf32>
      %parallel_loop3A_229 = arith.constant 1.280000e+02 : f32
      %parallel_loop3A_230 = vector.broadcast %parallel_loop3A_229 : f32 to vector<16xf32>
      %parallel_loop3A_231 = arith.mulf %parallel_loop3A_228, %parallel_loop3A_230 : vector<16xf32>
      %parallel_loop3A_232 = arith.addf %parallel_loop3A_231, %add3A_10 : vector<16xf32>
      %parallel_loop3A_233 = vector.bitcast %parallel_loop3A_232 : vector<16xf32> to vector<16xi32>
      %parallel_loop3A_234 = arith.constant 16383 : i32
      %parallel_loop3A_235 = vector.broadcast %parallel_loop3A_234 : i32 to vector<16xi32>
      %parallel_loop3A_236 = arith.andi %parallel_loop3A_233, %parallel_loop3A_235 : vector<16xi32>
      %parallel_loop3A_237 = arith.constant 8192 : i32
      %parallel_loop3A_238 = vector.broadcast %parallel_loop3A_237 : i32 to vector<16xi32>
      %parallel_loop3A_239 = arith.addi %parallel_loop3A_225, %parallel_loop3A_238 : vector<16xi32>
      tpu.vector_store_idx %arg9[%parallel_loop3A_236], %parallel_loop3A_239 {add = true} : memref<16384xi32, #tpu.memory_space<vmem>>[vector<16xi32>], vector<16xi32>,
    } {sc.loop_unroll_factor = 16 : i64, sc.parallel_access}
    %add3A_94 = arith.constant 96 : i32
    %add3A_95 = arith.addi %mul3A_4, %add3A_94 : i32
    %dma_start3A_96 = arith.constant 0 : i32
    %dma_start3A_97 = arith.constant 0 : i32
    %dma_start3A_98 = tpu.memref_slice %arg2[%shift_right_arithmetic3A_1, %dma_start3A_96, %add3A_95, %dma_start3A_97] : memref<16x1x384x384xf32, #tpu.memory_space<hbm>> -> memref<1x1x32x384xf32, #tpu.memory_space<hbm>>
    %dma_start3A_99 = tpu.memref_squeeze %dma_start3A_98 : memref<1x1x32x384xf32, #tpu.memory_space<hbm>> -> memref<32x384xf32, #tpu.memory_space<hbm>>
    %dma_start3A_100 = arith.constant 0 : i32
    %dma_start3A_101 = tpu.memref_slice %arg2[%shift_right_arithmetic3A_1, %dma_start3A_96, %add3A_95, %dma_start3A_100] : memref<16x1x384x384xf32, #tpu.memory_space<hbm>> -> memref<1x1x32x384xf32, #tpu.memory_space<hbm>>
    %dma_start3A_102 = tpu.memref_squeeze %dma_start3A_101 : memref<1x1x32x384xf32, #tpu.memory_space<hbm>> -> memref<32x384xf32, #tpu.memory_space<hbm>>
    tpu.enqueue_dma source(%dma_start3A_102 : memref<32x384xf32, #tpu.memory_space<hbm>>) target(%arg7 : memref<32x384xf32, #tpu.memory_space<vmem>>) target_semaphore(%arg13 : memref<!tpu.dma_semaphore, #tpu.memory_space<semaphore_mem>>)
    %dma_start3A_103 = arith.constant 0 : i32
    %dma_start3A_104 = arith.constant 0 : i32
    %dma_start3A_105 = tpu.memref_slice %arg3[%shift_right_arithmetic3A_1, %dma_start3A_103, %add3A_95, %dma_start3A_104] : memref<16x1x384x384xi32, #tpu.memory_space<hbm>> -> memref<1x1x32x384xi32, #tpu.memory_space<hbm>>
    %dma_start3A_106 = tpu.memref_squeeze %dma_start3A_105 : memref<1x1x32x384xi32, #tpu.memory_space<hbm>> -> memref<32x384xi32, #tpu.memory_space<hbm>>
    %dma_start3A_107 = arith.constant 0 : i32
    %dma_start3A_108 = tpu.memref_slice %arg3[%shift_right_arithmetic3A_1, %dma_start3A_103, %add3A_95, %dma_start3A_107] : memref<16x1x384x384xi32, #tpu.memory_space<hbm>> -> memref<1x1x32x384xi32, #tpu.memory_space<hbm>>
    %dma_start3A_109 = tpu.memref_squeeze %dma_start3A_108 : memref<1x1x32x384xi32, #tpu.memory_space<hbm>> -> memref<32x384xi32, #tpu.memory_space<hbm>>
    tpu.enqueue_dma source(%dma_start3A_109 : memref<32x384xi32, #tpu.memory_space<hbm>>) target(%arg8 : memref<32x384xi32, #tpu.memory_space<vmem>>) target_semaphore(%arg14 : memref<!tpu.dma_semaphore, #tpu.memory_space<semaphore_mem>>)
    %dma_wait3A_110 = arith.constant 0 : i32
    %dma_wait3A_111 = arith.constant 0 : i32
    %dma_wait3A_112 = tpu.memref_slice %arg2[%shift_right_arithmetic3A_1, %dma_wait3A_110, %add3A_62, %dma_wait3A_111] : memref<16x1x384x384xf32, #tpu.memory_space<hbm>> -> memref<1x1x32x384xf32, #tpu.memory_space<hbm>>
    %dma_wait3A_113 = tpu.memref_squeeze %dma_wait3A_112 : memref<1x1x32x384xf32, #tpu.memory_space<hbm>> -> memref<32x384xf32, #tpu.memory_space<hbm>>
    %dma_wait3A_114 = arith.constant 0 : i32
    %dma_wait3A_115 = tpu.memref_slice %arg2[%shift_right_arithmetic3A_1, %dma_wait3A_110, %add3A_62, %dma_wait3A_114] : memref<16x1x384x384xf32, #tpu.memory_space<hbm>> -> memref<1x1x32x384xf32, #tpu.memory_space<hbm>>
    %dma_wait3A_116 = tpu.memref_squeeze %dma_wait3A_115 : memref<1x1x32x384xf32, #tpu.memory_space<hbm>> -> memref<32x384xf32, #tpu.memory_space<hbm>>
    tpu.wait_dma2 semaphore(%arg11 : memref<!tpu.dma_semaphore, #tpu.memory_space<semaphore_mem>>) src(%dma_wait3A_116 : memref<32x384xf32, #tpu.memory_space<hbm>>) dst(%arg5 : memref<32x384xf32, #tpu.memory_space<vmem>>)
    %dma_wait3A_117 = arith.constant 0 : i32
    %dma_wait3A_118 = arith.constant 0 : i32
    %dma_wait3A_119 = tpu.memref_slice %arg3[%shift_right_arithmetic3A_1, %dma_wait3A_117, %add3A_62, %dma_wait3A_118] : memref<16x1x384x384xi32, #tpu.memory_space<hbm>> -> memref<1x1x32x384xi32, #tpu.memory_space<hbm>>
    %dma_wait3A_120 = tpu.memref_squeeze %dma_wait3A_119 : memref<1x1x32x384xi32, #tpu.memory_space<hbm>> -> memref<32x384xi32, #tpu.memory_space<hbm>>
    %dma_wait3A_121 = arith.constant 0 : i32
    %dma_wait3A_122 = tpu.memref_slice %arg3[%shift_right_arithmetic3A_1, %dma_wait3A_117, %add3A_62, %dma_wait3A_121] : memref<16x1x384x384xi32, #tpu.memory_space<hbm>> -> memref<1x1x32x384xi32, #tpu.memory_space<hbm>>
    %dma_wait3A_123 = tpu.memref_squeeze %dma_wait3A_122 : memref<1x1x32x384xi32, #tpu.memory_space<hbm>> -> memref<32x384xi32, #tpu.memory_space<hbm>>
    tpu.wait_dma2 semaphore(%arg12 : memref<!tpu.dma_semaphore, #tpu.memory_space<semaphore_mem>>) src(%dma_wait3A_123 : memref<32x384xi32, #tpu.memory_space<hbm>>) dst(%arg6 : memref<32x384xi32, #tpu.memory_space<vmem>>)
    %parallel_loop3A_124 = arith.constant 0 : i32
    %parallel_loop3A_125 = arith.constant 768 : i32
    %parallel_loop3A_126 = arith.constant 1 : i32
    scf.for %parallel_loop3A_213 = %parallel_loop3A_124 to %parallel_loop3A_125 step %parallel_loop3A_126  : i32 {
      %parallel_loop3A_214 = arith.constant 31 : i32
      %parallel_loop3A_215 = arith.andi %parallel_loop3A_213, %parallel_loop3A_214 : i32
      %parallel_loop3A_216 = arith.constant 5 : i32
      %parallel_loop3A_217 = arith.shrsi %parallel_loop3A_213, %parallel_loop3A_216 : i32
      %parallel_loop3A_218 = arith.constant 16 : i32
      %parallel_loop3A_219 = arith.muli %parallel_loop3A_217, %parallel_loop3A_218 : i32
      %parallel_loop3A_220 = arith.index_cast %parallel_loop3A_215 : i32 to index
      %parallel_loop3A_221 = arith.index_cast %parallel_loop3A_219 : i32 to index
      %parallel_loop3A_222 = tpu.vector_load %arg5[%parallel_loop3A_220, %parallel_loop3A_221] {strides = array<i32>} : memref<32x384xf32, #tpu.memory_space<vmem>>, vector<16xf32>,
      %parallel_loop3A_223 = arith.index_cast %parallel_loop3A_215 : i32 to index
      %parallel_loop3A_224 = arith.index_cast %parallel_loop3A_219 : i32 to index
      %parallel_loop3A_225 = tpu.vector_load %arg6[%parallel_loop3A_223, %parallel_loop3A_224] {strides = array<i32>} : memref<32x384xi32, #tpu.memory_space<vmem>>, vector<16xi32>,
      %parallel_loop3A_226 = arith.sitofp %parallel_loop3A_225 : vector<16xi32> to vector<16xf32>
      %parallel_loop3A_227 = arith.subf %parallel_loop3A_222, %parallel_loop3A_226 : vector<16xf32>
      %parallel_loop3A_228 = math.absf %parallel_loop3A_227 : vector<16xf32>
      %parallel_loop3A_229 = arith.constant 1.280000e+02 : f32
      %parallel_loop3A_230 = vector.broadcast %parallel_loop3A_229 : f32 to vector<16xf32>
      %parallel_loop3A_231 = arith.mulf %parallel_loop3A_228, %parallel_loop3A_230 : vector<16xf32>
      %parallel_loop3A_232 = arith.addf %parallel_loop3A_231, %add3A_10 : vector<16xf32>
      %parallel_loop3A_233 = vector.bitcast %parallel_loop3A_232 : vector<16xf32> to vector<16xi32>
      %parallel_loop3A_234 = arith.constant 16383 : i32
      %parallel_loop3A_235 = vector.broadcast %parallel_loop3A_234 : i32 to vector<16xi32>
      %parallel_loop3A_236 = arith.andi %parallel_loop3A_233, %parallel_loop3A_235 : vector<16xi32>
      %parallel_loop3A_237 = arith.constant 8192 : i32
      %parallel_loop3A_238 = vector.broadcast %parallel_loop3A_237 : i32 to vector<16xi32>
      %parallel_loop3A_239 = arith.addi %parallel_loop3A_225, %parallel_loop3A_238 : vector<16xi32>
      tpu.vector_store_idx %arg9[%parallel_loop3A_236], %parallel_loop3A_239 {add = true} : memref<16384xi32, #tpu.memory_space<vmem>>[vector<16xi32>], vector<16xi32>,
    } {sc.loop_unroll_factor = 16 : i64, sc.parallel_access}
    %add3A_127 = arith.constant 128 : i32
    %add3A_128 = arith.addi %mul3A_4, %add3A_127 : i32
    %dma_start3A_129 = arith.constant 0 : i32
    %dma_start3A_130 = arith.constant 0 : i32
    %dma_start3A_131 = tpu.memref_slice %arg2[%shift_right_arithmetic3A_1, %dma_start3A_129, %add3A_128, %dma_start3A_130] : memref<16x1x384x384xf32, #tpu.memory_space<hbm>> -> memref<1x1x32x384xf32, #tpu.memory_space<hbm>>
    %dma_start3A_132 = tpu.memref_squeeze %dma_start3A_131 : memref<1x1x32x384xf32, #tpu.memory_space<hbm>> -> memref<32x384xf32, #tpu.memory_space<hbm>>
    %dma_start3A_133 = arith.constant 0 : i32
    %dma_start3A_134 = tpu.memref_slice %arg2[%shift_right_arithmetic3A_1, %dma_start3A_129, %add3A_128, %dma_start3A_133] : memref<16x1x384x384xf32, #tpu.memory_space<hbm>> -> memref<1x1x32x384xf32, #tpu.memory_space<hbm>>
    %dma_start3A_135 = tpu.memref_squeeze %dma_start3A_134 : memref<1x1x32x384xf32, #tpu.memory_space<hbm>> -> memref<32x384xf32, #tpu.memory_space<hbm>>
    tpu.enqueue_dma source(%dma_start3A_135 : memref<32x384xf32, #tpu.memory_space<hbm>>) target(%arg5 : memref<32x384xf32, #tpu.memory_space<vmem>>) target_semaphore(%arg11 : memref<!tpu.dma_semaphore, #tpu.memory_space<semaphore_mem>>)
    %dma_start3A_136 = arith.constant 0 : i32
    %dma_start3A_137 = arith.constant 0 : i32
    %dma_start3A_138 = tpu.memref_slice %arg3[%shift_right_arithmetic3A_1, %dma_start3A_136, %add3A_128, %dma_start3A_137] : memref<16x1x384x384xi32, #tpu.memory_space<hbm>> -> memref<1x1x32x384xi32, #tpu.memory_space<hbm>>
    %dma_start3A_139 = tpu.memref_squeeze %dma_start3A_138 : memref<1x1x32x384xi32, #tpu.memory_space<hbm>> -> memref<32x384xi32, #tpu.memory_space<hbm>>
    %dma_start3A_140 = arith.constant 0 : i32
    %dma_start3A_141 = tpu.memref_slice %arg3[%shift_right_arithmetic3A_1, %dma_start3A_136, %add3A_128, %dma_start3A_140] : memref<16x1x384x384xi32, #tpu.memory_space<hbm>> -> memref<1x1x32x384xi32, #tpu.memory_space<hbm>>
    %dma_start3A_142 = tpu.memref_squeeze %dma_start3A_141 : memref<1x1x32x384xi32, #tpu.memory_space<hbm>> -> memref<32x384xi32, #tpu.memory_space<hbm>>
    tpu.enqueue_dma source(%dma_start3A_142 : memref<32x384xi32, #tpu.memory_space<hbm>>) target(%arg6 : memref<32x384xi32, #tpu.memory_space<vmem>>) target_semaphore(%arg12 : memref<!tpu.dma_semaphore, #tpu.memory_space<semaphore_mem>>)
    %dma_wait3A_143 = arith.constant 0 : i32
    %dma_wait3A_144 = arith.constant 0 : i32
    %dma_wait3A_145 = tpu.memref_slice %arg2[%shift_right_arithmetic3A_1, %dma_wait3A_143, %add3A_95, %dma_wait3A_144] : memref<16x1x384x384xf32, #tpu.memory_space<hbm>> -> memref<1x1x32x384xf32, #tpu.memory_space<hbm>>
    %dma_wait3A_146 = tpu.memref_squeeze %dma_wait3A_145 : memref<1x1x32x384xf32, #tpu.memory_space<hbm>> -> memref<32x384xf32, #tpu.memory_space<hbm>>
    %dma_wait3A_147 = arith.constant 0 : i32
    %dma_wait3A_148 = tpu.memref_slice %arg2[%shift_right_arithmetic3A_1, %dma_wait3A_143, %add3A_95, %dma_wait3A_147] : memref<16x1x384x384xf32, #tpu.memory_space<hbm>> -> memref<1x1x32x384xf32, #tpu.memory_space<hbm>>
    %dma_wait3A_149 = tpu.memref_squeeze %dma_wait3A_148 : memref<1x1x32x384xf32, #tpu.memory_space<hbm>> -> memref<32x384xf32, #tpu.memory_space<hbm>>
    tpu.wait_dma2 semaphore(%arg13 : memref<!tpu.dma_semaphore, #tpu.memory_space<semaphore_mem>>) src(%dma_wait3A_149 : memref<32x384xf32, #tpu.memory_space<hbm>>) dst(%arg7 : memref<32x384xf32, #tpu.memory_space<vmem>>)
    %dma_wait3A_150 = arith.constant 0 : i32
    %dma_wait3A_151 = arith.constant 0 : i32
    %dma_wait3A_152 = tpu.memref_slice %arg3[%shift_right_arithmetic3A_1, %dma_wait3A_150, %add3A_95, %dma_wait3A_151] : memref<16x1x384x384xi32, #tpu.memory_space<hbm>> -> memref<1x1x32x384xi32, #tpu.memory_space<hbm>>
    %dma_wait3A_153 = tpu.memref_squeeze %dma_wait3A_152 : memref<1x1x32x384xi32, #tpu.memory_space<hbm>> -> memref<32x384xi32, #tpu.memory_space<hbm>>
    %dma_wait3A_154 = arith.constant 0 : i32
    %dma_wait3A_155 = tpu.memref_slice %arg3[%shift_right_arithmetic3A_1, %dma_wait3A_150, %add3A_95, %dma_wait3A_154] : memref<16x1x384x384xi32, #tpu.memory_space<hbm>> -> memref<1x1x32x384xi32, #tpu.memory_space<hbm>>
    %dma_wait3A_156 = tpu.memref_squeeze %dma_wait3A_155 : memref<1x1x32x384xi32, #tpu.memory_space<hbm>> -> memref<32x384xi32, #tpu.memory_space<hbm>>
    tpu.wait_dma2 semaphore(%arg14 : memref<!tpu.dma_semaphore, #tpu.memory_space<semaphore_mem>>) src(%dma_wait3A_156 : memref<32x384xi32, #tpu.memory_space<hbm>>) dst(%arg8 : memref<32x384xi32, #tpu.memory_space<vmem>>)
    %parallel_loop3A_157 = arith.constant 0 : i32
    %parallel_loop3A_158 = arith.constant 768 : i32
    %parallel_loop3A_159 = arith.constant 1 : i32
    scf.for %parallel_loop3A_213 = %parallel_loop3A_157 to %parallel_loop3A_158 step %parallel_loop3A_159  : i32 {
      %parallel_loop3A_214 = arith.constant 31 : i32
      %parallel_loop3A_215 = arith.andi %parallel_loop3A_213, %parallel_loop3A_214 : i32
      %parallel_loop3A_216 = arith.constant 5 : i32
      %parallel_loop3A_217 = arith.shrsi %parallel_loop3A_213, %parallel_loop3A_216 : i32
      %parallel_loop3A_218 = arith.constant 16 : i32
      %parallel_loop3A_219 = arith.muli %parallel_loop3A_217, %parallel_loop3A_218 : i32
      %parallel_loop3A_220 = arith.index_cast %parallel_loop3A_215 : i32 to index
      %parallel_loop3A_221 = arith.index_cast %parallel_loop3A_219 : i32 to index
      %parallel_loop3A_222 = tpu.vector_load %arg7[%parallel_loop3A_220, %parallel_loop3A_221] {strides = array<i32>} : memref<32x384xf32, #tpu.memory_space<vmem>>, vector<16xf32>,
      %parallel_loop3A_223 = arith.index_cast %parallel_loop3A_215 : i32 to index
      %parallel_loop3A_224 = arith.index_cast %parallel_loop3A_219 : i32 to index
      %parallel_loop3A_225 = tpu.vector_load %arg8[%parallel_loop3A_223, %parallel_loop3A_224] {strides = array<i32>} : memref<32x384xi32, #tpu.memory_space<vmem>>, vector<16xi32>,
      %parallel_loop3A_226 = arith.sitofp %parallel_loop3A_225 : vector<16xi32> to vector<16xf32>
      %parallel_loop3A_227 = arith.subf %parallel_loop3A_222, %parallel_loop3A_226 : vector<16xf32>
      %parallel_loop3A_228 = math.absf %parallel_loop3A_227 : vector<16xf32>
      %parallel_loop3A_229 = arith.constant 1.280000e+02 : f32
      %parallel_loop3A_230 = vector.broadcast %parallel_loop3A_229 : f32 to vector<16xf32>
      %parallel_loop3A_231 = arith.mulf %parallel_loop3A_228, %parallel_loop3A_230 : vector<16xf32>
      %parallel_loop3A_232 = arith.addf %parallel_loop3A_231, %add3A_10 : vector<16xf32>
      %parallel_loop3A_233 = vector.bitcast %parallel_loop3A_232 : vector<16xf32> to vector<16xi32>
      %parallel_loop3A_234 = arith.constant 16383 : i32
      %parallel_loop3A_235 = vector.broadcast %parallel_loop3A_234 : i32 to vector<16xi32>
      %parallel_loop3A_236 = arith.andi %parallel_loop3A_233, %parallel_loop3A_235 : vector<16xi32>
      %parallel_loop3A_237 = arith.constant 8192 : i32
      %parallel_loop3A_238 = vector.broadcast %parallel_loop3A_237 : i32 to vector<16xi32>
      %parallel_loop3A_239 = arith.addi %parallel_loop3A_225, %parallel_loop3A_238 : vector<16xi32>
      tpu.vector_store_idx %arg9[%parallel_loop3A_236], %parallel_loop3A_239 {add = true} : memref<16384xi32, #tpu.memory_space<vmem>>[vector<16xi32>], vector<16xi32>,
    } {sc.loop_unroll_factor = 16 : i64, sc.parallel_access}
    %add3A_160 = arith.constant 160 : i32
    %add3A_161 = arith.addi %mul3A_4, %add3A_160 : i32
    %dma_start3A_162 = arith.constant 0 : i32
    %dma_start3A_163 = arith.constant 0 : i32
    %dma_start3A_164 = tpu.memref_slice %arg2[%shift_right_arithmetic3A_1, %dma_start3A_162, %add3A_161, %dma_start3A_163] : memref<16x1x384x384xf32, #tpu.memory_space<hbm>> -> memref<1x1x32x384xf32, #tpu.memory_space<hbm>>
    %dma_start3A_165 = tpu.memref_squeeze %dma_start3A_164 : memref<1x1x32x384xf32, #tpu.memory_space<hbm>> -> memref<32x384xf32, #tpu.memory_space<hbm>>
    %dma_start3A_166 = arith.constant 0 : i32
    %dma_start3A_167 = tpu.memref_slice %arg2[%shift_right_arithmetic3A_1, %dma_start3A_162, %add3A_161, %dma_start3A_166] : memref<16x1x384x384xf32, #tpu.memory_space<hbm>> -> memref<1x1x32x384xf32, #tpu.memory_space<hbm>>
    %dma_start3A_168 = tpu.memref_squeeze %dma_start3A_167 : memref<1x1x32x384xf32, #tpu.memory_space<hbm>> -> memref<32x384xf32, #tpu.memory_space<hbm>>
    tpu.enqueue_dma source(%dma_start3A_168 : memref<32x384xf32, #tpu.memory_space<hbm>>) target(%arg7 : memref<32x384xf32, #tpu.memory_space<vmem>>) target_semaphore(%arg13 : memref<!tpu.dma_semaphore, #tpu.memory_space<semaphore_mem>>)
    %dma_start3A_169 = arith.constant 0 : i32
    %dma_start3A_170 = arith.constant 0 : i32
    %dma_start3A_171 = tpu.memref_slice %arg3[%shift_right_arithmetic3A_1, %dma_start3A_169, %add3A_161, %dma_start3A_170] : memref<16x1x384x384xi32, #tpu.memory_space<hbm>> -> memref<1x1x32x384xi32, #tpu.memory_space<hbm>>
    %dma_start3A_172 = tpu.memref_squeeze %dma_start3A_171 : memref<1x1x32x384xi32, #tpu.memory_space<hbm>> -> memref<32x384xi32, #tpu.memory_space<hbm>>
    %dma_start3A_173 = arith.constant 0 : i32
    %dma_start3A_174 = tpu.memref_slice %arg3[%shift_right_arithmetic3A_1, %dma_start3A_169, %add3A_161, %dma_start3A_173] : memref<16x1x384x384xi32, #tpu.memory_space<hbm>> -> memref<1x1x32x384xi32, #tpu.memory_space<hbm>>
    %dma_start3A_175 = tpu.memref_squeeze %dma_start3A_174 : memref<1x1x32x384xi32, #tpu.memory_space<hbm>> -> memref<32x384xi32, #tpu.memory_space<hbm>>
    tpu.enqueue_dma source(%dma_start3A_175 : memref<32x384xi32, #tpu.memory_space<hbm>>) target(%arg8 : memref<32x384xi32, #tpu.memory_space<vmem>>) target_semaphore(%arg14 : memref<!tpu.dma_semaphore, #tpu.memory_space<semaphore_mem>>)
    %dma_wait3A_176 = arith.constant 0 : i32
    %dma_wait3A_177 = arith.constant 0 : i32
    %dma_wait3A_178 = tpu.memref_slice %arg2[%shift_right_arithmetic3A_1, %dma_wait3A_176, %add3A_128, %dma_wait3A_177] : memref<16x1x384x384xf32, #tpu.memory_space<hbm>> -> memref<1x1x32x384xf32, #tpu.memory_space<hbm>>
    %dma_wait3A_179 = tpu.memref_squeeze %dma_wait3A_178 : memref<1x1x32x384xf32, #tpu.memory_space<hbm>> -> memref<32x384xf32, #tpu.memory_space<hbm>>
    %dma_wait3A_180 = arith.constant 0 : i32
    %dma_wait3A_181 = tpu.memref_slice %arg2[%shift_right_arithmetic3A_1, %dma_wait3A_176, %add3A_128, %dma_wait3A_180] : memref<16x1x384x384xf32, #tpu.memory_space<hbm>> -> memref<1x1x32x384xf32, #tpu.memory_space<hbm>>
    %dma_wait3A_182 = tpu.memref_squeeze %dma_wait3A_181 : memref<1x1x32x384xf32, #tpu.memory_space<hbm>> -> memref<32x384xf32, #tpu.memory_space<hbm>>
    tpu.wait_dma2 semaphore(%arg11 : memref<!tpu.dma_semaphore, #tpu.memory_space<semaphore_mem>>) src(%dma_wait3A_182 : memref<32x384xf32, #tpu.memory_space<hbm>>) dst(%arg5 : memref<32x384xf32, #tpu.memory_space<vmem>>)
    %dma_wait3A_183 = arith.constant 0 : i32
    %dma_wait3A_184 = arith.constant 0 : i32
    %dma_wait3A_185 = tpu.memref_slice %arg3[%shift_right_arithmetic3A_1, %dma_wait3A_183, %add3A_128, %dma_wait3A_184] : memref<16x1x384x384xi32, #tpu.memory_space<hbm>> -> memref<1x1x32x384xi32, #tpu.memory_space<hbm>>
    %dma_wait3A_186 = tpu.memref_squeeze %dma_wait3A_185 : memref<1x1x32x384xi32, #tpu.memory_space<hbm>> -> memref<32x384xi32, #tpu.memory_space<hbm>>
    %dma_wait3A_187 = arith.constant 0 : i32
    %dma_wait3A_188 = tpu.memref_slice %arg3[%shift_right_arithmetic3A_1, %dma_wait3A_183, %add3A_128, %dma_wait3A_187] : memref<16x1x384x384xi32, #tpu.memory_space<hbm>> -> memref<1x1x32x384xi32, #tpu.memory_space<hbm>>
    %dma_wait3A_189 = tpu.memref_squeeze %dma_wait3A_188 : memref<1x1x32x384xi32, #tpu.memory_space<hbm>> -> memref<32x384xi32, #tpu.memory_space<hbm>>
    tpu.wait_dma2 semaphore(%arg12 : memref<!tpu.dma_semaphore, #tpu.memory_space<semaphore_mem>>) src(%dma_wait3A_189 : memref<32x384xi32, #tpu.memory_space<hbm>>) dst(%arg6 : memref<32x384xi32, #tpu.memory_space<vmem>>)
    %parallel_loop3A_190 = arith.constant 0 : i32
    %parallel_loop3A_191 = arith.constant 768 : i32
    %parallel_loop3A_192 = arith.constant 1 : i32
    scf.for %parallel_loop3A_213 = %parallel_loop3A_190 to %parallel_loop3A_191 step %parallel_loop3A_192  : i32 {
      %parallel_loop3A_214 = arith.constant 31 : i32
      %parallel_loop3A_215 = arith.andi %parallel_loop3A_213, %parallel_loop3A_214 : i32
      %parallel_loop3A_216 = arith.constant 5 : i32
      %parallel_loop3A_217 = arith.shrsi %parallel_loop3A_213, %parallel_loop3A_216 : i32
      %parallel_loop3A_218 = arith.constant 16 : i32
      %parallel_loop3A_219 = arith.muli %parallel_loop3A_217, %parallel_loop3A_218 : i32
      %parallel_loop3A_220 = arith.index_cast %parallel_loop3A_215 : i32 to index
      %parallel_loop3A_221 = arith.index_cast %parallel_loop3A_219 : i32 to index
      %parallel_loop3A_222 = tpu.vector_load %arg5[%parallel_loop3A_220, %parallel_loop3A_221] {strides = array<i32>} : memref<32x384xf32, #tpu.memory_space<vmem>>, vector<16xf32>,
      %parallel_loop3A_223 = arith.index_cast %parallel_loop3A_215 : i32 to index
      %parallel_loop3A_224 = arith.index_cast %parallel_loop3A_219 : i32 to index
      %parallel_loop3A_225 = tpu.vector_load %arg6[%parallel_loop3A_223, %parallel_loop3A_224] {strides = array<i32>} : memref<32x384xi32, #tpu.memory_space<vmem>>, vector<16xi32>,
      %parallel_loop3A_226 = arith.sitofp %parallel_loop3A_225 : vector<16xi32> to vector<16xf32>
      %parallel_loop3A_227 = arith.subf %parallel_loop3A_222, %parallel_loop3A_226 : vector<16xf32>
      %parallel_loop3A_228 = math.absf %parallel_loop3A_227 : vector<16xf32>
      %parallel_loop3A_229 = arith.constant 1.280000e+02 : f32
      %parallel_loop3A_230 = vector.broadcast %parallel_loop3A_229 : f32 to vector<16xf32>
      %parallel_loop3A_231 = arith.mulf %parallel_loop3A_228, %parallel_loop3A_230 : vector<16xf32>
      %parallel_loop3A_232 = arith.addf %parallel_loop3A_231, %add3A_10 : vector<16xf32>
      %parallel_loop3A_233 = vector.bitcast %parallel_loop3A_232 : vector<16xf32> to vector<16xi32>
      %parallel_loop3A_234 = arith.constant 16383 : i32
      %parallel_loop3A_235 = vector.broadcast %parallel_loop3A_234 : i32 to vector<16xi32>
      %parallel_loop3A_236 = arith.andi %parallel_loop3A_233, %parallel_loop3A_235 : vector<16xi32>
      %parallel_loop3A_237 = arith.constant 8192 : i32
      %parallel_loop3A_238 = vector.broadcast %parallel_loop3A_237 : i32 to vector<16xi32>
      %parallel_loop3A_239 = arith.addi %parallel_loop3A_225, %parallel_loop3A_238 : vector<16xi32>
      tpu.vector_store_idx %arg9[%parallel_loop3A_236], %parallel_loop3A_239 {add = true} : memref<16384xi32, #tpu.memory_space<vmem>>[vector<16xi32>], vector<16xi32>,
    } {sc.loop_unroll_factor = 16 : i64, sc.parallel_access}
    %dma_wait3A_193 = arith.constant 0 : i32
    %dma_wait3A_194 = arith.constant 0 : i32
    %dma_wait3A_195 = tpu.memref_slice %arg2[%shift_right_arithmetic3A_1, %dma_wait3A_193, %add3A_161, %dma_wait3A_194] : memref<16x1x384x384xf32, #tpu.memory_space<hbm>> -> memref<1x1x32x384xf32, #tpu.memory_space<hbm>>
    %dma_wait3A_196 = tpu.memref_squeeze %dma_wait3A_195 : memref<1x1x32x384xf32, #tpu.memory_space<hbm>> -> memref<32x384xf32, #tpu.memory_space<hbm>>
    %dma_wait3A_197 = arith.constant 0 : i32
    %dma_wait3A_198 = tpu.memref_slice %arg2[%shift_right_arithmetic3A_1, %dma_wait3A_193, %add3A_161, %dma_wait3A_197] : memref<16x1x384x384xf32, #tpu.memory_space<hbm>> -> memref<1x1x32x384xf32, #tpu.memory_space<hbm>>
    %dma_wait3A_199 = tpu.memref_squeeze %dma_wait3A_198 : memref<1x1x32x384xf32, #tpu.memory_space<hbm>> -> memref<32x384xf32, #tpu.memory_space<hbm>>
    tpu.wait_dma2 semaphore(%arg13 : memref<!tpu.dma_semaphore, #tpu.memory_space<semaphore_mem>>) src(%dma_wait3A_199 : memref<32x384xf32, #tpu.memory_space<hbm>>) dst(%arg7 : memref<32x384xf32, #tpu.memory_space<vmem>>)
    %dma_wait3A_200 = arith.constant 0 : i32
    %dma_wait3A_201 = arith.constant 0 : i32
    %dma_wait3A_202 = tpu.memref_slice %arg3[%shift_right_arithmetic3A_1, %dma_wait3A_200, %add3A_161, %dma_wait3A_201] : memref<16x1x384x384xi32, #tpu.memory_space<hbm>> -> memref<1x1x32x384xi32, #tpu.memory_space<hbm>>
    %dma_wait3A_203 = tpu.memref_squeeze %dma_wait3A_202 : memref<1x1x32x384xi32, #tpu.memory_space<hbm>> -> memref<32x384xi32, #tpu.memory_space<hbm>>
    %dma_wait3A_204 = arith.constant 0 : i32
    %dma_wait3A_205 = tpu.memref_slice %arg3[%shift_right_arithmetic3A_1, %dma_wait3A_200, %add3A_161, %dma_wait3A_204] : memref<16x1x384x384xi32, #tpu.memory_space<hbm>> -> memref<1x1x32x384xi32, #tpu.memory_space<hbm>>
    %dma_wait3A_206 = tpu.memref_squeeze %dma_wait3A_205 : memref<1x1x32x384xi32, #tpu.memory_space<hbm>> -> memref<32x384xi32, #tpu.memory_space<hbm>>
    tpu.wait_dma2 semaphore(%arg14 : memref<!tpu.dma_semaphore, #tpu.memory_space<semaphore_mem>>) src(%dma_wait3A_206 : memref<32x384xi32, #tpu.memory_space<hbm>>) dst(%arg8 : memref<32x384xi32, #tpu.memory_space<vmem>>)
    %parallel_loop3A_207 = arith.constant 0 : i32
    %parallel_loop3A_208 = arith.constant 768 : i32
    %parallel_loop3A_209 = arith.constant 1 : i32
    scf.for %parallel_loop3A_213 = %parallel_loop3A_207 to %parallel_loop3A_208 step %parallel_loop3A_209  : i32 {
      %parallel_loop3A_214 = arith.constant 31 : i32
      %parallel_loop3A_215 = arith.andi %parallel_loop3A_213, %parallel_loop3A_214 : i32
      %parallel_loop3A_216 = arith.constant 5 : i32
      %parallel_loop3A_217 = arith.shrsi %parallel_loop3A_213, %parallel_loop3A_216 : i32
      %parallel_loop3A_218 = arith.constant 16 : i32
      %parallel_loop3A_219 = arith.muli %parallel_loop3A_217, %parallel_loop3A_218 : i32
      %parallel_loop3A_220 = arith.index_cast %parallel_loop3A_215 : i32 to index
      %parallel_loop3A_221 = arith.index_cast %parallel_loop3A_219 : i32 to index
      %parallel_loop3A_222 = tpu.vector_load %arg7[%parallel_loop3A_220, %parallel_loop3A_221] {strides = array<i32>} : memref<32x384xf32, #tpu.memory_space<vmem>>, vector<16xf32>,
      %parallel_loop3A_223 = arith.index_cast %parallel_loop3A_215 : i32 to index
      %parallel_loop3A_224 = arith.index_cast %parallel_loop3A_219 : i32 to index
      %parallel_loop3A_225 = tpu.vector_load %arg8[%parallel_loop3A_223, %parallel_loop3A_224] {strides = array<i32>} : memref<32x384xi32, #tpu.memory_space<vmem>>, vector<16xi32>,
      %parallel_loop3A_226 = arith.sitofp %parallel_loop3A_225 : vector<16xi32> to vector<16xf32>
      %parallel_loop3A_227 = arith.subf %parallel_loop3A_222, %parallel_loop3A_226 : vector<16xf32>
      %parallel_loop3A_228 = math.absf %parallel_loop3A_227 : vector<16xf32>
      %parallel_loop3A_229 = arith.constant 1.280000e+02 : f32
      %parallel_loop3A_230 = vector.broadcast %parallel_loop3A_229 : f32 to vector<16xf32>
      %parallel_loop3A_231 = arith.mulf %parallel_loop3A_228, %parallel_loop3A_230 : vector<16xf32>
      %parallel_loop3A_232 = arith.addf %parallel_loop3A_231, %add3A_10 : vector<16xf32>
      %parallel_loop3A_233 = vector.bitcast %parallel_loop3A_232 : vector<16xf32> to vector<16xi32>
      %parallel_loop3A_234 = arith.constant 16383 : i32
      %parallel_loop3A_235 = vector.broadcast %parallel_loop3A_234 : i32 to vector<16xi32>
      %parallel_loop3A_236 = arith.andi %parallel_loop3A_233, %parallel_loop3A_235 : vector<16xi32>
      %parallel_loop3A_237 = arith.constant 8192 : i32
      %parallel_loop3A_238 = vector.broadcast %parallel_loop3A_237 : i32 to vector<16xi32>
      %parallel_loop3A_239 = arith.addi %parallel_loop3A_225, %parallel_loop3A_238 : vector<16xi32>
      tpu.vector_store_idx %arg9[%parallel_loop3A_236], %parallel_loop3A_239 {add = true} : memref<16384xi32, #tpu.memory_space<vmem>>[vector<16xi32>], vector<16xi32>,
    } {sc.loop_unroll_factor = 16 : i64, sc.parallel_access}
    %parallel_loop3A_210 = arith.constant 0 : i32
    %parallel_loop3A_211 = arith.constant 64 : i32
    %parallel_loop3A_212 = arith.constant 1 : i32
    scf.for %parallel_loop3A_213 = %parallel_loop3A_210 to %parallel_loop3A_211 step %parallel_loop3A_212  : i32 {
      %parallel_loop3A_214 = arith.constant 16 : i32
      %parallel_loop3A_215 = arith.muli %parallel_loop3A_213, %parallel_loop3A_214 : i32
      %parallel_loop3A_216 = arith.constant 0 : i32
      %parallel_loop3A_217 = arith.addi %parallel_loop3A_216, %parallel_loop3A_215 : i32
      %parallel_loop3A_218 = arith.index_cast %parallel_loop3A_217 : i32 to index
      %parallel_loop3A_219 = tpu.vector_load %arg9[%parallel_loop3A_218] {strides = array<i32>} : memref<16384xi32, #tpu.memory_space<vmem>>, vector<16xi32>,
      %parallel_loop3A_220 = arith.constant 13 : i32
      %parallel_loop3A_221 = vector.broadcast %parallel_loop3A_220 : i32 to vector<16xi32>
      %parallel_loop3A_222 = arith.shrsi %parallel_loop3A_219, %parallel_loop3A_221 : vector<16xi32>
      %parallel_loop3A_223 = arith.addi %broadcast_in_dim3A_11, %parallel_loop3A_222 : vector<16xi32>
      %parallel_loop3A_224 = arith.constant 8191 : i32
      %parallel_loop3A_225 = vector.broadcast %parallel_loop3A_224 : i32 to vector<16xi32>
      %parallel_loop3A_226 = arith.andi %parallel_loop3A_219, %parallel_loop3A_225 : vector<16xi32>
      %parallel_loop3A_227 = arith.addi %broadcast_in_dim3A_11, %parallel_loop3A_226 : vector<16xi32>
      %parallel_loop3A_228 = arith.constant 16 : i32
      %parallel_loop3A_229 = arith.muli %parallel_loop3A_213, %parallel_loop3A_228 : i32
      %parallel_loop3A_230 = arith.constant 1024 : i32
      %parallel_loop3A_231 = arith.addi %parallel_loop3A_230, %parallel_loop3A_229 : i32
      %parallel_loop3A_232 = arith.index_cast %parallel_loop3A_231 : i32 to index
      %parallel_loop3A_233 = tpu.vector_load %arg9[%parallel_loop3A_232] {strides = array<i32>} : memref<16384xi32, #tpu.memory_space<vmem>>, vector<16xi32>,
      %parallel_loop3A_234 = arith.constant 13 : i32
      %parallel_loop3A_235 = vector.broadcast %parallel_loop3A_234 : i32 to vector<16xi32>
      %parallel_loop3A_236 = arith.shrsi %parallel_loop3A_233, %parallel_loop3A_235 : vector<16xi32>
      %parallel_loop3A_237 = arith.addi %parallel_loop3A_223, %parallel_loop3A_236 : vector<16xi32>
      %parallel_loop3A_238 = arith.constant 8191 : i32
      %parallel_loop3A_239 = vector.broadcast %parallel_loop3A_238 : i32 to vector<16xi32>
      %parallel_loop3A_240 = arith.andi %parallel_loop3A_233, %parallel_loop3A_239 : vector<16xi32>
      %parallel_loop3A_241 = arith.addi %parallel_loop3A_227, %parallel_loop3A_240 : vector<16xi32>
      %parallel_loop3A_242 = arith.constant 16 : i32
      %parallel_loop3A_243 = arith.muli %parallel_loop3A_213, %parallel_loop3A_242 : i32
      %parallel_loop3A_244 = arith.constant 2048 : i32
      %parallel_loop3A_245 = arith.addi %parallel_loop3A_244, %parallel_loop3A_243 : i32
      %parallel_loop3A_246 = arith.index_cast %parallel_loop3A_245 : i32 to index
      %parallel_loop3A_247 = tpu.vector_load %arg9[%parallel_loop3A_246] {strides = array<i32>} : memref<16384xi32, #tpu.memory_space<vmem>>, vector<16xi32>,
      %parallel_loop3A_248 = arith.constant 13 : i32
      %parallel_loop3A_249 = vector.broadcast %parallel_loop3A_248 : i32 to vector<16xi32>
      %parallel_loop3A_250 = arith.shrsi %parallel_loop3A_247, %parallel_loop3A_249 : vector<16xi32>
      %parallel_loop3A_251 = arith.addi %parallel_loop3A_237, %parallel_loop3A_250 : vector<16xi32>
      %parallel_loop3A_252 = arith.constant 8191 : i32
      %parallel_loop3A_253 = vector.broadcast %parallel_loop3A_252 : i32 to vector<16xi32>
      %parallel_loop3A_254 = arith.andi %parallel_loop3A_247, %parallel_loop3A_253 : vector<16xi32>
      %parallel_loop3A_255 = arith.addi %parallel_loop3A_241, %parallel_loop3A_254 : vector<16xi32>
      %parallel_loop3A_256 = arith.constant 16 : i32
      %parallel_loop3A_257 = arith.muli %parallel_loop3A_213, %parallel_loop3A_256 : i32
      %parallel_loop3A_258 = arith.constant 3072 : i32
      %parallel_loop3A_259 = arith.addi %parallel_loop3A_258, %parallel_loop3A_257 : i32
      %parallel_loop3A_260 = arith.index_cast %parallel_loop3A_259 : i32 to index
      %parallel_loop3A_261 = tpu.vector_load %arg9[%parallel_loop3A_260] {strides = array<i32>} : memref<16384xi32, #tpu.memory_space<vmem>>, vector<16xi32>,
      %parallel_loop3A_262 = arith.constant 13 : i32
      %parallel_loop3A_263 = vector.broadcast %parallel_loop3A_262 : i32 to vector<16xi32>
      %parallel_loop3A_264 = arith.shrsi %parallel_loop3A_261, %parallel_loop3A_263 : vector<16xi32>
      %parallel_loop3A_265 = arith.addi %parallel_loop3A_251, %parallel_loop3A_264 : vector<16xi32>
      %parallel_loop3A_266 = arith.constant 8191 : i32
      %parallel_loop3A_267 = vector.broadcast %parallel_loop3A_266 : i32 to vector<16xi32>
      %parallel_loop3A_268 = arith.andi %parallel_loop3A_261, %parallel_loop3A_267 : vector<16xi32>
      %parallel_loop3A_269 = arith.addi %parallel_loop3A_255, %parallel_loop3A_268 : vector<16xi32>
      %parallel_loop3A_270 = arith.constant 16 : i32
      %parallel_loop3A_271 = arith.muli %parallel_loop3A_213, %parallel_loop3A_270 : i32
      %parallel_loop3A_272 = arith.constant 4096 : i32
      %parallel_loop3A_273 = arith.addi %parallel_loop3A_272, %parallel_loop3A_271 : i32
      %parallel_loop3A_274 = arith.index_cast %parallel_loop3A_273 : i32 to index
      %parallel_loop3A_275 = tpu.vector_load %arg9[%parallel_loop3A_274] {strides = array<i32>} : memref<16384xi32, #tpu.memory_space<vmem>>, vector<16xi32>,
      %parallel_loop3A_276 = arith.constant 13 : i32
      %parallel_loop3A_277 = vector.broadcast %parallel_loop3A_276 : i32 to vector<16xi32>
      %parallel_loop3A_278 = arith.shrsi %parallel_loop3A_275, %parallel_loop3A_277 : vector<16xi32>
      %parallel_loop3A_279 = arith.addi %parallel_loop3A_265, %parallel_loop3A_278 : vector<16xi32>
      %parallel_loop3A_280 = arith.constant 8191 : i32
      %parallel_loop3A_281 = vector.broadcast %parallel_loop3A_280 : i32 to vector<16xi32>
      %parallel_loop3A_282 = arith.andi %parallel_loop3A_275, %parallel_loop3A_281 : vector<16xi32>
      %parallel_loop3A_283 = arith.addi %parallel_loop3A_269, %parallel_loop3A_282 : vector<16xi32>
      %parallel_loop3A_284 = arith.constant 16 : i32
      %parallel_loop3A_285 = arith.muli %parallel_loop3A_213, %parallel_loop3A_284 : i32
      %parallel_loop3A_286 = arith.constant 5120 : i32
      %parallel_loop3A_287 = arith.addi %parallel_loop3A_286, %parallel_loop3A_285 : i32
      %parallel_loop3A_288 = arith.index_cast %parallel_loop3A_287 : i32 to index
      %parallel_loop3A_289 = tpu.vector_load %arg9[%parallel_loop3A_288] {strides = array<i32>} : memref<16384xi32, #tpu.memory_space<vmem>>, vector<16xi32>,
      %parallel_loop3A_290 = arith.constant 13 : i32
      %parallel_loop3A_291 = vector.broadcast %parallel_loop3A_290 : i32 to vector<16xi32>
      %parallel_loop3A_292 = arith.shrsi %parallel_loop3A_289, %parallel_loop3A_291 : vector<16xi32>
      %parallel_loop3A_293 = arith.addi %parallel_loop3A_279, %parallel_loop3A_292 : vector<16xi32>
      %parallel_loop3A_294 = arith.constant 8191 : i32
      %parallel_loop3A_295 = vector.broadcast %parallel_loop3A_294 : i32 to vector<16xi32>
      %parallel_loop3A_296 = arith.andi %parallel_loop3A_289, %parallel_loop3A_295 : vector<16xi32>
      %parallel_loop3A_297 = arith.addi %parallel_loop3A_283, %parallel_loop3A_296 : vector<16xi32>
      %parallel_loop3A_298 = arith.constant 16 : i32
      %parallel_loop3A_299 = arith.muli %parallel_loop3A_213, %parallel_loop3A_298 : i32
      %parallel_loop3A_300 = arith.constant 6144 : i32
      %parallel_loop3A_301 = arith.addi %parallel_loop3A_300, %parallel_loop3A_299 : i32
      %parallel_loop3A_302 = arith.index_cast %parallel_loop3A_301 : i32 to index
      %parallel_loop3A_303 = tpu.vector_load %arg9[%parallel_loop3A_302] {strides = array<i32>} : memref<16384xi32, #tpu.memory_space<vmem>>, vector<16xi32>,
      %parallel_loop3A_304 = arith.constant 13 : i32
      %parallel_loop3A_305 = vector.broadcast %parallel_loop3A_304 : i32 to vector<16xi32>
      %parallel_loop3A_306 = arith.shrsi %parallel_loop3A_303, %parallel_loop3A_305 : vector<16xi32>
      %parallel_loop3A_307 = arith.addi %parallel_loop3A_293, %parallel_loop3A_306 : vector<16xi32>
      %parallel_loop3A_308 = arith.constant 8191 : i32
      %parallel_loop3A_309 = vector.broadcast %parallel_loop3A_308 : i32 to vector<16xi32>
      %parallel_loop3A_310 = arith.andi %parallel_loop3A_303, %parallel_loop3A_309 : vector<16xi32>
      %parallel_loop3A_311 = arith.addi %parallel_loop3A_297, %parallel_loop3A_310 : vector<16xi32>
      %parallel_loop3A_312 = arith.constant 16 : i32
      %parallel_loop3A_313 = arith.muli %parallel_loop3A_213, %parallel_loop3A_312 : i32
      %parallel_loop3A_314 = arith.constant 7168 : i32
      %parallel_loop3A_315 = arith.addi %parallel_loop3A_314, %parallel_loop3A_313 : i32
      %parallel_loop3A_316 = arith.index_cast %parallel_loop3A_315 : i32 to index
      %parallel_loop3A_317 = tpu.vector_load %arg9[%parallel_loop3A_316] {strides = array<i32>} : memref<16384xi32, #tpu.memory_space<vmem>>, vector<16xi32>,
      %parallel_loop3A_318 = arith.constant 13 : i32
      %parallel_loop3A_319 = vector.broadcast %parallel_loop3A_318 : i32 to vector<16xi32>
      %parallel_loop3A_320 = arith.shrsi %parallel_loop3A_317, %parallel_loop3A_319 : vector<16xi32>
      %parallel_loop3A_321 = arith.addi %parallel_loop3A_307, %parallel_loop3A_320 : vector<16xi32>
      %parallel_loop3A_322 = arith.constant 8191 : i32
      %parallel_loop3A_323 = vector.broadcast %parallel_loop3A_322 : i32 to vector<16xi32>
      %parallel_loop3A_324 = arith.andi %parallel_loop3A_317, %parallel_loop3A_323 : vector<16xi32>
      %parallel_loop3A_325 = arith.addi %parallel_loop3A_311, %parallel_loop3A_324 : vector<16xi32>
      %parallel_loop3A_326 = arith.constant 16 : i32
      %parallel_loop3A_327 = arith.muli %parallel_loop3A_213, %parallel_loop3A_326 : i32
      %parallel_loop3A_328 = arith.constant 8192 : i32
      %parallel_loop3A_329 = arith.addi %parallel_loop3A_328, %parallel_loop3A_327 : i32
      %parallel_loop3A_330 = arith.index_cast %parallel_loop3A_329 : i32 to index
      %parallel_loop3A_331 = tpu.vector_load %arg9[%parallel_loop3A_330] {strides = array<i32>} : memref<16384xi32, #tpu.memory_space<vmem>>, vector<16xi32>,
      %parallel_loop3A_332 = arith.constant 13 : i32
      %parallel_loop3A_333 = vector.broadcast %parallel_loop3A_332 : i32 to vector<16xi32>
      %parallel_loop3A_334 = arith.shrsi %parallel_loop3A_331, %parallel_loop3A_333 : vector<16xi32>
      %parallel_loop3A_335 = arith.addi %parallel_loop3A_321, %parallel_loop3A_334 : vector<16xi32>
      %parallel_loop3A_336 = arith.constant 8191 : i32
      %parallel_loop3A_337 = vector.broadcast %parallel_loop3A_336 : i32 to vector<16xi32>
      %parallel_loop3A_338 = arith.andi %parallel_loop3A_331, %parallel_loop3A_337 : vector<16xi32>
      %parallel_loop3A_339 = arith.addi %parallel_loop3A_325, %parallel_loop3A_338 : vector<16xi32>
      %parallel_loop3A_340 = arith.constant 16 : i32
      %parallel_loop3A_341 = arith.muli %parallel_loop3A_213, %parallel_loop3A_340 : i32
      %parallel_loop3A_342 = arith.constant 9216 : i32
      %parallel_loop3A_343 = arith.addi %parallel_loop3A_342, %parallel_loop3A_341 : i32
      %parallel_loop3A_344 = arith.index_cast %parallel_loop3A_343 : i32 to index
      %parallel_loop3A_345 = tpu.vector_load %arg9[%parallel_loop3A_344] {strides = array<i32>} : memref<16384xi32, #tpu.memory_space<vmem>>, vector<16xi32>,
      %parallel_loop3A_346 = arith.constant 13 : i32
      %parallel_loop3A_347 = vector.broadcast %parallel_loop3A_346 : i32 to vector<16xi32>
      %parallel_loop3A_348 = arith.shrsi %parallel_loop3A_345, %parallel_loop3A_347 : vector<16xi32>
      %parallel_loop3A_349 = arith.addi %parallel_loop3A_335, %parallel_loop3A_348 : vector<16xi32>
      %parallel_loop3A_350 = arith.constant 8191 : i32
      %parallel_loop3A_351 = vector.broadcast %parallel_loop3A_350 : i32 to vector<16xi32>
      %parallel_loop3A_352 = arith.andi %parallel_loop3A_345, %parallel_loop3A_351 : vector<16xi32>
      %parallel_loop3A_353 = arith.addi %parallel_loop3A_339, %parallel_loop3A_352 : vector<16xi32>
      %parallel_loop3A_354 = arith.constant 16 : i32
      %parallel_loop3A_355 = arith.muli %parallel_loop3A_213, %parallel_loop3A_354 : i32
      %parallel_loop3A_356 = arith.constant 10240 : i32
      %parallel_loop3A_357 = arith.addi %parallel_loop3A_356, %parallel_loop3A_355 : i32
      %parallel_loop3A_358 = arith.index_cast %parallel_loop3A_357 : i32 to index
      %parallel_loop3A_359 = tpu.vector_load %arg9[%parallel_loop3A_358] {strides = array<i32>} : memref<16384xi32, #tpu.memory_space<vmem>>, vector<16xi32>,
      %parallel_loop3A_360 = arith.constant 13 : i32
      %parallel_loop3A_361 = vector.broadcast %parallel_loop3A_360 : i32 to vector<16xi32>
      %parallel_loop3A_362 = arith.shrsi %parallel_loop3A_359, %parallel_loop3A_361 : vector<16xi32>
      %parallel_loop3A_363 = arith.addi %parallel_loop3A_349, %parallel_loop3A_362 : vector<16xi32>
      %parallel_loop3A_364 = arith.constant 8191 : i32
      %parallel_loop3A_365 = vector.broadcast %parallel_loop3A_364 : i32 to vector<16xi32>
      %parallel_loop3A_366 = arith.andi %parallel_loop3A_359, %parallel_loop3A_365 : vector<16xi32>
      %parallel_loop3A_367 = arith.addi %parallel_loop3A_353, %parallel_loop3A_366 : vector<16xi32>
      %parallel_loop3A_368 = arith.constant 16 : i32
      %parallel_loop3A_369 = arith.muli %parallel_loop3A_213, %parallel_loop3A_368 : i32
      %parallel_loop3A_370 = arith.constant 11264 : i32
      %parallel_loop3A_371 = arith.addi %parallel_loop3A_370, %parallel_loop3A_369 : i32
      %parallel_loop3A_372 = arith.index_cast %parallel_loop3A_371 : i32 to index
      %parallel_loop3A_373 = tpu.vector_load %arg9[%parallel_loop3A_372] {strides = array<i32>} : memref<16384xi32, #tpu.memory_space<vmem>>, vector<16xi32>,
      %parallel_loop3A_374 = arith.constant 13 : i32
      %parallel_loop3A_375 = vector.broadcast %parallel_loop3A_374 : i32 to vector<16xi32>
      %parallel_loop3A_376 = arith.shrsi %parallel_loop3A_373, %parallel_loop3A_375 : vector<16xi32>
      %parallel_loop3A_377 = arith.addi %parallel_loop3A_363, %parallel_loop3A_376 : vector<16xi32>
      %parallel_loop3A_378 = arith.constant 8191 : i32
      %parallel_loop3A_379 = vector.broadcast %parallel_loop3A_378 : i32 to vector<16xi32>
      %parallel_loop3A_380 = arith.andi %parallel_loop3A_373, %parallel_loop3A_379 : vector<16xi32>
      %parallel_loop3A_381 = arith.addi %parallel_loop3A_367, %parallel_loop3A_380 : vector<16xi32>
      %parallel_loop3A_382 = arith.constant 16 : i32
      %parallel_loop3A_383 = arith.muli %parallel_loop3A_213, %parallel_loop3A_382 : i32
      %parallel_loop3A_384 = arith.constant 12288 : i32
      %parallel_loop3A_385 = arith.addi %parallel_loop3A_384, %parallel_loop3A_383 : i32
      %parallel_loop3A_386 = arith.index_cast %parallel_loop3A_385 : i32 to index
      %parallel_loop3A_387 = tpu.vector_load %arg9[%parallel_loop3A_386] {strides = array<i32>} : memref<16384xi32, #tpu.memory_space<vmem>>, vector<16xi32>,
      %parallel_loop3A_388 = arith.constant 13 : i32
      %parallel_loop3A_389 = vector.broadcast %parallel_loop3A_388 : i32 to vector<16xi32>
      %parallel_loop3A_390 = arith.shrsi %parallel_loop3A_387, %parallel_loop3A_389 : vector<16xi32>
      %parallel_loop3A_391 = arith.addi %parallel_loop3A_377, %parallel_loop3A_390 : vector<16xi32>
      %parallel_loop3A_392 = arith.constant 8191 : i32
      %parallel_loop3A_393 = vector.broadcast %parallel_loop3A_392 : i32 to vector<16xi32>
      %parallel_loop3A_394 = arith.andi %parallel_loop3A_387, %parallel_loop3A_393 : vector<16xi32>
      %parallel_loop3A_395 = arith.addi %parallel_loop3A_381, %parallel_loop3A_394 : vector<16xi32>
      %parallel_loop3A_396 = arith.constant 16 : i32
      %parallel_loop3A_397 = arith.muli %parallel_loop3A_213, %parallel_loop3A_396 : i32
      %parallel_loop3A_398 = arith.constant 13312 : i32
      %parallel_loop3A_399 = arith.addi %parallel_loop3A_398, %parallel_loop3A_397 : i32
      %parallel_loop3A_400 = arith.index_cast %parallel_loop3A_399 : i32 to index
      %parallel_loop3A_401 = tpu.vector_load %arg9[%parallel_loop3A_400] {strides = array<i32>} : memref<16384xi32, #tpu.memory_space<vmem>>, vector<16xi32>,
      %parallel_loop3A_402 = arith.constant 13 : i32
      %parallel_loop3A_403 = vector.broadcast %parallel_loop3A_402 : i32 to vector<16xi32>
      %parallel_loop3A_404 = arith.shrsi %parallel_loop3A_401, %parallel_loop3A_403 : vector<16xi32>
      %parallel_loop3A_405 = arith.addi %parallel_loop3A_391, %parallel_loop3A_404 : vector<16xi32>
      %parallel_loop3A_406 = arith.constant 8191 : i32
      %parallel_loop3A_407 = vector.broadcast %parallel_loop3A_406 : i32 to vector<16xi32>
      %parallel_loop3A_408 = arith.andi %parallel_loop3A_401, %parallel_loop3A_407 : vector<16xi32>
      %parallel_loop3A_409 = arith.addi %parallel_loop3A_395, %parallel_loop3A_408 : vector<16xi32>
      %parallel_loop3A_410 = arith.constant 16 : i32
      %parallel_loop3A_411 = arith.muli %parallel_loop3A_213, %parallel_loop3A_410 : i32
      %parallel_loop3A_412 = arith.constant 14336 : i32
      %parallel_loop3A_413 = arith.addi %parallel_loop3A_412, %parallel_loop3A_411 : i32
      %parallel_loop3A_414 = arith.index_cast %parallel_loop3A_413 : i32 to index
      %parallel_loop3A_415 = tpu.vector_load %arg9[%parallel_loop3A_414] {strides = array<i32>} : memref<16384xi32, #tpu.memory_space<vmem>>, vector<16xi32>,
      %parallel_loop3A_416 = arith.constant 13 : i32
      %parallel_loop3A_417 = vector.broadcast %parallel_loop3A_416 : i32 to vector<16xi32>
      %parallel_loop3A_418 = arith.shrsi %parallel_loop3A_415, %parallel_loop3A_417 : vector<16xi32>
      %parallel_loop3A_419 = arith.addi %parallel_loop3A_405, %parallel_loop3A_418 : vector<16xi32>
      %parallel_loop3A_420 = arith.constant 8191 : i32
      %parallel_loop3A_421 = vector.broadcast %parallel_loop3A_420 : i32 to vector<16xi32>
      %parallel_loop3A_422 = arith.andi %parallel_loop3A_415, %parallel_loop3A_421 : vector<16xi32>
      %parallel_loop3A_423 = arith.addi %parallel_loop3A_409, %parallel_loop3A_422 : vector<16xi32>
      %parallel_loop3A_424 = arith.constant 16 : i32
      %parallel_loop3A_425 = arith.muli %parallel_loop3A_213, %parallel_loop3A_424 : i32
      %parallel_loop3A_426 = arith.constant 15360 : i32
      %parallel_loop3A_427 = arith.addi %parallel_loop3A_426, %parallel_loop3A_425 : i32
      %parallel_loop3A_428 = arith.index_cast %parallel_loop3A_427 : i32 to index
      %parallel_loop3A_429 = tpu.vector_load %arg9[%parallel_loop3A_428] {strides = array<i32>} : memref<16384xi32, #tpu.memory_space<vmem>>, vector<16xi32>,
      %parallel_loop3A_430 = arith.constant 13 : i32
      %parallel_loop3A_431 = vector.broadcast %parallel_loop3A_430 : i32 to vector<16xi32>
      %parallel_loop3A_432 = arith.shrsi %parallel_loop3A_429, %parallel_loop3A_431 : vector<16xi32>
      %parallel_loop3A_433 = arith.addi %parallel_loop3A_419, %parallel_loop3A_432 : vector<16xi32>
      %parallel_loop3A_434 = arith.constant 8191 : i32
      %parallel_loop3A_435 = vector.broadcast %parallel_loop3A_434 : i32 to vector<16xi32>
      %parallel_loop3A_436 = arith.andi %parallel_loop3A_429, %parallel_loop3A_435 : vector<16xi32>
      %parallel_loop3A_437 = arith.addi %parallel_loop3A_423, %parallel_loop3A_436 : vector<16xi32>
      %parallel_loop3A_438 = arith.constant 16 : i32
      %parallel_loop3A_439 = arith.muli %parallel_loop3A_213, %parallel_loop3A_438 : i32
      %parallel_loop3A_440 = arith.index_cast %parallel_loop3A_439 : i32 to index
      %parallel_loop3A_441 = tpu.vector_load %arg10[%parallel_loop3A_440] {strides = array<i32>} : memref<2048xi32, #tpu.memory_space<vmem>>, vector<16xi32>,
      tpu.vector_store %arg10[%parallel_loop3A_440], %parallel_loop3A_433 {strides = array<i32>} : memref<2048xi32, #tpu.memory_space<vmem>>, vector<16xi32>,
      %parallel_loop3A_442 = arith.constant 16 : i32
      %parallel_loop3A_443 = arith.muli %parallel_loop3A_213, %parallel_loop3A_442 : i32
      %parallel_loop3A_444 = arith.constant 1024 : i32
      %parallel_loop3A_445 = arith.addi %parallel_loop3A_444, %parallel_loop3A_443 : i32
      %parallel_loop3A_446 = arith.index_cast %parallel_loop3A_445 : i32 to index
      %parallel_loop3A_447 = tpu.vector_load %arg10[%parallel_loop3A_446] {strides = array<i32>} : memref<2048xi32, #tpu.memory_space<vmem>>, vector<16xi32>,
      tpu.vector_store %arg10[%parallel_loop3A_446], %parallel_loop3A_437 {strides = array<i32>} : memref<2048xi32, #tpu.memory_space<vmem>>, vector<16xi32>,
    } {sc.loop_unroll_factor = 2 : i64, sc.parallel_access}
    "tpu.region"() ({
      %run_scoped3A = tpu.sem_alloc : memref<!tpu.dma_semaphore, #tpu.memory_space<semaphore_mem>>
      %dma_start3A_213 = arith.constant 0 : i32
      %dma_start3A_214 = tpu.memref_slice %arg4[%add3A, %dma_start3A_213] : memref<32x2048xi32, #tpu.memory_space<hbm>> -> memref<1x2048xi32, #tpu.memory_space<hbm>>
      %dma_start3A_215 = tpu.memref_squeeze %dma_start3A_214 : memref<1x2048xi32, #tpu.memory_space<hbm>> -> memref<2048xi32, #tpu.memory_space<hbm>>
      %dma_start3A_216 = arith.constant 0 : i32
      %dma_start3A_217 = tpu.memref_slice %arg4[%add3A, %dma_start3A_216] : memref<32x2048xi32, #tpu.memory_space<hbm>> -> memref<1x2048xi32, #tpu.memory_space<hbm>>
      %dma_start3A_218 = tpu.memref_squeeze %dma_start3A_217 : memref<1x2048xi32, #tpu.memory_space<hbm>> -> memref<2048xi32, #tpu.memory_space<hbm>>
      tpu.enqueue_dma source(%arg10 : memref<2048xi32, #tpu.memory_space<vmem>>) target(%dma_start3A_218 : memref<2048xi32, #tpu.memory_space<hbm>>) target_semaphore(%run_scoped3A : memref<!tpu.dma_semaphore, #tpu.memory_space<semaphore_mem>>)
      %dma_wait3A_219 = arith.constant 0 : i32
      %dma_wait3A_220 = tpu.memref_slice %arg4[%add3A, %dma_wait3A_219] : memref<32x2048xi32, #tpu.memory_space<hbm>> -> memref<1x2048xi32, #tpu.memory_space<hbm>>
      %dma_wait3A_221 = tpu.memref_squeeze %dma_wait3A_220 : memref<1x2048xi32, #tpu.memory_space<hbm>> -> memref<2048xi32, #tpu.memory_space<hbm>>
      %dma_wait3A_222 = arith.constant 0 : i32
      %dma_wait3A_223 = tpu.memref_slice %arg4[%add3A, %dma_wait3A_222] : memref<32x2048xi32, #tpu.memory_space<hbm>> -> memref<1x2048xi32, #tpu.memory_space<hbm>>
      %dma_wait3A_224 = tpu.memref_squeeze %dma_wait3A_223 : memref<1x2048xi32, #tpu.memory_space<hbm>> -> memref<2048xi32, #tpu.memory_space<hbm>>
      tpu.wait_dma2 semaphore(%run_scoped3A : memref<!tpu.dma_semaphore, #tpu.memory_space<semaphore_mem>>) src(%arg10 : memref<2048xi32, #tpu.memory_space<vmem>>) dst(%dma_wait3A_224 : memref<2048xi32, #tpu.memory_space<hbm>>)
      tpu.yield
    }) : () -> ()
    return
  }
}

module attributes {stable_mosaic.version = 14 : i64} {
  func.func @_finisher_body(%arg0: memref<32x2048xi32, #tpu.memory_space<vmem>>, %arg1: memref<1x1xf32, #tpu.memory_space<vmem>>) attributes {dimension_semantics = [], scalar_prefetch = 0 : i64, scratch_operands = 0 : i64, tpu.core_type = #tpu.core_type<tc>} {
    %get3A = arith.constant 0 : index
    %get3A_0 = arith.constant 0 : index
    %get3A_1 = vector.load %arg0[%get3A, %get3A_0] : memref<32x2048xi32, #tpu.memory_space<vmem>>, vector<32x2048xi32>
    %convert_element_type3A = arith.sitofp %get3A_1 : vector<32x2048xi32> to vector<32x2048xf32>
    %slice3A = vector.extract_strided_slice %convert_element_type3A {offsets = [0, 0], sizes = [32, 1024], strides = [1, 1]} : vector<32x2048xf32> to vector<32x1024xf32>
    %reduce_sum3A = arith.constant dense<0.000000e+00> : vector<1024xf32>
    %reduce_sum3A_2 = vector.multi_reduction <add>, %slice3A, %reduce_sum3A [0] : vector<32x1024xf32> to vector<1024xf32>
    %broadcast_in_dim3A = vector.shape_cast %reduce_sum3A_2 : vector<1024xf32> to vector<1x1024xf32>
    %slice3A_3 = vector.extract_strided_slice %convert_element_type3A {offsets = [0, 1024], sizes = [32, 1024], strides = [1, 1]} : vector<32x2048xf32> to vector<32x1024xf32>
    %reduce_sum3A_4 = arith.constant dense<0.000000e+00> : vector<1024xf32>
    %reduce_sum3A_5 = vector.multi_reduction <add>, %slice3A_3, %reduce_sum3A_4 [0] : vector<32x1024xf32> to vector<1024xf32>
    %broadcast_in_dim3A_6 = vector.shape_cast %reduce_sum3A_5 : vector<1024xf32> to vector<1x1024xf32>
    %iota3A = tpu.iota {dimensions = array<i32: 0>} : vector<1024x1024xi32>
    %iota3A_7 = tpu.iota {dimensions = array<i32: 1>} : vector<1024x1024xi32>
    %ge3A = arith.cmpi sge, %iota3A, %iota3A_7 : vector<1024x1024xi32>
    %jit3A = arith.constant 1.000000e+00 : f32
    %jit3A_8 = arith.constant 0.000000e+00 : f32
    %broadcast_in_dim3A_9 = vector.broadcast %jit3A : f32 to vector<1024x1024xf32>
    %broadcast_in_dim3A_10 = vector.broadcast %jit3A_8 : f32 to vector<1024x1024xf32>
    %select_n3A = arith.select %ge3A, %broadcast_in_dim3A_9, %broadcast_in_dim3A_10 : vector<1024x1024xi1>, vector<1024x1024xf32>
    %dot_general3A = arith.constant dense<0.000000e+00> : vector<1x1024xf32>
    %dot_general3A_11 = tpu.matmul %broadcast_in_dim3A, %select_n3A, %dot_general3A {dimension_numbers = #tpu.dot_dimension_numbers<[1], [0], [0], [1], [0, 0, 1, 1], [], []>, precision = #tpu.contract_precision<fp32>, transpose_lhs_hint = false} : vector<1x1024xf32>, vector<1024x1024xf32>, vector<1x1024xf32> -> vector<1x1024xf32>
    %dot_general3A_12 = arith.constant dense<0.000000e+00> : vector<1x1024xf32>
    %dot_general3A_13 = tpu.matmul %broadcast_in_dim3A_6, %select_n3A, %dot_general3A_12 {dimension_numbers = #tpu.dot_dimension_numbers<[1], [0], [0], [1], [0, 0, 1, 1], [], []>, precision = #tpu.contract_precision<fp32>, transpose_lhs_hint = false} : vector<1x1024xf32>, vector<1024x1024xf32>, vector<1x1024xf32> -> vector<1x1024xf32>
    %reduce_sum3A_14 = vector.shape_cast %broadcast_in_dim3A_6 : vector<1x1024xf32> to vector<1x1x1024xf32>
    %reduce_sum3A_15 = arith.constant dense<0.000000e+00> : vector<1xf32>
    %reduce_sum3A_16 = vector.multi_reduction <add>, %reduce_sum3A_14, %reduce_sum3A_15 [1, 2] : vector<1x1x1024xf32> to vector<1xf32>
    %reduce_sum3A_17 = vector.shape_cast %reduce_sum3A_16 : vector<1xf32> to vector<1x1x1xf32>
    %reduce_sum3A_18 = vector.extract %reduce_sum3A_17[0, 0, 0] : f32 from vector<1x1x1xf32>
    %sub3A = vector.broadcast %reduce_sum3A_18 : f32 to vector<1x1024xf32>
    %sub3A_19 = arith.subf %sub3A, %dot_general3A_13 : vector<1x1024xf32>
    %add3A = vector.broadcast %reduce_sum3A_18 : f32 to vector<1x1024xf32>
    %add3A_20 = arith.addf %add3A, %dot_general3A_11 : vector<1x1024xf32>
    %sub3A_21 = arith.subf %add3A_20, %dot_general3A_13 : vector<1x1024xf32>
    %div3A = arith.divf %sub3A_19, %sub3A_21 : vector<1x1024xf32>
    %sub3A_22 = arith.constant 1.000000e+00 : f32
    %sub3A_23 = vector.broadcast %sub3A_22 : f32 to vector<1x1024xf32>
    %sub3A_24 = arith.subf %sub3A_23, %div3A : vector<1x1024xf32>
    %slice3A_25 = vector.extract_strided_slice %sub3A_24 {offsets = [0, 0], sizes = [1, 1], strides = [1, 1]} : vector<1x1024xf32> to vector<1x1xf32>
    %reduce_sum3A_26 = vector.shape_cast %slice3A_25 : vector<1x1xf32> to vector<1x1x1xf32>
    %reduce_sum3A_27 = arith.constant dense<0.000000e+00> : vector<1xf32>
    %reduce_sum3A_28 = vector.multi_reduction <add>, %reduce_sum3A_26, %reduce_sum3A_27 [1, 2] : vector<1x1x1xf32> to vector<1xf32>
    %reduce_sum3A_29 = vector.shape_cast %reduce_sum3A_28 : vector<1xf32> to vector<1x1x1xf32>
    %reduce_sum3A_30 = vector.extract %reduce_sum3A_29[0, 0, 0] : f32 from vector<1x1x1xf32>
    %slice3A_31 = vector.extract_strided_slice %sub3A_24 {offsets = [0, 1], sizes = [1, 1], strides = [1, 1]} : vector<1x1024xf32> to vector<1x1xf32>
    %reduce_sum3A_32 = vector.shape_cast %slice3A_31 : vector<1x1xf32> to vector<1x1x1xf32>
    %reduce_sum3A_33 = arith.constant dense<0.000000e+00> : vector<1xf32>
    %reduce_sum3A_34 = vector.multi_reduction <add>, %reduce_sum3A_32, %reduce_sum3A_33 [1, 2] : vector<1x1x1xf32> to vector<1xf32>
    %reduce_sum3A_35 = vector.shape_cast %reduce_sum3A_34 : vector<1xf32> to vector<1x1x1xf32>
    %reduce_sum3A_36 = vector.extract %reduce_sum3A_35[0, 0, 0] : f32 from vector<1x1x1xf32>
    %reduce_sum3A_37 = vector.shape_cast %sub3A_24 : vector<1x1024xf32> to vector<1x1x1024xf32>
    %reduce_sum3A_38 = arith.constant dense<0.000000e+00> : vector<1xf32>
    %reduce_sum3A_39 = vector.multi_reduction <add>, %reduce_sum3A_37, %reduce_sum3A_38 [1, 2] : vector<1x1x1024xf32> to vector<1xf32>
    %reduce_sum3A_40 = vector.shape_cast %reduce_sum3A_39 : vector<1xf32> to vector<1x1x1xf32>
    %reduce_sum3A_41 = vector.extract %reduce_sum3A_40[0, 0, 0] : f32 from vector<1x1x1xf32>
    %mul3A = arith.constant 7.500000e-01 : f32
    %mul3A_42 = arith.mulf %mul3A, %reduce_sum3A_30 : f32
    %sub3A_43 = arith.subf %reduce_sum3A_41, %mul3A_42 : f32
    %mul3A_44 = arith.constant 2.500000e-01 : f32
    %mul3A_45 = arith.mulf %mul3A_44, %reduce_sum3A_36 : f32
    %sub3A_46 = arith.subf %sub3A_43, %mul3A_45 : f32
    %mul3A_47 = arith.constant 7.812500e-03 : f32
    %mul3A_48 = arith.mulf %mul3A_47, %sub3A_46 : f32
    %broadcast_in_dim3A_49 = vector.broadcast %mul3A_48 : f32 to vector<1x1xf32>
    %swap3A = arith.constant 0 : index
    %swap3A_50 = arith.constant 0 : index
    %swap3A_51 = vector.load %arg1[%swap3A, %swap3A_50] : memref<1x1xf32, #tpu.memory_space<vmem>>, vector<1x1xf32>
    tpu.vector_store %arg1[%swap3A, %swap3A_50], %broadcast_in_dim3A_49 {strides = array<i32>} : memref<1x1xf32, #tpu.memory_space<vmem>>, vector<1x1xf32>,
    return
  }
}

</mosaic_0001>

<sc_bundles>
// kernel: kernel.4.cloned.1.call-start
scs
__scs_entry_jumppad:
0x0: {  	(pc) =	sbr.rel $0x88, $3  }
0x1: {  	(tag) =	ssettag $0x0;
	lr =	simm.s32 $0x1  }
0x2: {  	[smem:$0x3F9F] =	sst lr;
	_ =	strace $0xD0000000  }
0x3: {  	_ = 	snop  }
0x4: {  	_ = 	snop  }
0x5: {  	_ = 	snop  }
0x6: {  	_ = 	snop  }
0x7: {  	_ = 	snop  }
__scs_overlays_trampoline_lowered:
0x8: {  	[smem:$0x3FAE] =	sst s0  }
0x9: {  	[smem:$0x3FAF] =	sst s1  }
0xa: {  	[smem:$0x3FB0] =	sst s2  }
0xb: {  	[smem:$0x3FB1] =	sst s3  }
0xc: {  	[smem:$0x3FB2] =	sst s4  }
0xd: {  	[smem:$0x3FB3] =	sst s5  }
0xe: {  	[smem:$0x3FB4] =	sst s6  }
0xf: {  	[smem:$0x3FB5] =	sst s7  }
0x10: {  	[smem:$0x3FB6] =	sst s8  }
0x11: {  	[smem:$0x3FB7] =	sst s9;
	s0 =	simm.s32 @!p0 $0x0  }
0x12: {  	s1 =	sld [smem:$0x3F9D];
	s0 =	simm.s32 @p0 $0x1  }
0x13: {  	[smem:$0x3FB8] =	sst s0;
	s0 =	simm.s32 @!p1 $0x0  }
0x14: {  	s2 =	sld [smem:$0x3F9C];
	s0 =	simm.s32 @p1 $0x1  }
0x15: {  	[smem:$0x3FB9] =	sst s0;
	s0 =	simm.s32 @!p2 $0x0  }
0x16: {  	s3 =	sld [smem:$0x3FDB];
	s0 =	simm.s32 @p2 $0x1  }
0x17: {  	s4 =	simm.s32 $0x1BF5;
	[smem:$0x3FBB] =	sst s0  }
0x18: {  	s0 =	sld [smem:$0x3F9E];
	_ =	swait.ge [sflag:s4], $0x0  }
0x19: {  	s7 =	sld [smem:$0x3F9F]  }
0x1a: {  	s8 =	sadd.s32 $0xFFFFE003, lr  }
0x1b: {  	s9 =	sadd.s32 $0xFFFFFEF7, lr;
	s5 =	simm.s32 $0xFFFFFFFF;
	p2 =	slt.u32 s8, $0xFFFFF086  }
0x1c: {  	p1 =	slt.u32 s9, $0xF7A;
	s5 =	simm.s32 @!p2 $0x0  }
0x1d: {  	s5 =	simm.s32 @p1 $0x1;
	p0 =	seq.s32 s7, s2  }
0x1e: {  	s7 =	smul.u32 @!p0 $0xF7A, s2;
	p2 =	seq.s32 @!p0 s5, $0x0  }
0x1f: {  	s9 =	smul.u32 $0xF7A, s1;
	s8 =	simm.s32 @!p0 $0x1BF5;
	p2 =	por !p2, p0  }
0x20: {  	[sflag:s8] =	ssyncset.s32 @!p0 $0xFFFFF086;
	s6 =	sadd.s32 @!p0 s3, s7;
	s7 =	simm.s32 @!p0 $0x108  }
0x21: {  	s3 =	sadd.s32 s3, s9;
	s6 =	sadd.s32 @!p0 $0x88, s6;
	s7 =	simm.s32 @p2 $0x1082  }
0x22: {  	[simem:s7], [sflag:s8] =	dma.local @!p0 [hbm:s6], $0xF7A  }
0x23: {  	s9 =	sor.u32 $0xD0000000, s2;
	s6 =	simm.s32 $0x108;
	_ =	swait.ge @!p0 [sflag:s8], $0x0  }
0x24: {  	s3 =	sadd.s32 $0x88, s3;
	s6 =	simm.s32 @!p1 $0x1082;
	[sflag:s4] =	ssyncset.s32 $0xFFFFF086  }
0x25: {  	[simem:s6], [sflag:s4] =	dma.local [hbm:s3], $0xF7A  }
0x26: {  	[smem:$0x3F9F] =	sst s1;
	(tag) =	ssettag s2;
	_ =	strace s9  }
0x27: {  	s1 =	sld [smem:$0x3FAF]  }
0x28: {  	s2 =	sld [smem:$0x3FB0]  }
0x29: {  	s4 =	sld [smem:$0x3FB2]  }
0x2a: {  	p0 =	seq.s32 s5, $0x0;
	s5 =	sld [smem:$0x3FB3]  }
0x2b: {  	s6 =	sld [smem:$0x3FB4]  }
0x2c: {  	s7 =	sld [smem:$0x3FB5]  }
0x2d: {  	s3 =	simm.s32 $0x108;
	s8 =	sld [smem:$0x3FB6]  }
0x2e: {  	s3 =	simm.s32 @!p0 $0x1082;
	s9 =	sld [smem:$0x3FB7]  }
0x2f: {  	lr =	sadd.s32 s0, s3;
	s0 =	sld [smem:$0x3FAE]  }
0x30: {  	s3 =	sld [smem:$0x3FB1]  }
0x31: {  	[smem:$0x3FBA] =	sst s10  }
0x32: {  	s10 =	sld [smem:$0x3FB8];
	_ =	sdelay $0x3  }
0x33: {  	p0 =	seq.s32 s10, $0x1;
	s10 =	sld [smem:$0x3FBA];
	_ =	sdelay $0x3  }
0x34: {  	[smem:$0x3FBA] =	sst s10  }
0x35: {  	s10 =	sld [smem:$0x3FB9];
	_ =	sdelay $0x3  }
0x36: {  	p1 =	seq.s32 s10, $0x1;
	s10 =	sld [smem:$0x3FBA];
	_ =	sdelay $0x3  }
0x37: {  	[smem:$0x3FBA] =	sst s10  }
0x38: {  	s10 =	sld [smem:$0x3FBB]  }
0x39: {  	_ = 	snop;
	(pc) =	sbr.ind lr, $3  }
0x3a: {  	_ = 	snop  }
0x3b: {  	_ = 	snop  }
0x3c: {  	p2 =	seq.s32 s10, $0x1;
	s10 =	sld [smem:$0x3FBA]  }
0x3d: {  	_ =	shalt  }
0x3e: {  	_ =	shalt  }
0x3f: {  	_ =	shalt  }
0x40: {  	_ =	shalt  }
0x41: {  	_ =	shalt  }
0x42: {  	_ =	shalt  }
0x43: {  	_ =	shalt  }
0x44: {  	_ =	shalt  }
0x45: {  	_ =	shalt  }
0x46: {  	_ =	shalt  }
0x47: {  	_ =	shalt  }
0x48: {  	_ =	shalt  }
0x49: {  	_ =	shalt  }
0x4a: {  	_ =	shalt  }
0x4b: {  	_ =	shalt  }
0x4c: {  	_ =	shalt  }
0x4d: {  	_ =	shalt  }
0x4e: {  	_ =	shalt  }
0x4f: {  	_ =	shalt  }
0x50: {  	_ =	shalt  }
0x51: {  	_ =	shalt  }
0x52: {  	_ =	shalt  }
0x53: {  	_ =	shalt  }
0x54: {  	_ =	shalt  }
0x55: {  	_ =	shalt  }
0x56: {  	_ =	shalt  }
0x57: {  	_ =	shalt  }
0x58: {  	_ =	shalt  }
0x59: {  	_ =	shalt  }
0x5a: {  	_ =	shalt  }
0x5b: {  	_ =	shalt  }
0x5c: {  	_ =	shalt  }
0x5d: {  	_ =	shalt  }
0x5e: {  	_ =	shalt  }
0x5f: {  	_ =	shalt  }
0x60: {  	_ =	shalt  }
0x61: {  	_ =	shalt  }
0x62: {  	_ =	shalt  }
0x63: {  	_ =	shalt  }
0x64: {  	_ =	shalt  }
0x65: {  	_ =	shalt  }
0x66: {  	_ =	shalt  }
0x67: {  	_ =	shalt  }
0x68: {  	_ =	shalt  }
0x69: {  	_ =	shalt  }
0x6a: {  	_ =	shalt  }
0x6b: {  	_ =	shalt  }
0x6c: {  	_ =	shalt  }
0x6d: {  	_ =	shalt  }
0x6e: {  	_ =	shalt  }
0x6f: {  	_ =	shalt  }
0x70: {  	_ =	shalt  }
0x71: {  	_ =	shalt  }
0x72: {  	_ =	shalt  }
0x73: {  	_ =	shalt  }
0x74: {  	_ =	shalt  }
0x75: {  	_ =	shalt  }
0x76: {  	_ =	shalt  }
0x77: {  	_ =	shalt  }
0x78: {  	_ =	shalt  }
0x79: {  	_ =	shalt  }
0x7a: {  	_ =	shalt  }
0x7b: {  	_ =	shalt  }
0x7c: {  	_ =	shalt  }
0x7d: {  	_ =	shalt  }
0x7e: {  	_ =	shalt  }
0x7f: {  	_ =	shalt  }
0x80: {  	_ =	shalt  }
0x81: {  	_ =	shalt  }
0x82: {  	_ =	shalt  }
0x83: {  	_ =	shalt  }
0x84: {  	_ =	shalt  }
0x85: {  	_ =	shalt  }
0x86: {  	_ =	shalt  }
0x87: {  	_ =	shalt  }
.Lfunc_end0:
.L_simem_size_0:
called_computation_lowered:
.L_overlay_start_0:
0x88: {  	s2 =	sld [smem:$0x3FD9]  }
0x89: {  	s3 =	sld [smem:$0x3FFE];
	_ =	sdelay $0x1  }
0x8a: {  	s1 =	srdreg.scid  }
0x8b: {  	s0 =	sand.u32 $0x1, s1  }
0x8c: {  	s17 =	sshll.u32 s0, $0xA;
	s2 =	sadd.s32 s3, s2  }
0x8d: {  	s2 =	sadd.s32 s2, s17  }
0x8e: {  	[smem:$0x3FC6] =	sst s2  }
0x8f: {  	_ = 	snop  }
0x90: {  	s2 =	sld [smem:$0x3FC9]  }
0x91: {  	s18 =	sld [smem:$0x3FC8];
	(tm) =	ssettm $0x1  }
0x92: {  	s4 =	sld [smem:$0x3FFB];
	_ =	sdelay $0x3  }
0x93: {  	_ =	strace s4  }
0x94: {  	s4 =	sld [smem:$0x3FFC];
	_ =	sdelay $0x3  }
0x95: {  	_ =	strace s4  }
0x96: {  	s4 =	sld [smem:$0x3FFD];
	_ =	sdelay $0x3  }
0x97: {  	_ =	strace s4  }
0x98: {  	_ =	strace $0x8FFFFFFF  }
0x99: {  	s19 =	sld [smem:$0x3FDB];
	_ =	sdelay $0x1  }
0x9a: {  	s5 =	simm.s32 $_scs_section_size  }
0x9b: {  	s6 =	simm.s32 $_size__tile_overlayer_lowered;
	s7 =	simm.s32 $_tile_overlayer_lowered  }
0x9c: {  	s22 =	simm.s32 $0x1BFF;
	s21 =	sshll.u32 s7, $0x1;
	s4 =	sadd.s32 s5, s19  }
0x9d: {  	s8 =	simm.s32 $0x0;
	s20 =	sshll.u32 s6, $0x1;
	s6 =	sadd.s32 s21, s4  }
0x9e: {  	[timem:s8], [sflag:s22] =	dma.local [hbm:s6], s20  }
0x9f: {  	_ =	swait.ge [sflag:s22], s20  }
0xa0: {  	s5 =	ssub.s32 $0x0, s20;
	[sflag:s22] =	ssyncset.done $0x0  }
0xa1: {  	[sflag:s22] =	ssyncadd.s32 s5;
	_ =	sdelay $0x1  }
0xa2: {  	s23 =	simm.s32 $0x1B8B  }
0xa3: {  	_ =	swait.ge [sflag:s23], $0x1  }
0xa4: {  	[sflag:s23] =	ssyncset.done $0x0  }
0xa5: {  	s25 =	simm.s32 $0x1B8E;
	s24 =	sld [smem:$0x3FFE];
	[sflag:s23] =	ssyncadd.s32 $0xFFFFFFFF  }
0xa6: {  	s26 =	simm.s32 $execute0_lowered;
	[smem:$0x3FD2] =	sst s25  }
0xa7: {  	s6 =	sshll.u32 s26, $0x1;
	_ =	strace $0x80000046;
	[dreg:$0x1] =	wrdreg $0xFFFFFFFF  }
0xa8: {  	s28 =	simm.s32 $_size_execute0_lowered;
	s4 =	sadd.s32 s4, s6;
	[dreg:$0x0] =	wrdreg $0x0  }
0xa9: {  	s6 =	sshll.u32 s28, $0x1;
	[dreg:$0x2] =	wrdreg s4  }
0xaa: {  	[dreg:$0x3] =	wrdreg s6  }
0xab: {  	[dreg:$0x4] =	wrdreg $0xC0  }
0xac: {  	_ =	task [dreg:s8], $0x5FFFF  }
0xad: {  	[dreg:$0x1] =	wrdreg $0xFFFFFFFF  }
0xae: {  	[dreg:$0x0] =	wrdreg $0x60  }
0xaf: {  	[dreg:$0x2] =	wrdreg s2  }
0xb0: {  	[dreg:$0x3] =	wrdreg s18  }
0xb1: {  	[dreg:$0x4] =	wrdreg s24  }
0xb2: {  	[dreg:$0x5] =	wrdreg $0x9  }
0xb3: {  	_ =	task.clear_ibuf [dreg:s8], $0x6FFFF;
	_ =	strace $0x90000046  }
0xb4: {  	s29 =	simm.s32 $0x9;
	_ =	strace $0x80000048  }
0xb5: {  	_ =	swait.ge [sflag:s29], $0x1  }
0xb6: {  	[sflag:s29] =	ssyncadd.s32 $0xFFFFFFFF  }
0xb7: {  	_ =	strace $0x90000048  }
0xb8: {  	_ =	sfence  }
0xb9: {  	s30 =	sld [smem:$0x0];
	_ =	sdelay $0x2  }
0xba: {  	s31 =	sshll.u32 s1, $0xD;
	s1 =	sshrl.u32 s1, $0x2  }
0xbb: {  	s3 =	sand.u32 $0x4000, s31;
	s1 =	sadd.s32 s1, s30  }
0xbc: {  	s0 =	sor.u32 s3, s0;
	s1 =	sshll.u32 s1, $0x11  }
0xbd: {  	s0 =	sor.u32 s1, s0  }
0xbe: {  	s0 =	sadd.s32 $0x8F2B, s0  }
0xbf: {  	[sflag:s0] =	ssyncadd.remote.s32 $0x1  }
0xc0: {  	_ =	sfence.sel $0xFFFF  }
0xc1: {  	[dreg:$0x0] =	wrdreg $0xFFFFFFFF;
	(pc) =	sbr.abs _section_cstart, $3  }
0xc2: {  	[dreg:$0x1] =	wrdreg $0xFFFFFFFF  }
0xc3: {  	_ =	task.clear_ibuf [dreg:s8], $0x2FFFF;
	_ =	strace $0x9FFFFFFF  }
0xc4: {  	(tm) =	ssettm $0x7FFFFFFF  }
0xc5: {  	_ =	shalt  }
tec
execute0_lowered:
.L_overlay_start_1:
0x0: {  	(tag) =	ssettag $0x1  }
0x1: {  	s0 =	rddreg [dreg:$0x0]  }
0x2: {  	s1 =	rddreg [dreg:$0x1]  }
0x3: {  	s2 =	rddreg [dreg:$0x2];
	s4 =	simm.s32 $0x0;
	s3 =	srdreg.scid  }
0x4: {  	s15 =	stileid.u32;
	s17 =	simm.s32 $0x3000;
	s18 =	simm.s32 $0x6000  }
0x5: {  	s19 =	simm.s32 $0x9000;
	s20 =	simm.s32 $0x1;
	s21 =	simm.s32 $0x2  }
0x6: {  	s22 =	simm.s32 $0xC000;
	s29 =	simm.s32 $0x5;
	s30 =	simm.s32 $0x0  }
0x7: {  	v0 =	vimm.f32 $8.403968000e+06;
	vm0 =	vcmask $0x300;
	[smem:$0x7FF] =	sst s4;
	s3 =	sand.u32 $0x1, s3;
	s4 =	simm.s32 $0x12000  }
0x8: {  	vm14 =	vcmask $0x704;
	s5 =	smul.u32 $0x24000, s15;
	v0 =	vsel vm0, $0x4B000000, v0;
	s14 =	sshll.u32 s15, $0x5;
	s15 =	sshll.u32 s15, $0x9  }
0x9: {  	vm15 =	vcmask $0xB08;
	p0 =	seq.s32 s3, $0x1;
	_ =	strace $0x80000047;
	s6 =	ssub.s32 $0x2, s3;
	v0 =	vsel vm14, $0x4B000400, v0  }
0xa: {  	vm4 =	vcmask $0xF0C;
	s3 =	sshll.u32 s3, $0x4;
	s14 =	sand.u32 $0x60, s14;
	s15 =	sand.u32 $0x1800, s15;
	v0 =	vsel vm15, $0x4B000800, v0  }
0xb: {  	vm5 =	vcmask $0x1310;
	s4 =	simm.s32 @!p0 $0x0;
	s7 =	sshrl.u32 s6, $0x1;
	s2 =	sadd.s32 s3, s2;
	v0 =	vsel vm4, $0x4B000C00, v0  }
0xc: {  	vm6 =	vcmask $0x1714;
	s13 =	sadd.s32 s5, s4;
	s23 =	ssub.s32 s6, s7;
	s2 =	sadd.s32 s14, s2;
	v0 =	vsel vm5, $0x4B001000, v0  }
0xd: {  	vm7 =	vcmask $0x1B18;
	s4 =	sshrl.u32 s13, $0x3;
	s26 =	sadd.s32 $0x6000, s13;
	s9 =	sadd.s32 $0x9000, s13;
	v0 =	vsel vm6, $0x4B001400, v0  }
0xe: {  	vm8 =	vcmask $0x1F1C;
	s11 =	sadd.s32 $0xC000, s13;
	s13 =	sadd.s32 $0xF000, s13;
	s31 =	sadd.s32 s15, s2;
	v0 =	vsel vm7, $0x4B001800, v0  }
0xf: {  	vm9 =	vcmask $0x2320;
	s24 =	sadd.s32 s0, s4;
	s25 =	sadd.s32 $0x600, s4;
	s4 =	sadd.s32 s1, s4;
	v0 =	vsel vm8, $0x4B001C00, v0  }
0x10: {  	vm10 =	vcmask $0x2724;
	s8 =	sshrl.u32 s26, $0x3;
	s10 =	sshrl.u32 s9, $0x3;
	s12 =	sshrl.u32 s11, $0x3;
	v0 =	vsel vm9, $0x4B002000, v0  }
0x11: {  	vm11 =	vcmask $0x2B28;
	s16 =	sshrl.u32 s13, $0x3;
	s15 =	sadd.s32 $0x600, s31;
	[dreg:$0x4] =	wrdreg s24;
	v0 =	vsel vm10, $0x4B002400, v0  }
0x12: {  	vm12 =	vcmask $0x2F2C;
	[dreg:$0x5] =	wrdreg s4;
	s28 =	sadd.s32 s0, s25;
	s6 =	sadd.s32 s1, s25;
	v0 =	vsel vm11, $0x4B002800, v0  }
0x13: {  	vm13 =	vcmask $0x3330;
	s7 =	sadd.s32 s0, s8;
	s8 =	sadd.s32 s1, s8;
	s9 =	sadd.s32 s0, s10;
	v0 =	vsel vm12, $0x4B002C00, v0  }
0x14: {  	vm14 =	vcmask $0x3734;
	s10 =	sadd.s32 s1, s10;
	s11 =	sadd.s32 s0, s12;
	s12 =	sadd.s32 s1, s12;
	v0 =	vsel vm13, $0x4B003000, v0  }
0x15: {  	vm15 =	vcmask $0x3B38;
	s13 =	sadd.s32 s0, s16;
	s14 =	sadd.s32 s1, s16;
	s16 =	smax.u32 s23, $0x1;
	v1 =	vsel vm14, $0x4B003400, v0  }
0x16: {  	s23 =	simm.s32 $0x3;
	s24 =	simm.s32 $0x4;
	[dreg:$0x6] =	wrdreg s28;
	v0 =	vimm.s32 $0x0;
	v1 =	vsel vm15, $0x4B003800, v1  }
.LBB2_1:
0x17: {  	s0 =	simm.s32 $0x0;
	s1 =	rddreg [dreg:$0x4]  }
0x18: {  	[tilespmem:s0], [sflag:$0x1] =	stream.linear.gather [hbm4b:s1+s0], $0x3000, $0x38;
	[tilespmem:$0x10800] =	vst v63  }
0x19: {  	s31 =	rddreg [dreg:$0x5]  }
0x1a: {  	[tilespmem:s17], [sflag:$0x2] =	stream.linear.gather [hbm4b:s31+s0], $0x3000, $0x38;
	[tilespmem:$0x10800] =	vst v63  }
0x1b: {  	s0 =	simm.s32 $0xC020  }
0x1c: {  	[tilespmem:s0+$0xFFFFFFE0] =	vst v0  }
0x1d: {  	[tilespmem:s0+$0x10] =	vst v0  }
0x1e: {  	s1 =	simm.s32 $0x0;
	[tilespmem:s0+$0x0] =	vst v0  }
.LBB2_2:
0x1f: {  	s1 =	sadd.s32 $0x4, s1  }
0x20: {  	[tilespmem:s0+$0xFFFFFFF0] =	vst v0;
	s0 =	sadd.s32 $0x40, s0;
	p0 =	slt.u32 s1, $0x3FC  }
.Ltmp0:
0x21: {  	[tilespmem:s0+$0xFFFFFFE0] =	vst v0;
	(pc) =	sbr.rel @p0 .LBB2_2-.Ltmp0, $3  }
0x22: {  	_ =	sdelay $0x1  }
0x23: {  	[tilespmem:s0+$0x10] =	vst v0  }
0x24: {  	[tilespmem:s0+$0x0] =	vst v0  }
0x25: {  	[tilespmem:s0+$0xFFFFFFF0] =	vst v0  }
0x26: {  	s25 =	simm.s32 $0x0;
	s1 =	rddreg [dreg:$0x6]  }
0x27: {  	[tilespmem:s18], [sflag:$0x3] =	stream.linear.gather [hbm4b:s1+s25], $0x3000, $0x38;
	[tilespmem:$0x10800] =	vst v63  }
0x28: {  	_ = 	snop  }
0x29: {  	[tilespmem:s19], [sflag:$0x4] =	stream.linear.gather [hbm4b:s6+s25], $0x3000, $0x38;
	[tilespmem:$0x10800] =	vst v63  }
0x2a: {  	_ =	swait.ge [sflag:s20], $0x3000  }
0x2b: {  	s26 =	sand.u32 $0x2, s25;
	[sflag:s20] =	ssyncset.done $0x0  }
0x2c: {  	s1 =	smul.u32 $0xC00, s26;
	[sflag:s20] =	ssyncadd.s32 $0xFFFFD000  }
0x2d: {  	s2 =	sand.u32 $0xC00, s25;
	_ =	swait.ge [sflag:s21], $0x3000  }
0x2e: {  	s0 =	sand.u32 $0x70, s25;
	s1 =	sadd.s32 s2, s1;
	[sflag:s21] =	ssyncset.done $0x0  }
0x2f: {  	s0 =	sor.u32 s0, s1;
	[sflag:s21] =	ssyncadd.s32 $0xFFFFD000  }
0x30: {  	v2 =	vld [tilespmem:s0+$0x3F80]  }
0x31: {  	v3 =	vld [tilespmem:s0+$0x3000]  }
0x32: {  	v4 =	vld [tilespmem:s0+$0xF80]  }
0x33: {  	v5 =	vld [tilespmem:s0+$0x3080]  }
0x34: {  	v6 =	vld [tilespmem:s0+$0x3100]  }
0x35: {  	v7 =	vld [tilespmem:s0+$0x3180]  }
0x36: {  	v8 =	vld [tilespmem:s0+$0x3200]  }
0x37: {  	v9 =	vld [tilespmem:s0+$0x3280]  }
0x38: {  	v10 =	vld [tilespmem:s0+$0x3300]  }
0x39: {  	v12 =	vld [tilespmem:s0+$0x3380]  }
0x3a: {  	v13 =	vld [tilespmem:s0+$0x3C00]  }
0x3b: {  	v17 =	vld [tilespmem:s0+$0x3D80]  }
0x3c: {  	v20 =	vld [tilespmem:s0+$0x3E80]  }
0x3d: {  	v34 =	vld [tilespmem:s0+$0x100];
	v11 =	vcvt.s32.f32 v2  }
0x3e: {  	v35 =	vld [tilespmem:s0+$0x180];
	v14 =	vcvt.s32.f32 v3;
	v15 =	vadd.s32 $0x2000, v3;
	v16 =	vcvt.s32.f32 v5  }
0x3f: {  	v37 =	vld [tilespmem:s0+$0x200];
	v5 =	vadd.s32 $0x2000, v5;
	v18 =	vcvt.s32.f32 v6;
	v31 =	vadd.s32 $0x2000, v6  }
0x40: {  	v55 =	vld [tilespmem:s0+$0x380];
	v19 =	vcvt.s32.f32 v7;
	v32 =	vadd.s32 $0x2000, v7;
	v7 =	vcvt.s32.f32 v8  }
0x41: {  	v3 =	vld [tilespmem:s0+$0x3D00];
	v29 =	vadd.s32 $0x2000, v8;
	v8 =	vcvt.s32.f32 v9;
	v30 =	vadd.s32 $0x2000, v9  }
0x42: {  	v6 =	vld [tilespmem:s0+$0x3E00];
	v9 =	vcvt.s32.f32 v10;
	v28 =	vadd.s32 $0x2000, v10;
	v22 =	vcvt.s32.f32 v12  }
0x43: {  	v26 =	vadd.s32 $0x2000, v12;
	v33 =	vcvt.s32.f32 v13;
	v4 =	vsub.f32 v4, v11;
	v11 =	vld [tilespmem:s0+$0x3C80]  }
0x44: {  	v10 =	vld [tilespmem:s0+$0x0];
	v27 =	vadd.s32 $0x2000, v13;
	v36 =	vcvt.s32.f32 v17;
	v23 =	vadd.s32 $0x2000, v17  }
0x45: {  	v56 =	vld [tilespmem:s0+$0xC00];
	v17 =	vadd.s32 $0x2000, v2;
	v2 =	vadd.s32 $0x2000, v20;
	v18 =	vsub.f32 v34, v18  }
0x46: {  	v21 =	vld [tilespmem:s0+$0x3F00];
	v19 =	vsub.f32 v35, v19;
	v7 =	vsub.f32 v37, v7;
	v4 =	vand.u32 $0x7FFFFFFF, v4  }
0x47: {  	v12 =	vld [tilespmem:s0+$0x80];
	v22 =	vsub.f32 v55, v22;
	v4 =	vmul.f32 $1.280000000e+02, v4;
	v24 =	vadd.s32 $0x2000, v3  }
0x48: {  	v57 =	vld [tilespmem:s0+$0xC80];
	v38 =	vcvt.s32.f32 v6;
	v13 =	vcvt.s32.f32 v11;
	v25 =	vadd.s32 $0x2000, v11  }
0x49: {  	v11 =	vcvt.s32.f32 v3;
	v3 =	vadd.s32 $0x2000, v6;
	v6 =	vsub.f32 v10, v14;
	v14 =	vld [tilespmem:s0+$0x280]  }
0x4a: {  	v33 =	vsub.f32 v56, v33;
	v18 =	vand.u32 $0x7FFFFFFF, v18;
	v10 =	vcvt.s32.f32 v20;
	v20 =	vld [tilespmem:s0+$0x300]  }
0x4b: {  	v58 =	vld [tilespmem:s0+$0xE00];
	v19 =	vand.u32 $0x7FFFFFFF, v19;
	v7 =	vand.u32 $0x7FFFFFFF, v7;
	v4 =	vadd.f32 v1, v4  }
0x4c: {  	v39 =	vld [tilespmem:s0+$0xE80];
	v22 =	vand.u32 $0x7FFFFFFF, v22;
	v12 =	vsub.f32 v12, v16;
	v16 =	vcvt.s32.f32 v21  }
0x4d: {  	s28 =	simm.s32 $0x2;
	v59 =	vld [tilespmem:s0+$0xF00];
	v18 =	vmul.f32 $1.280000000e+02, v18;
	v7 =	vmul.f32 $1.280000000e+02, v7;
	v4 =	vand.u32 $0x3FFF, v4  }
0x4e: {  	s1 =	sand.u32 $0x2, s28;
	v19 =	vmul.f32 $1.280000000e+02, v19;
	v22 =	vmul.f32 $1.280000000e+02, v22;
	v8 =	vsub.f32 v14, v8;
	v14 =	vld [tilespmem:s0+$0xD00]  }
0x4f: {  	s31 =	smul.u32 $0xC00, s1;
	v12 =	vand.u32 $0x7FFFFFFF, v12;
	v7 =	vadd.f32 v1, v7;
	v9 =	vsub.f32 v20, v9;
	v20 =	vld [tilespmem:s0+$0xD80];
	s0 =	simm.s32 $0x40  }
0x50: {  	s1 =	simm.s32 $0x8;
	v12 =	vmul.f32 $1.280000000e+02, v12;
	v6 =	vand.u32 $0x7FFFFFFF, v6;
	v13 =	vsub.f32 v57, v13;
	s3 =	sand.u32 $0xC00, s0  }
0x51: {  	s25 =	sand.u32 $0x70, s1;
	v22 =	vadd.f32 v1, v22;
	v10 =	vsub.f32 v39, v10;
	v6 =	vmul.f32 $1.280000000e+02, v6;
	s2 =	sadd.s32 s3, s31  }
0x52: {  	v12 =	vadd.f32 v1, v12;
	v13 =	vand.u32 $0x7FFFFFFF, v13;
	[tilespmem:v4+s22+$0x0] =	vst.idx.add.s32.msk $0xffff, v17;
	v4 =	vand.u32 $0x7FFFFFFF, v33;
	s2 =	sor.u32 s25, s2  }
0x53: {  	v10 =	vand.u32 $0x7FFFFFFF, v10;
	v17 =	vmul.f32 $1.280000000e+02, v4;
	v4 =	vadd.s32 $0x2000, v21;
	v21 =	vld [tilespmem:s2+$0x3100]  }
0x54: {  	v6 =	vadd.f32 v1, v6;
	v12 =	vand.u32 $0x3FFF, v12;
	v10 =	vmul.f32 $1.280000000e+02, v10;
	v60 =	vld [tilespmem:s2+$0x3180]  }
0x55: {  	v34 =	vand.u32 $0x3FFF, v7;
	v41 =	vand.u32 $0x3FFF, v22;
	v13 =	vmul.f32 $1.280000000e+02, v13;
	v62 =	vld [tilespmem:s2+$0x3200]  }
0x56: {  	v8 =	vand.u32 $0x7FFFFFFF, v8;
	v6 =	vand.u32 $0x3FFF, v6;
	v7 =	vadd.f32 v1, v10;
	v10 =	vld [tilespmem:s2+$0x3300]  }
0x57: {  	v9 =	vand.u32 $0x7FFFFFFF, v9;
	v13 =	vadd.f32 v1, v13;
	v8 =	vmul.f32 $1.280000000e+02, v8;
	v63 =	vld [tilespmem:s2+$0x3380]  }
0x58: {  	v9 =	vmul.f32 $1.280000000e+02, v9;
	v22 =	vld [tilespmem:s2+$0x3C00];
	v11 =	vsub.f32 v14, v11;
	v14 =	vsub.f32 v20, v36  }
0x59: {  	v43 =	vand.u32 $0x3FFF, v13;
	[tilespmem:v12+s22+$0x0] =	vst.idx.add.s32.msk $0xffff, v5;
	v12 =	vsub.f32 v59, v16;
	v8 =	vadd.f32 v1, v8  }
0x5a: {  	v13 =	vand.u32 $0x3FFF, v7;
	v20 =	vld [tilespmem:s2+$0x3F80];
	v9 =	vadd.f32 v1, v9;
	v17 =	vadd.f32 v1, v17  }
0x5b: {  	v11 =	vand.u32 $0x7FFFFFFF, v11;
	[tilespmem:v6+s22+$0x0] =	vst.idx.add.s32.msk $0xffff, v15;
	v6 =	vsub.f32 v58, v38;
	v14 =	vand.u32 $0x7FFFFFFF, v14  }
0x5c: {  	v46 =	vld [tilespmem:s2+$0x3D00];
	v12 =	vand.u32 $0x7FFFFFFF, v12;
	v38 =	vand.u32 $0x3FFF, v8;
	v40 =	vand.u32 $0x3FFF, v9  }
0x5d: {  	v16 =	vld [tilespmem:s2+$0xF80];
	v42 =	vand.u32 $0x3FFF, v17;
	v5 =	vmul.f32 $1.280000000e+02, v11;
	v11 =	vmul.f32 $1.280000000e+02, v14  }
0x5e: {  	v48 =	vld [tilespmem:s2+$0x3D80];
	v14 =	vadd.f32 v1, v18;
	v18 =	vadd.f32 v1, v19;
	v12 =	vmul.f32 $1.280000000e+02, v12  }
0x5f: {  	v50 =	vld [tilespmem:s2+$0x3E00];
	v6 =	vand.u32 $0x7FFFFFFF, v6;
	v51 =	vcvt.s32.f32 v21;
	v52 =	vcvt.s32.f32 v60  }
0x60: {  	v54 =	vld [tilespmem:s2+$0x0];
	v7 =	vadd.s32 $0x2000, v21;
	v33 =	vcvt.s32.f32 v62;
	v61 =	vcvt.s32.f32 v20  }
0x61: {  	v15 =	vld [tilespmem:s2+$0x3000];
	v9 =	vadd.s32 $0x2000, v62;
	v55 =	vcvt.s32.f32 v10;
	v57 =	vcvt.s32.f32 v63  }
0x62: {  	v17 =	vld [tilespmem:s2+$0x3C80];
	v39 =	vcvt.s32.f32 v22;
	v35 =	vand.u32 $0x3FFF, v14;
	v14 =	vsub.f32 v16, v61  }
0x63: {  	v19 =	vld [tilespmem:s2+$0x3080];
	v59 =	vcvt.s32.f32 v46;
	v6 =	vmul.f32 $1.280000000e+02, v6;
	v5 =	vadd.f32 v1, v5  }
0x64: {  	v53 =	vld [tilespmem:s2+$0x3F00];
	v37 =	vand.u32 $0x3FFF, v18;
	v11 =	vadd.f32 v1, v11;
	v8 =	vand.u32 $0x7FFFFFFF, v14  }
0x65: {  	v56 =	vld [tilespmem:s2+$0x80];
	v12 =	vadd.f32 v1, v12;
	v6 =	vadd.f32 v1, v6;
	v8 =	vmul.f32 $1.280000000e+02, v8  }
0x66: {  	v21 =	vld [tilespmem:s2+$0x3E80];
	v44 =	vand.u32 $0x3FFF, v5;
	v45 =	vand.u32 $0x3FFF, v11;
	v47 =	vcvt.s32.f32 v15  }
0x67: {  	v18 =	vld [tilespmem:s2+$0x3280];
	v12 =	vand.u32 $0x3FFF, v12;
	v15 =	vadd.s32 $0x2000, v15;
	v5 =	vadd.f32 v1, v8  }
0x68: {  	v58 =	vcvt.s32.f32 v17;
	v49 =	vcvt.s32.f32 v19;
	v47 =	vsub.f32 v54, v47;
	v54 =	vld [tilespmem:s2+$0x200]  }
0x69: {  	v62 =	vld [tilespmem:s2+$0x300];
	v17 =	vadd.s32 $0x2000, v17;
	v61 =	vcvt.s32.f32 v53;
	v11 =	vand.u32 $0x3FFF, v5  }
0x6a: {  	v16 =	vadd.s32 $0x2000, v19;
	v19 =	vadd.s32 $0x2000, v46;
	v49 =	vsub.f32 v56, v49;
	v56 =	vld [tilespmem:s2+$0x280]  }
0x6b: {  	[tilespmem:v43+s22+$0x0] =	vst.idx.add.s32.msk $0xffff, v25;
	v46 =	vcvt.s32.f32 v48;
	v14 =	vand.u32 $0x3FFF, v6;
	v6 =	vadd.s32 $0x2000, v10  }
0x6c: {  	v10 =	vadd.s32 $0x2000, v63;
	v63 =	vld [tilespmem:s2+$0x380];
	v36 =	vcvt.s32.f32 v18;
	v47 =	vand.u32 $0x7FFFFFFF, v47  }
0x6d: {  	v5 =	vadd.s32 $0x2000, v18;
	v18 =	vadd.s32 $0x2000, v20;
	v33 =	vsub.f32 v54, v33;
	v54 =	vld [tilespmem:s2+$0xC80]  }
0x6e: {  	v55 =	vsub.f32 v62, v55;
	v8 =	vadd.s32 $0x2000, v60;
	v47 =	vmul.f32 $1.280000000e+02, v47;
	[tilespmem:v11+s22+$0x0] =	vst.idx.add.s32.msk $0xffff, v18  }
0x6f: {  	v49 =	vand.u32 $0x7FFFFFFF, v49;
	v36 =	vsub.f32 v56, v36;
	v11 =	vadd.s32 $0x2000, v22;
	v22 =	vld [tilespmem:s2+$0x100]  }
0x70: {  	v60 =	vld [tilespmem:s2+$0x180];
	v49 =	vmul.f32 $1.280000000e+02, v49;
	v47 =	vadd.f32 v1, v47;
	v33 =	vand.u32 $0x7FFFFFFF, v33  }
0x71: {  	[tilespmem:v38+s22+$0x0] =	vst.idx.add.s32.msk $0xffff, v30;
	v62 =	vmul.f32 $1.280000000e+02, v33;
	v33 =	vand.u32 $0x7FFFFFFF, v36;
	v36 =	vsub.f32 v63, v57  }
0x72: {  	[tilespmem:v40+s22+$0x0] =	vst.idx.add.s32.msk $0xffff, v28;
	v28 =	vadd.f32 v1, v49;
	v63 =	vmul.f32 $1.280000000e+02, v33;
	v33 =	vand.u32 $0x7FFFFFFF, v55  }
0x73: {  	v55 =	vmul.f32 $1.280000000e+02, v33;
	v33 =	vand.u32 $0x7FFFFFFF, v36;
	v36 =	vsub.f32 v54, v58;
	v54 =	vld [tilespmem:s2+$0xF00]  }
0x74: {  	v20 =	vadd.s32 $0x2000, v50;
	v51 =	vsub.f32 v22, v51;
	v22 =	vadd.s32 $0x2000, v53;
	v53 =	vld [tilespmem:s2+$0xC00]  }
0x75: {  	v56 =	vld [tilespmem:s2+$0xD00];
	v25 =	vand.u32 $0x3FFF, v47;
	v52 =	vsub.f32 v60, v52;
	v28 =	vand.u32 $0x3FFF, v28  }
0x76: {  	v60 =	vld [tilespmem:s2+$0xD80];
	v18 =	vadd.s32 $0x2000, v48;
	v48 =	vcvt.s32.f32 v50;
	v50 =	vcvt.s32.f32 v21  }
0x77: {  	v57 =	vld [tilespmem:s2+$0xE00];
	v21 =	vadd.s32 $0x2000, v21;
	v52 =	vand.u32 $0x7FFFFFFF, v52;
	v38 =	vadd.f32 v1, v62  }
0x78: {  	[tilespmem:v35+s22+$0x0] =	vst.idx.add.s32.msk $0xffff, v31;
	v52 =	vmul.f32 $1.280000000e+02, v52;
	v31 =	vand.u32 $0x7FFFFFFF, v36;
	v36 =	vadd.f32 v1, v63  }
0x79: {  	v58 =	vmul.f32 $1.280000000e+02, v33;
	v30 =	vsub.f32 v54, v61;
	v39 =	vsub.f32 v53, v39;
	v53 =	vld [tilespmem:s2+$0xE80]  }
0x7a: {  	[tilespmem:v37+s22+$0x0] =	vst.idx.add.s32.msk $0xffff, v32;
	v37 =	vadd.f32 v1, v55;
	v40 =	vadd.f32 v1, v52;
	v51 =	vand.u32 $0x7FFFFFFF, v51  }
0x7b: {  	[tilespmem:v41+s22+$0x0] =	vst.idx.add.s32.msk $0xffff, v26;
	v26 =	vand.u32 $0x7FFFFFFF, v30;
	v33 =	vand.u32 $0x7FFFFFFF, v39;
	v39 =	vsub.f32 v56, v59  }
0x7c: {  	v51 =	vmul.f32 $1.280000000e+02, v51;
	v59 =	vsub.f32 v60, v46;
	v60 =	vsub.f32 v57, v48  }
0x7d: {  	v56 =	vmul.f32 $1.280000000e+02, v33;
	v33 =	vmul.f32 $1.280000000e+02, v31;
	v31 =	vand.u32 $0x7FFFFFFF, v39  }
0x7e: {  	[tilespmem:v34+s22+$0x0] =	vst.idx.add.s32.msk $0xffff, v29;
	v29 =	vand.u32 $0x7FFFFFFF, v59;
	v34 =	vmul.f32 $1.280000000e+02, v31;
	v31 =	vsub.f32 v53, v50  }
0x7f: {  	[tilespmem:v42+s22+$0x0] =	vst.idx.add.s32.msk $0xffff, v27;
	v30 =	vmul.f32 $1.280000000e+02, v26;
	v35 =	vmul.f32 $1.280000000e+02, v29;
	v29 =	vand.u32 $0x7FFFFFFF, v60  }
0x80: {  	[tilespmem:v44+s22+$0x0] =	vst.idx.add.s32.msk $0xffff, v24;
	v32 =	vmul.f32 $1.280000000e+02, v29;
	v29 =	vand.u32 $0x7FFFFFFF, v31;
	v31 =	vadd.f32 v1, v51  }
0x81: {  	s26 =	simm.s32 $0x4;
	s25 =	simm.s32 $0x10;
	[tilespmem:v45+s22+$0x0] =	vst.idx.add.s32.msk $0xffff, v23;
	v39 =	vadd.f32 v1, v58;
	v27 =	vadd.f32 v1, v56;
	v29 =	vmul.f32 $1.280000000e+02, v29  }
.LBB2_4:
0x82: {  	s2 =	sand.u32 $0x2, s26;
	s25 =	sadd.s32 $0x10, s25;
	v31 =	vand.u32 $0x3FFF, v31;
	v24 =	vadd.f32 v1, v33;
	v26 =	vadd.f32 v1, v34;
	[tilespmem:v14+s22+$0x0] =	vst.idx.add.s32.msk $0xffff, v3  }
0x83: {  	v33 =	vand.u32 $0x3FFF, v40;
	v14 =	vadd.f32 v1, v35;
	v40 =	vadd.f32 v1, v32;
	s0 =	sadd.s32 $0x40, s0;
	s2 =	smul.u32 $0xC00, s2;
	p0 =	slt.u32 s25, $0x2F0;
	[tilespmem:v13+s22+$0x0] =	vst.idx.add.s32.msk $0xffff, v2  }
0x84: {  	v34 =	vand.u32 $0x3FFF, v38;
	v41 =	vadd.f32 v1, v29;
	v38 =	vadd.f32 v1, v30;
	s1 =	sadd.s32 $0x8, s1;
	s3 =	sand.u32 $0xC00, s0;
	[tilespmem:v12+s22+$0x0] =	vst.idx.add.s32.msk $0xffff, v4  }
0x85: {  	v35 =	vand.u32 $0x3FFF, v36;
	v32 =	vand.u32 $0x3FFF, v37;
	v23 =	vmovc v19;
	s28 =	sand.u32 $0x70, s1;
	v29 =	vand.u32 $0x3FFF, v39;
	s2 =	sadd.s32 s3, s2;
	[tilespmem:v25+s22+$0x0] =	vst.idx.add.s32.msk $0xffff, v15;
	v25 =	vmovc v17  }
0x86: {  	v3 =	vmovc v20;
	v30 =	vand.u32 $0x3FFF, v27;
	v27 =	vand.u32 $0x3FFF, v26;
	s2 =	sor.u32 s28, s2;
	[tilespmem:v28+s22+$0x0] =	vst.idx.add.s32.msk $0xffff, v16;
	v28 =	vand.u32 $0x3FFF, v24;
	v24 =	vmovc v18  }
0x87: {  	v2 =	vmovc v21;
	v26 =	vand.u32 $0x3FFF, v14;
	v14 =	vand.u32 $0x3FFF, v40;
	v13 =	vand.u32 $0x3FFF, v41;
	v4 =	vmovc v22;
	v20 =	vld [tilespmem:s2+$0x3F80]  }
0x88: {  	v12 =	vand.u32 $0x3FFF, v38;
	v15 =	vld [tilespmem:s2+$0x3000]  }
0x89: {  	v16 =	vld [tilespmem:s2+$0xF80]  }
0x8a: {  	v17 =	vld [tilespmem:s2+$0x3080]  }
0x8b: {  	v18 =	vld [tilespmem:s2+$0x3100]  }
0x8c: {  	v19 =	vld [tilespmem:s2+$0x3180];
	v21 =	vcvt.s32.f32 v20  }
0x8d: {  	v36 =	vcvt.s32.f32 v15;
	v15 =	vadd.s32 $0x2000, v15;
	v22 =	vld [tilespmem:s2+$0x3200]  }
0x8e: {  	v37 =	vld [tilespmem:s2+$0x3280];
	v21 =	vsub.f32 v16, v21  }
0x8f: {  	v38 =	vcvt.s32.f32 v17;
	v16 =	vadd.s32 $0x2000, v17;
	v17 =	vld [tilespmem:s2+$0x3300]  }
0x90: {  	v39 =	vcvt.s32.f32 v18;
	v40 =	vadd.s32 $0x2000, v18;
	v18 =	vld [tilespmem:s2+$0x3380];
	v21 =	vand.u32 $0x7FFFFFFF, v21  }
0x91: {  	v41 =	vcvt.s32.f32 v19;
	v42 =	vadd.s32 $0x2000, v19;
	v19 =	vld [tilespmem:s2+$0x3C00];
	v21 =	vmul.f32 $1.280000000e+02, v21  }
0x92: {  	v43 =	vcvt.s32.f32 v22;
	v44 =	vadd.s32 $0x2000, v22;
	v22 =	vld [tilespmem:s2+$0x3C80]  }
0x93: {  	v45 =	vcvt.s32.f32 v37;
	v37 =	vadd.s32 $0x2000, v37;
	v46 =	vld [tilespmem:s2+$0x3D00];
	v21 =	vadd.f32 v1, v21  }
0x94: {  	v47 =	vcvt.s32.f32 v17;
	v48 =	vadd.s32 $0x2000, v17;
	v49 =	vld [tilespmem:s2+$0x3D80]  }
0x95: {  	v50 =	vcvt.s32.f32 v18;
	v51 =	vadd.s32 $0x2000, v18;
	v52 =	vld [tilespmem:s2+$0x3E00];
	v21 =	vand.u32 $0x3FFF, v21  }
0x96: {  	v53 =	vcvt.s32.f32 v19;
	v54 =	vadd.s32 $0x2000, v19;
	v55 =	vld [tilespmem:s2+$0x3E80]  }
0x97: {  	v56 =	vcvt.s32.f32 v22;
	v17 =	vadd.s32 $0x2000, v22;
	v22 =	vld [tilespmem:s2+$0x3F00]  }
0x98: {  	v57 =	vld [tilespmem:s2+$0x0];
	v58 =	vcvt.s32.f32 v46;
	v19 =	vadd.s32 $0x2000, v46  }
0x99: {  	v46 =	vld [tilespmem:s2+$0x80];
	v59 =	vcvt.s32.f32 v49;
	v18 =	vadd.s32 $0x2000, v49;
	v49 =	vadd.s32 $0x2000, v20  }
0x9a: {  	v60 =	vcvt.s32.f32 v52;
	v20 =	vadd.s32 $0x2000, v52;
	[tilespmem:v21+s22+$0x0] =	vst.idx.add.s32.msk $0xffff, v49  }
0x9b: {  	v49 =	vld [tilespmem:s2+$0x100];
	v52 =	vcvt.s32.f32 v55;
	v21 =	vadd.s32 $0x2000, v55  }
0x9c: {  	v55 =	vld [tilespmem:s2+$0x180];
	v61 =	vcvt.s32.f32 v22;
	v22 =	vadd.s32 $0x2000, v22  }
0x9d: {  	v36 =	vsub.f32 v57, v36;
	v57 =	vld [tilespmem:s2+$0x200]  }
0x9e: {  	v38 =	vsub.f32 v46, v38;
	v46 =	vld [tilespmem:s2+$0x280]  }
0x9f: {  	v36 =	vand.u32 $0x7FFFFFFF, v36;
	v62 =	vld [tilespmem:s2+$0x300]  }
0xa0: {  	v36 =	vmul.f32 $1.280000000e+02, v36;
	v38 =	vand.u32 $0x7FFFFFFF, v38;
	v39 =	vsub.f32 v49, v39;
	v49 =	vld [tilespmem:s2+$0x380]  }
0xa1: {  	v38 =	vmul.f32 $1.280000000e+02, v38;
	v41 =	vsub.f32 v55, v41;
	v55 =	vld [tilespmem:s2+$0xC00]  }
0xa2: {  	v36 =	vadd.f32 v1, v36;
	v39 =	vand.u32 $0x7FFFFFFF, v39;
	v43 =	vsub.f32 v57, v43;
	v57 =	vld [tilespmem:s2+$0xC80]  }
0xa3: {  	v39 =	vmul.f32 $1.280000000e+02, v39;
	v41 =	vand.u32 $0x7FFFFFFF, v41;
	v45 =	vsub.f32 v46, v45;
	v46 =	vld [tilespmem:s2+$0xD00]  }
0xa4: {  	v41 =	vmul.f32 $1.280000000e+02, v41;
	v43 =	vand.u32 $0x7FFFFFFF, v43;
	v47 =	vsub.f32 v62, v47;
	v62 =	vld [tilespmem:s2+$0xD80]  }
0xa5: {  	v43 =	vmul.f32 $1.280000000e+02, v43;
	v45 =	vand.u32 $0x7FFFFFFF, v45;
	v49 =	vsub.f32 v49, v50;
	v50 =	vld [tilespmem:s2+$0xE00]  }
0xa6: {  	v45 =	vmul.f32 $1.280000000e+02, v45;
	v47 =	vand.u32 $0x7FFFFFFF, v47;
	v53 =	vsub.f32 v55, v53;
	v55 =	vld [tilespmem:s2+$0xE80]  }
0xa7: {  	v47 =	vmul.f32 $1.280000000e+02, v47;
	v49 =	vand.u32 $0x7FFFFFFF, v49;
	v56 =	vsub.f32 v57, v56;
	v57 =	vld [tilespmem:s2+$0xF00]  }
0xa8: {  	v49 =	vmul.f32 $1.280000000e+02, v49;
	v53 =	vand.u32 $0x7FFFFFFF, v53;
	v46 =	vsub.f32 v46, v58;
	[tilespmem:v31+s22+$0x0] =	vst.idx.add.s32.msk $0xffff, v7;
	v7 =	vmovc v40  }
0xa9: {  	v53 =	vmul.f32 $1.280000000e+02, v53;
	v31 =	vand.u32 $0x7FFFFFFF, v56;
	v40 =	vsub.f32 v62, v59;
	[tilespmem:v33+s22+$0x0] =	vst.idx.add.s32.msk $0xffff, v8;
	v8 =	vmovc v42  }
0xaa: {  	v33 =	vmul.f32 $1.280000000e+02, v31;
	v31 =	vand.u32 $0x7FFFFFFF, v46;
	v42 =	vsub.f32 v50, v60;
	[tilespmem:v34+s22+$0x0] =	vst.idx.add.s32.msk $0xffff, v9;
	v9 =	vmovc v44  }
0xab: {  	v34 =	vmul.f32 $1.280000000e+02, v31;
	v31 =	vand.u32 $0x7FFFFFFF, v40;
	v40 =	vsub.f32 v55, v52;
	[tilespmem:v35+s22+$0x0] =	vst.idx.add.s32.msk $0xffff, v5;
	v5 =	vmovc v37  }
0xac: {  	v35 =	vmul.f32 $1.280000000e+02, v31;
	v31 =	vand.u32 $0x7FFFFFFF, v42;
	v37 =	vsub.f32 v57, v61;
	[tilespmem:v32+s22+$0x0] =	vst.idx.add.s32.msk $0xffff, v6;
	v6 =	vmovc v48  }
.Ltmp1:
0xad: {  	v42 =	vadd.f32 v1, v38;
	v32 =	vmul.f32 $1.280000000e+02, v31;
	v38 =	vand.u32 $0x7FFFFFFF, v40;
	[tilespmem:v29+s22+$0x0] =	vst.idx.add.s32.msk $0xffff, v10;
	v10 =	vmovc v51;
	(pc) =	sbr.rel @p0 .LBB2_4-.Ltmp1, $4  }
0xae: {  	v31 =	vadd.f32 v1, v39;
	v29 =	vmul.f32 $1.280000000e+02, v38;
	v37 =	vand.u32 $0x7FFFFFFF, v37;
	[tilespmem:v30+s22+$0x0] =	vst.idx.add.s32.msk $0xffff, v11;
	v11 =	vmovc v54  }
0xaf: {  	v40 =	vadd.f32 v1, v41;
	v38 =	vadd.f32 v1, v43;
	v30 =	vmul.f32 $1.280000000e+02, v37;
	[tilespmem:v28+s22+$0x0] =	vst.idx.add.s32.msk $0xffff, v25  }
0xb0: {  	v25 =	vand.u32 $0x3FFF, v36;
	v36 =	vadd.f32 v1, v45;
	v37 =	vadd.f32 v1, v47;
	[tilespmem:v27+s22+$0x0] =	vst.idx.add.s32.msk $0xffff, v23  }
0xb1: {  	s26 =	sadd.s32 $0x2, s26;
	v39 =	vadd.f32 v1, v49;
	v28 =	vand.u32 $0x3FFF, v42;
	v27 =	vadd.f32 v1, v53;
	[tilespmem:v26+s22+$0x0] =	vst.idx.add.s32.msk $0xffff, v24  }
0xb2: {  	_ =	sdelay $0x3  }
0xb3: {  	v23 =	vand.u32 $0x3FFF, v31;
	[tilespmem:v14+s22+$0x0] =	vst.idx.add.s32.msk $0xffff, v3  }
0xb4: {  	v3 =	vand.u32 $0x3FFF, v40;
	[tilespmem:v13+s22+$0x0] =	vst.idx.add.s32.msk $0xffff, v2  }
0xb5: {  	v2 =	vand.u32 $0x3FFF, v38;
	[tilespmem:v12+s22+$0x0] =	vst.idx.add.s32.msk $0xffff, v4  }
0xb6: {  	[tilespmem:v25+s22+$0x0] =	vst.idx.add.s32.msk $0xffff, v15;
	v4 =	vand.u32 $0x3FFF, v36  }
0xb7: {  	v12 =	vand.u32 $0x3FFF, v37;
	[tilespmem:v28+s22+$0x0] =	vst.idx.add.s32.msk $0xffff, v16  }
0xb8: {  	v13 =	vadd.f32 v1, v33;
	v14 =	vand.u32 $0x3FFF, v39;
	[tilespmem:v23+s22+$0x0] =	vst.idx.add.s32.msk $0xffff, v7  }
0xb9: {  	v15 =	vand.u32 $0x3FFF, v27;
	v7 =	vadd.f32 v1, v34;
	[tilespmem:v3+s22+$0x0] =	vst.idx.add.s32.msk $0xffff, v8  }
0xba: {  	v3 =	vadd.f32 v1, v35;
	v8 =	vand.u32 $0x3FFF, v13;
	[tilespmem:v2+s22+$0x0] =	vst.idx.add.s32.msk $0xffff, v9  }
0xbb: {  	v2 =	vadd.f32 v1, v32;
	[tilespmem:v4+s22+$0x0] =	vst.idx.add.s32.msk $0xffff, v5;
	v7 =	vand.u32 $0x3FFF, v7  }
0xbc: {  	v4 =	vadd.f32 v1, v29;
	[tilespmem:v12+s22+$0x0] =	vst.idx.add.s32.msk $0xffff, v6;
	v3 =	vand.u32 $0x3FFF, v3  }
0xbd: {  	v5 =	vadd.f32 v1, v30;
	[tilespmem:v14+s22+$0x0] =	vst.idx.add.s32.msk $0xffff, v10;
	v2 =	vand.u32 $0x3FFF, v2  }
0xbe: {  	[tilespmem:v15+s22+$0x0] =	vst.idx.add.s32.msk $0xffff, v11;
	v4 =	vand.u32 $0x3FFF, v4  }
0xbf: {  	v5 =	vand.u32 $0x3FFF, v5;
	[tilespmem:v8+s22+$0x0] =	vst.idx.add.s32.msk $0xffff, v17  }
0xc0: {  	[tilespmem:v7+s22+$0x0] =	vst.idx.add.s32.msk $0xffff, v19  }
0xc1: {  	[tilespmem:v3+s22+$0x0] =	vst.idx.add.s32.msk $0xffff, v18  }
0xc2: {  	[tilespmem:v2+s22+$0x0] =	vst.idx.add.s32.msk $0xffff, v20  }
0xc3: {  	[tilespmem:v4+s22+$0x0] =	vst.idx.add.s32.msk $0xffff, v21  }
0xc4: {  	s0 =	simm.s32 $0x0;
	[tilespmem:v5+s22+$0x0] =	vst.idx.add.s32.msk $0xffff, v22  }
0xc5: {  	[tilespmem:s0], [sflag:$0x1] =	stream.linear.gather [hbm4b:s7+s0], $0x3000, $0x38;
	[tilespmem:$0x10800] =	vst v63  }
0xc6: {  	_ = 	snop  }
0xc7: {  	[tilespmem:s17], [sflag:$0x2] =	stream.linear.gather [hbm4b:s8+s0], $0x3000, $0x38;
	[tilespmem:$0x10800] =	vst v63  }
0xc8: {  	_ =	swait.ge [sflag:s23], $0x3000  }
0xc9: {  	s1 =	sand.u32 $0x2, s0;
	[sflag:s23] =	ssyncset.done $0x0  }
0xca: {  	s1 =	smul.u32 $0xC00, s1;
	[sflag:s23] =	ssyncadd.s32 $0xFFFFD000  }
0xcb: {  	s2 =	sand.u32 $0xC00, s0;
	_ =	swait.ge [sflag:s24], $0x3000  }
0xcc: {  	s1 =	sadd.s32 s2, s1;
	s0 =	sand.u32 $0x70, s0;
	[sflag:s24] =	ssyncset.done $0x0  }
0xcd: {  	s0 =	sor.u32 s0, s1;
	[sflag:s24] =	ssyncadd.s32 $0xFFFFD000  }
0xce: {  	v2 =	vld [tilespmem:s0+$0x9F80]  }
0xcf: {  	v3 =	vld [tilespmem:s0+$0x9000]  }
0xd0: {  	v4 =	vld [tilespmem:s0+$0x6F80]  }
0xd1: {  	v5 =	vld [tilespmem:s0+$0x9080]  }
0xd2: {  	v6 =	vld [tilespmem:s0+$0x9100]  }
0xd3: {  	v7 =	vld [tilespmem:s0+$0x9180]  }
0xd4: {  	v8 =	vld [tilespmem:s0+$0x9200]  }
0xd5: {  	v9 =	vld [tilespmem:s0+$0x9280]  }
0xd6: {  	v10 =	vld [tilespmem:s0+$0x9300]  }
0xd7: {  	v12 =	vld [tilespmem:s0+$0x9380]  }
0xd8: {  	v13 =	vld [tilespmem:s0+$0x9C00]  }
0xd9: {  	v17 =	vld [tilespmem:s0+$0x9D80]  }
0xda: {  	v20 =	vld [tilespmem:s0+$0x9E80]  }
0xdb: {  	v49 =	vld [tilespmem:s0+$0x6100];
	v11 =	vcvt.s32.f32 v2  }
0xdc: {  	v50 =	vld [tilespmem:s0+$0x6180];
	v14 =	vcvt.s32.f32 v3;
	v15 =	vadd.s32 $0x2000, v3;
	v16 =	vcvt.s32.f32 v5  }
0xdd: {  	v52 =	vld [tilespmem:s0+$0x6200];
	v5 =	vadd.s32 $0x2000, v5;
	v18 =	vcvt.s32.f32 v6;
	v31 =	vadd.s32 $0x2000, v6  }
0xde: {  	v54 =	vld [tilespmem:s0+$0x6380];
	v19 =	vcvt.s32.f32 v7;
	v32 =	vadd.s32 $0x2000, v7;
	v7 =	vcvt.s32.f32 v8  }
0xdf: {  	v3 =	vld [tilespmem:s0+$0x9D00];
	v29 =	vadd.s32 $0x2000, v8;
	v8 =	vcvt.s32.f32 v9;
	v30 =	vadd.s32 $0x2000, v9  }
0xe0: {  	v6 =	vld [tilespmem:s0+$0x9E00];
	v9 =	vcvt.s32.f32 v10;
	v28 =	vadd.s32 $0x2000, v10;
	v22 =	vcvt.s32.f32 v12  }
0xe1: {  	v26 =	vadd.s32 $0x2000, v12;
	v48 =	vcvt.s32.f32 v13;
	v4 =	vsub.f32 v4, v11;
	v11 =	vld [tilespmem:s0+$0x9C80]  }
0xe2: {  	v10 =	vld [tilespmem:s0+$0x6000];
	v27 =	vadd.s32 $0x2000, v13;
	v51 =	vcvt.s32.f32 v17;
	v23 =	vadd.s32 $0x2000, v17  }
0xe3: {  	v55 =	vld [tilespmem:s0+$0x6C00];
	v17 =	vadd.s32 $0x2000, v2;
	v2 =	vadd.s32 $0x2000, v20;
	v18 =	vsub.f32 v49, v18  }
0xe4: {  	v21 =	vld [tilespmem:s0+$0x9F00];
	v19 =	vsub.f32 v50, v19;
	v7 =	vsub.f32 v52, v7;
	v4 =	vand.u32 $0x7FFFFFFF, v4  }
0xe5: {  	v12 =	vld [tilespmem:s0+$0x6080];
	v22 =	vsub.f32 v54, v22;
	v4 =	vmul.f32 $1.280000000e+02, v4;
	v24 =	vadd.s32 $0x2000, v3  }
0xe6: {  	v56 =	vld [tilespmem:s0+$0x6C80];
	v53 =	vcvt.s32.f32 v6;
	v13 =	vcvt.s32.f32 v11;
	v25 =	vadd.s32 $0x2000, v11  }
0xe7: {  	v11 =	vcvt.s32.f32 v3;
	v3 =	vadd.s32 $0x2000, v6;
	v6 =	vsub.f32 v10, v14;
	v14 =	vld [tilespmem:s0+$0x6280]  }
0xe8: {  	v33 =	vsub.f32 v55, v48;
	v18 =	vand.u32 $0x7FFFFFFF, v18;
	v10 =	vcvt.s32.f32 v20;
	v20 =	vld [tilespmem:s0+$0x6300]  }
0xe9: {  	v57 =	vld [tilespmem:s0+$0x6E00];
	v19 =	vand.u32 $0x7FFFFFFF, v19;
	v7 =	vand.u32 $0x7FFFFFFF, v7;
	v4 =	vadd.f32 v1, v4  }
0xea: {  	v58 =	vld [tilespmem:s0+$0x6E80];
	v22 =	vand.u32 $0x7FFFFFFF, v22;
	v12 =	vsub.f32 v12, v16;
	v16 =	vcvt.s32.f32 v21  }
0xeb: {  	s28 =	simm.s32 $0x2;
	v59 =	vld [tilespmem:s0+$0x6F00];
	v18 =	vmul.f32 $1.280000000e+02, v18;
	v7 =	vmul.f32 $1.280000000e+02, v7;
	v4 =	vand.u32 $0x3FFF, v4  }
0xec: {  	s1 =	sand.u32 $0x2, s28;
	v19 =	vmul.f32 $1.280000000e+02, v19;
	v22 =	vmul.f32 $1.280000000e+02, v22;
	v8 =	vsub.f32 v14, v8;
	v14 =	vld [tilespmem:s0+$0x6D00]  }
0xed: {  	s31 =	smul.u32 $0xC00, s1;
	v12 =	vand.u32 $0x7FFFFFFF, v12;
	v7 =	vadd.f32 v1, v7;
	v9 =	vsub.f32 v20, v9;
	v20 =	vld [tilespmem:s0+$0x6D80];
	s0 =	simm.s32 $0x40  }
0xee: {  	s1 =	simm.s32 $0x8;
	v12 =	vmul.f32 $1.280000000e+02, v12;
	v6 =	vand.u32 $0x7FFFFFFF, v6;
	v13 =	vsub.f32 v56, v13;
	s3 =	sand.u32 $0xC00, s0  }
0xef: {  	s25 =	sand.u32 $0x70, s1;
	v22 =	vadd.f32 v1, v22;
	v10 =	vsub.f32 v58, v10;
	v6 =	vmul.f32 $1.280000000e+02, v6;
	s2 =	sadd.s32 s3, s31  }
0xf0: {  	v12 =	vadd.f32 v1, v12;
	v13 =	vand.u32 $0x7FFFFFFF, v13;
	[tilespmem:v4+s22+$0x0] =	vst.idx.add.s32.msk $0xffff, v17;
	v4 =	vand.u32 $0x7FFFFFFF, v33;
	s2 =	sor.u32 s25, s2  }
0xf1: {  	v10 =	vand.u32 $0x7FFFFFFF, v10;
	v17 =	vmul.f32 $1.280000000e+02, v4;
	v4 =	vadd.s32 $0x2000, v21;
	v21 =	vld [tilespmem:s2+$0x9100]  }
0xf2: {  	v6 =	vadd.f32 v1, v6;
	v12 =	vand.u32 $0x3FFF, v12;
	v10 =	vmul.f32 $1.280000000e+02, v10;
	v60 =	vld [tilespmem:s2+$0x9180]  }
0xf3: {  	v34 =	vand.u32 $0x3FFF, v7;
	v41 =	vand.u32 $0x3FFF, v22;
	v13 =	vmul.f32 $1.280000000e+02, v13;
	v62 =	vld [tilespmem:s2+$0x9200]  }
0xf4: {  	v8 =	vand.u32 $0x7FFFFFFF, v8;
	v6 =	vand.u32 $0x3FFF, v6;
	v7 =	vadd.f32 v1, v10;
	v10 =	vld [tilespmem:s2+$0x9300]  }
0xf5: {  	v9 =	vand.u32 $0x7FFFFFFF, v9;
	v13 =	vadd.f32 v1, v13;
	v8 =	vmul.f32 $1.280000000e+02, v8;
	v63 =	vld [tilespmem:s2+$0x9380]  }
0xf6: {  	v9 =	vmul.f32 $1.280000000e+02, v9;
	v22 =	vld [tilespmem:s2+$0x9C00];
	v11 =	vsub.f32 v14, v11;
	v14 =	vsub.f32 v20, v51  }
0xf7: {  	v43 =	vand.u32 $0x3FFF, v13;
	[tilespmem:v12+s22+$0x0] =	vst.idx.add.s32.msk $0xffff, v5;
	v12 =	vsub.f32 v59, v16;
	v8 =	vadd.f32 v1, v8  }
0xf8: {  	v13 =	vand.u32 $0x3FFF, v7;
	v20 =	vld [tilespmem:s2+$0x9F80];
	v9 =	vadd.f32 v1, v9;
	v17 =	vadd.f32 v1, v17  }
0xf9: {  	v11 =	vand.u32 $0x7FFFFFFF, v11;
	[tilespmem:v6+s22+$0x0] =	vst.idx.add.s32.msk $0xffff, v15;
	v6 =	vsub.f32 v57, v53;
	v14 =	vand.u32 $0x7FFFFFFF, v14  }
0xfa: {  	v46 =	vld [tilespmem:s2+$0x9D00];
	v12 =	vand.u32 $0x7FFFFFFF, v12;
	v38 =	vand.u32 $0x3FFF, v8;
	v40 =	vand.u32 $0x3FFF, v9  }
0xfb: {  	v16 =	vld [tilespmem:s2+$0x6F80];
	v42 =	vand.u32 $0x3FFF, v17;
	v5 =	vmul.f32 $1.280000000e+02, v11;
	v11 =	vmul.f32 $1.280000000e+02, v14  }
0xfc: {  	v48 =	vld [tilespmem:s2+$0x9D80];
	v14 =	vadd.f32 v1, v18;
	v18 =	vadd.f32 v1, v19;
	v12 =	vmul.f32 $1.280000000e+02, v12  }
0xfd: {  	v50 =	vld [tilespmem:s2+$0x9E00];
	v6 =	vand.u32 $0x7FFFFFFF, v6;
	v51 =	vcvt.s32.f32 v21;
	v52 =	vcvt.s32.f32 v60  }
0xfe: {  	v54 =	vld [tilespmem:s2+$0x6000];
	v7 =	vadd.s32 $0x2000, v21;
	v33 =	vcvt.s32.f32 v62;
	v61 =	vcvt.s32.f32 v20  }
0xff: {  	v15 =	vld [tilespmem:s2+$0x9000];
	v9 =	vadd.s32 $0x2000, v62;
	v55 =	vcvt.s32.f32 v10;
	v57 =	vcvt.s32.f32 v63  }
0x100: {  	v17 =	vld [tilespmem:s2+$0x9C80];
	v39 =	vcvt.s32.f32 v22;
	v35 =	vand.u32 $0x3FFF, v14;
	v14 =	vsub.f32 v16, v61  }
0x101: {  	v19 =	vld [tilespmem:s2+$0x9080];
	v59 =	vcvt.s32.f32 v46;
	v6 =	vmul.f32 $1.280000000e+02, v6;
	v5 =	vadd.f32 v1, v5  }
0x102: {  	v53 =	vld [tilespmem:s2+$0x9F00];
	v37 =	vand.u32 $0x3FFF, v18;
	v11 =	vadd.f32 v1, v11;
	v8 =	vand.u32 $0x7FFFFFFF, v14  }
0x103: {  	v56 =	vld [tilespmem:s2+$0x6080];
	v12 =	vadd.f32 v1, v12;
	v6 =	vadd.f32 v1, v6;
	v8 =	vmul.f32 $1.280000000e+02, v8  }
0x104: {  	v21 =	vld [tilespmem:s2+$0x9E80];
	v44 =	vand.u32 $0x3FFF, v5;
	v45 =	vand.u32 $0x3FFF, v11;
	v47 =	vcvt.s32.f32 v15  }
0x105: {  	v18 =	vld [tilespmem:s2+$0x9280];
	v12 =	vand.u32 $0x3FFF, v12;
	v15 =	vadd.s32 $0x2000, v15;
	v5 =	vadd.f32 v1, v8  }
0x106: {  	v58 =	vcvt.s32.f32 v17;
	v49 =	vcvt.s32.f32 v19;
	v47 =	vsub.f32 v54, v47;
	v54 =	vld [tilespmem:s2+$0x6200]  }
0x107: {  	v62 =	vld [tilespmem:s2+$0x6300];
	v17 =	vadd.s32 $0x2000, v17;
	v61 =	vcvt.s32.f32 v53;
	v11 =	vand.u32 $0x3FFF, v5  }
0x108: {  	v16 =	vadd.s32 $0x2000, v19;
	v19 =	vadd.s32 $0x2000, v46;
	v49 =	vsub.f32 v56, v49;
	v56 =	vld [tilespmem:s2+$0x6280]  }
0x109: {  	[tilespmem:v43+s22+$0x0] =	vst.idx.add.s32.msk $0xffff, v25;
	v46 =	vcvt.s32.f32 v48;
	v14 =	vand.u32 $0x3FFF, v6;
	v6 =	vadd.s32 $0x2000, v10  }
0x10a: {  	v10 =	vadd.s32 $0x2000, v63;
	v63 =	vld [tilespmem:s2+$0x6380];
	v36 =	vcvt.s32.f32 v18;
	v47 =	vand.u32 $0x7FFFFFFF, v47  }
0x10b: {  	v5 =	vadd.s32 $0x2000, v18;
	v18 =	vadd.s32 $0x2000, v20;
	v33 =	vsub.f32 v54, v33;
	v54 =	vld [tilespmem:s2+$0x6C80]  }
0x10c: {  	v55 =	vsub.f32 v62, v55;
	v8 =	vadd.s32 $0x2000, v60;
	v47 =	vmul.f32 $1.280000000e+02, v47;
	[tilespmem:v11+s22+$0x0] =	vst.idx.add.s32.msk $0xffff, v18  }
0x10d: {  	v49 =	vand.u32 $0x7FFFFFFF, v49;
	v36 =	vsub.f32 v56, v36;
	v11 =	vadd.s32 $0x2000, v22;
	v22 =	vld [tilespmem:s2+$0x6100]  }
0x10e: {  	v60 =	vld [tilespmem:s2+$0x6180];
	v49 =	vmul.f32 $1.280000000e+02, v49;
	v47 =	vadd.f32 v1, v47;
	v33 =	vand.u32 $0x7FFFFFFF, v33  }
0x10f: {  	[tilespmem:v38+s22+$0x0] =	vst.idx.add.s32.msk $0xffff, v30;
	v62 =	vmul.f32 $1.280000000e+02, v33;
	v33 =	vand.u32 $0x7FFFFFFF, v36;
	v36 =	vsub.f32 v63, v57  }
0x110: {  	[tilespmem:v40+s22+$0x0] =	vst.idx.add.s32.msk $0xffff, v28;
	v28 =	vadd.f32 v1, v49;
	v63 =	vmul.f32 $1.280000000e+02, v33;
	v33 =	vand.u32 $0x7FFFFFFF, v55  }
0x111: {  	v55 =	vmul.f32 $1.280000000e+02, v33;
	v33 =	vand.u32 $0x7FFFFFFF, v36;
	v36 =	vsub.f32 v54, v58;
	v54 =	vld [tilespmem:s2+$0x6F00]  }
0x112: {  	v20 =	vadd.s32 $0x2000, v50;
	v51 =	vsub.f32 v22, v51;
	v22 =	vadd.s32 $0x2000, v53;
	v53 =	vld [tilespmem:s2+$0x6C00]  }
0x113: {  	v56 =	vld [tilespmem:s2+$0x6D00];
	v25 =	vand.u32 $0x3FFF, v47;
	v52 =	vsub.f32 v60, v52;
	v28 =	vand.u32 $0x3FFF, v28  }
0x114: {  	v60 =	vld [tilespmem:s2+$0x6D80];
	v18 =	vadd.s32 $0x2000, v48;
	v48 =	vcvt.s32.f32 v50;
	v50 =	vcvt.s32.f32 v21  }
0x115: {  	v57 =	vld [tilespmem:s2+$0x6E00];
	v21 =	vadd.s32 $0x2000, v21;
	v52 =	vand.u32 $0x7FFFFFFF, v52;
	v38 =	vadd.f32 v1, v62  }
0x116: {  	[tilespmem:v35+s22+$0x0] =	vst.idx.add.s32.msk $0xffff, v31;
	v52 =	vmul.f32 $1.280000000e+02, v52;
	v31 =	vand.u32 $0x7FFFFFFF, v36;
	v36 =	vadd.f32 v1, v63  }
0x117: {  	v58 =	vmul.f32 $1.280000000e+02, v33;
	v30 =	vsub.f32 v54, v61;
	v39 =	vsub.f32 v53, v39;
	v53 =	vld [tilespmem:s2+$0x6E80]  }
0x118: {  	[tilespmem:v37+s22+$0x0] =	vst.idx.add.s32.msk $0xffff, v32;
	v37 =	vadd.f32 v1, v55;
	v40 =	vadd.f32 v1, v52;
	v51 =	vand.u32 $0x7FFFFFFF, v51  }
0x119: {  	[tilespmem:v41+s22+$0x0] =	vst.idx.add.s32.msk $0xffff, v26;
	v26 =	vand.u32 $0x7FFFFFFF, v30;
	v33 =	vand.u32 $0x7FFFFFFF, v39;
	v39 =	vsub.f32 v56, v59  }
0x11a: {  	v51 =	vmul.f32 $1.280000000e+02, v51;
	v59 =	vsub.f32 v60, v46;
	v60 =	vsub.f32 v57, v48  }
0x11b: {  	v56 =	vmul.f32 $1.280000000e+02, v33;
	v33 =	vmul.f32 $1.280000000e+02, v31;
	v31 =	vand.u32 $0x7FFFFFFF, v39  }
0x11c: {  	[tilespmem:v34+s22+$0x0] =	vst.idx.add.s32.msk $0xffff, v29;
	v29 =	vand.u32 $0x7FFFFFFF, v59;
	v34 =	vmul.f32 $1.280000000e+02, v31;
	v31 =	vsub.f32 v53, v50  }
0x11d: {  	[tilespmem:v42+s22+$0x0] =	vst.idx.add.s32.msk $0xffff, v27;
	v30 =	vmul.f32 $1.280000000e+02, v26;
	v35 =	vmul.f32 $1.280000000e+02, v29;
	v29 =	vand.u32 $0x7FFFFFFF, v60  }
0x11e: {  	[tilespmem:v44+s22+$0x0] =	vst.idx.add.s32.msk $0xffff, v24;
	v32 =	vmul.f32 $1.280000000e+02, v29;
	v29 =	vand.u32 $0x7FFFFFFF, v31;
	v31 =	vadd.f32 v1, v51  }
0x11f: {  	s26 =	simm.s32 $0x4;
	s25 =	simm.s32 $0x10;
	[tilespmem:v45+s22+$0x0] =	vst.idx.add.s32.msk $0xffff, v23;
	v39 =	vadd.f32 v1, v58;
	v27 =	vadd.f32 v1, v56;
	v29 =	vmul.f32 $1.280000000e+02, v29  }
.LBB2_6:
0x120: {  	s2 =	sand.u32 $0x2, s26;
	s25 =	sadd.s32 $0x10, s25;
	v31 =	vand.u32 $0x3FFF, v31;
	v24 =	vadd.f32 v1, v33;
	v26 =	vadd.f32 v1, v34;
	[tilespmem:v14+s22+$0x0] =	vst.idx.add.s32.msk $0xffff, v3  }
0x121: {  	v33 =	vand.u32 $0x3FFF, v40;
	v14 =	vadd.f32 v1, v35;
	v40 =	vadd.f32 v1, v32;
	s0 =	sadd.s32 $0x40, s0;
	s2 =	smul.u32 $0xC00, s2;
	p0 =	slt.u32 s25, $0x2F0;
	[tilespmem:v13+s22+$0x0] =	vst.idx.add.s32.msk $0xffff, v2  }
0x122: {  	v34 =	vand.u32 $0x3FFF, v38;
	v41 =	vadd.f32 v1, v29;
	v38 =	vadd.f32 v1, v30;
	s1 =	sadd.s32 $0x8, s1;
	s3 =	sand.u32 $0xC00, s0;
	[tilespmem:v12+s22+$0x0] =	vst.idx.add.s32.msk $0xffff, v4  }
0x123: {  	v35 =	vand.u32 $0x3FFF, v36;
	v32 =	vand.u32 $0x3FFF, v37;
	v23 =	vmovc v19;
	s28 =	sand.u32 $0x70, s1;
	v29 =	vand.u32 $0x3FFF, v39;
	s2 =	sadd.s32 s3, s2;
	[tilespmem:v25+s22+$0x0] =	vst.idx.add.s32.msk $0xffff, v15;
	v25 =	vmovc v17  }
0x124: {  	v3 =	vmovc v20;
	v30 =	vand.u32 $0x3FFF, v27;
	v27 =	vand.u32 $0x3FFF, v26;
	s2 =	sor.u32 s28, s2;
	[tilespmem:v28+s22+$0x0] =	vst.idx.add.s32.msk $0xffff, v16;
	v28 =	vand.u32 $0x3FFF, v24;
	v24 =	vmovc v18  }
0x125: {  	v2 =	vmovc v21;
	v26 =	vand.u32 $0x3FFF, v14;
	v14 =	vand.u32 $0x3FFF, v40;
	v13 =	vand.u32 $0x3FFF, v41;
	v4 =	vmovc v22;
	v20 =	vld [tilespmem:s2+$0x9F80]  }
0x126: {  	v12 =	vand.u32 $0x3FFF, v38;
	v15 =	vld [tilespmem:s2+$0x9000]  }
0x127: {  	v16 =	vld [tilespmem:s2+$0x6F80]  }
0x128: {  	v17 =	vld [tilespmem:s2+$0x9080]  }
0x129: {  	v18 =	vld [tilespmem:s2+$0x9100]  }
0x12a: {  	v19 =	vld [tilespmem:s2+$0x9180];
	v21 =	vcvt.s32.f32 v20  }
0x12b: {  	v36 =	vcvt.s32.f32 v15;
	v15 =	vadd.s32 $0x2000, v15;
	v22 =	vld [tilespmem:s2+$0x9200]  }
0x12c: {  	v37 =	vld [tilespmem:s2+$0x9280];
	v21 =	vsub.f32 v16, v21  }
0x12d: {  	v38 =	vcvt.s32.f32 v17;
	v16 =	vadd.s32 $0x2000, v17;
	v17 =	vld [tilespmem:s2+$0x9300]  }
0x12e: {  	v39 =	vcvt.s32.f32 v18;
	v40 =	vadd.s32 $0x2000, v18;
	v18 =	vld [tilespmem:s2+$0x9380];
	v21 =	vand.u32 $0x7FFFFFFF, v21  }
0x12f: {  	v41 =	vcvt.s32.f32 v19;
	v42 =	vadd.s32 $0x2000, v19;
	v19 =	vld [tilespmem:s2+$0x9C00];
	v21 =	vmul.f32 $1.280000000e+02, v21  }
0x130: {  	v43 =	vcvt.s32.f32 v22;
	v44 =	vadd.s32 $0x2000, v22;
	v22 =	vld [tilespmem:s2+$0x9C80]  }
0x131: {  	v45 =	vcvt.s32.f32 v37;
	v37 =	vadd.s32 $0x2000, v37;
	v46 =	vld [tilespmem:s2+$0x9D00];
	v21 =	vadd.f32 v1, v21  }
0x132: {  	v47 =	vcvt.s32.f32 v17;
	v48 =	vadd.s32 $0x2000, v17;
	v49 =	vld [tilespmem:s2+$0x9D80]  }
0x133: {  	v50 =	vcvt.s32.f32 v18;
	v51 =	vadd.s32 $0x2000, v18;
	v52 =	vld [tilespmem:s2+$0x9E00];
	v21 =	vand.u32 $0x3FFF, v21  }
0x134: {  	v53 =	vcvt.s32.f32 v19;
	v54 =	vadd.s32 $0x2000, v19;
	v55 =	vld [tilespmem:s2+$0x9E80]  }
0x135: {  	v56 =	vcvt.s32.f32 v22;
	v17 =	vadd.s32 $0x2000, v22;
	v22 =	vld [tilespmem:s2+$0x9F00]  }
0x136: {  	v57 =	vld [tilespmem:s2+$0x6000];
	v58 =	vcvt.s32.f32 v46;
	v19 =	vadd.s32 $0x2000, v46  }
0x137: {  	v46 =	vld [tilespmem:s2+$0x6080];
	v59 =	vcvt.s32.f32 v49;
	v18 =	vadd.s32 $0x2000, v49;
	v49 =	vadd.s32 $0x2000, v20  }
0x138: {  	v60 =	vcvt.s32.f32 v52;
	v20 =	vadd.s32 $0x2000, v52;
	[tilespmem:v21+s22+$0x0] =	vst.idx.add.s32.msk $0xffff, v49  }
0x139: {  	v49 =	vld [tilespmem:s2+$0x6100];
	v52 =	vcvt.s32.f32 v55;
	v21 =	vadd.s32 $0x2000, v55  }
0x13a: {  	v55 =	vld [tilespmem:s2+$0x6180];
	v61 =	vcvt.s32.f32 v22;
	v22 =	vadd.s32 $0x2000, v22  }
0x13b: {  	v36 =	vsub.f32 v57, v36;
	v57 =	vld [tilespmem:s2+$0x6200]  }
0x13c: {  	v38 =	vsub.f32 v46, v38;
	v46 =	vld [tilespmem:s2+$0x6280]  }
0x13d: {  	v36 =	vand.u32 $0x7FFFFFFF, v36;
	v62 =	vld [tilespmem:s2+$0x6300]  }
0x13e: {  	v36 =	vmul.f32 $1.280000000e+02, v36;
	v38 =	vand.u32 $0x7FFFFFFF, v38;
	v39 =	vsub.f32 v49, v39;
	v49 =	vld [tilespmem:s2+$0x6380]  }
0x13f: {  	v38 =	vmul.f32 $1.280000000e+02, v38;
	v41 =	vsub.f32 v55, v41;
	v55 =	vld [tilespmem:s2+$0x6C00]  }
0x140: {  	v36 =	vadd.f32 v1, v36;
	v39 =	vand.u32 $0x7FFFFFFF, v39;
	v43 =	vsub.f32 v57, v43;
	v57 =	vld [tilespmem:s2+$0x6C80]  }
0x141: {  	v39 =	vmul.f32 $1.280000000e+02, v39;
	v41 =	vand.u32 $0x7FFFFFFF, v41;
	v45 =	vsub.f32 v46, v45;
	v46 =	vld [tilespmem:s2+$0x6D00]  }
0x142: {  	v41 =	vmul.f32 $1.280000000e+02, v41;
	v43 =	vand.u32 $0x7FFFFFFF, v43;
	v47 =	vsub.f32 v62, v47;
	v62 =	vld [tilespmem:s2+$0x6D80]  }
0x143: {  	v43 =	vmul.f32 $1.280000000e+02, v43;
	v45 =	vand.u32 $0x7FFFFFFF, v45;
	v49 =	vsub.f32 v49, v50;
	v50 =	vld [tilespmem:s2+$0x6E00]  }
0x144: {  	v45 =	vmul.f32 $1.280000000e+02, v45;
	v47 =	vand.u32 $0x7FFFFFFF, v47;
	v53 =	vsub.f32 v55, v53;
	v55 =	vld [tilespmem:s2+$0x6E80]  }
0x145: {  	v47 =	vmul.f32 $1.280000000e+02, v47;
	v49 =	vand.u32 $0x7FFFFFFF, v49;
	v56 =	vsub.f32 v57, v56;
	v57 =	vld [tilespmem:s2+$0x6F00]  }
0x146: {  	v49 =	vmul.f32 $1.280000000e+02, v49;
	v53 =	vand.u32 $0x7FFFFFFF, v53;
	v46 =	vsub.f32 v46, v58;
	[tilespmem:v31+s22+$0x0] =	vst.idx.add.s32.msk $0xffff, v7;
	v7 =	vmovc v40  }
0x147: {  	v53 =	vmul.f32 $1.280000000e+02, v53;
	v31 =	vand.u32 $0x7FFFFFFF, v56;
	v40 =	vsub.f32 v62, v59;
	[tilespmem:v33+s22+$0x0] =	vst.idx.add.s32.msk $0xffff, v8;
	v8 =	vmovc v42  }
0x148: {  	v33 =	vmul.f32 $1.280000000e+02, v31;
	v31 =	vand.u32 $0x7FFFFFFF, v46;
	v42 =	vsub.f32 v50, v60;
	[tilespmem:v34+s22+$0x0] =	vst.idx.add.s32.msk $0xffff, v9;
	v9 =	vmovc v44  }
0x149: {  	v34 =	vmul.f32 $1.280000000e+02, v31;
	v31 =	vand.u32 $0x7FFFFFFF, v40;
	v40 =	vsub.f32 v55, v52;
	[tilespmem:v35+s22+$0x0] =	vst.idx.add.s32.msk $0xffff, v5;
	v5 =	vmovc v37  }
0x14a: {  	v35 =	vmul.f32 $1.280000000e+02, v31;
	v31 =	vand.u32 $0x7FFFFFFF, v42;
	v37 =	vsub.f32 v57, v61;
	[tilespmem:v32+s22+$0x0] =	vst.idx.add.s32.msk $0xffff, v6;
	v6 =	vmovc v48  }
.Ltmp2:
0x14b: {  	v42 =	vadd.f32 v1, v38;
	v32 =	vmul.f32 $1.280000000e+02, v31;
	v38 =	vand.u32 $0x7FFFFFFF, v40;
	[tilespmem:v29+s22+$0x0] =	vst.idx.add.s32.msk $0xffff, v10;
	v10 =	vmovc v51;
	(pc) =	sbr.rel @p0 .LBB2_6-.Ltmp2, $4  }
0x14c: {  	v31 =	vadd.f32 v1, v39;
	v29 =	vmul.f32 $1.280000000e+02, v38;
	v37 =	vand.u32 $0x7FFFFFFF, v37;
	[tilespmem:v30+s22+$0x0] =	vst.idx.add.s32.msk $0xffff, v11;
	v11 =	vmovc v54  }
0x14d: {  	v40 =	vadd.f32 v1, v41;
	v38 =	vadd.f32 v1, v43;
	v30 =	vmul.f32 $1.280000000e+02, v37;
	[tilespmem:v28+s22+$0x0] =	vst.idx.add.s32.msk $0xffff, v25  }
0x14e: {  	v25 =	vand.u32 $0x3FFF, v36;
	v36 =	vadd.f32 v1, v45;
	v37 =	vadd.f32 v1, v47;
	[tilespmem:v27+s22+$0x0] =	vst.idx.add.s32.msk $0xffff, v23  }
0x14f: {  	s26 =	sadd.s32 $0x2, s26;
	v39 =	vadd.f32 v1, v49;
	v28 =	vand.u32 $0x3FFF, v42;
	v27 =	vadd.f32 v1, v53;
	[tilespmem:v26+s22+$0x0] =	vst.idx.add.s32.msk $0xffff, v24  }
0x150: {  	_ =	sdelay $0x3  }
0x151: {  	v23 =	vand.u32 $0x3FFF, v31;
	[tilespmem:v14+s22+$0x0] =	vst.idx.add.s32.msk $0xffff, v3  }
0x152: {  	v3 =	vand.u32 $0x3FFF, v40;
	[tilespmem:v13+s22+$0x0] =	vst.idx.add.s32.msk $0xffff, v2  }
0x153: {  	v2 =	vand.u32 $0x3FFF, v38;
	[tilespmem:v12+s22+$0x0] =	vst.idx.add.s32.msk $0xffff, v4  }
0x154: {  	[tilespmem:v25+s22+$0x0] =	vst.idx.add.s32.msk $0xffff, v15;
	v4 =	vand.u32 $0x3FFF, v36  }
0x155: {  	v12 =	vand.u32 $0x3FFF, v37;
	[tilespmem:v28+s22+$0x0] =	vst.idx.add.s32.msk $0xffff, v16  }
0x156: {  	v13 =	vadd.f32 v1, v33;
	v14 =	vand.u32 $0x3FFF, v39;
	[tilespmem:v23+s22+$0x0] =	vst.idx.add.s32.msk $0xffff, v7  }
0x157: {  	v15 =	vand.u32 $0x3FFF, v27;
	v7 =	vadd.f32 v1, v34;
	[tilespmem:v3+s22+$0x0] =	vst.idx.add.s32.msk $0xffff, v8  }
0x158: {  	v3 =	vadd.f32 v1, v35;
	v8 =	vand.u32 $0x3FFF, v13;
	[tilespmem:v2+s22+$0x0] =	vst.idx.add.s32.msk $0xffff, v9  }
0x159: {  	v2 =	vadd.f32 v1, v32;
	[tilespmem:v4+s22+$0x0] =	vst.idx.add.s32.msk $0xffff, v5;
	v7 =	vand.u32 $0x3FFF, v7  }
0x15a: {  	v4 =	vadd.f32 v1, v29;
	[tilespmem:v12+s22+$0x0] =	vst.idx.add.s32.msk $0xffff, v6;
	v3 =	vand.u32 $0x3FFF, v3  }
0x15b: {  	v5 =	vadd.f32 v1, v30;
	[tilespmem:v14+s22+$0x0] =	vst.idx.add.s32.msk $0xffff, v10;
	v2 =	vand.u32 $0x3FFF, v2  }
0x15c: {  	[tilespmem:v15+s22+$0x0] =	vst.idx.add.s32.msk $0xffff, v11;
	v4 =	vand.u32 $0x3FFF, v4  }
0x15d: {  	v5 =	vand.u32 $0x3FFF, v5;
	[tilespmem:v8+s22+$0x0] =	vst.idx.add.s32.msk $0xffff, v17  }
0x15e: {  	[tilespmem:v7+s22+$0x0] =	vst.idx.add.s32.msk $0xffff, v19  }
0x15f: {  	[tilespmem:v3+s22+$0x0] =	vst.idx.add.s32.msk $0xffff, v18  }
0x160: {  	[tilespmem:v2+s22+$0x0] =	vst.idx.add.s32.msk $0xffff, v20  }
0x161: {  	[tilespmem:v4+s22+$0x0] =	vst.idx.add.s32.msk $0xffff, v21  }
0x162: {  	s0 =	simm.s32 $0x0;
	[tilespmem:v5+s22+$0x0] =	vst.idx.add.s32.msk $0xffff, v22  }
0x163: {  	[tilespmem:s18], [sflag:$0x3] =	stream.linear.gather [hbm4b:s9+s0], $0x3000, $0x38;
	[tilespmem:$0x10800] =	vst v63  }
0x164: {  	_ = 	snop  }
0x165: {  	[tilespmem:s19], [sflag:$0x4] =	stream.linear.gather [hbm4b:s10+s0], $0x3000, $0x38;
	[tilespmem:$0x10800] =	vst v63  }
0x166: {  	_ =	swait.ge [sflag:s20], $0x3000  }
0x167: {  	s1 =	sand.u32 $0x2, s0;
	[sflag:s20] =	ssyncset.done $0x0  }
0x168: {  	s1 =	smul.u32 $0xC00, s1;
	[sflag:s20] =	ssyncadd.s32 $0xFFFFD000  }
0x169: {  	s2 =	sand.u32 $0xC00, s0;
	_ =	swait.ge [sflag:s21], $0x3000  }
0x16a: {  	s1 =	sadd.s32 s2, s1;
	s0 =	sand.u32 $0x70, s0;
	[sflag:s21] =	ssyncset.done $0x0  }
0x16b: {  	s0 =	sor.u32 s0, s1;
	[sflag:s21] =	ssyncadd.s32 $0xFFFFD000  }
0x16c: {  	v2 =	vld [tilespmem:s0+$0x3F80]  }
0x16d: {  	v3 =	vld [tilespmem:s0+$0x3000]  }
0x16e: {  	v4 =	vld [tilespmem:s0+$0xF80]  }
0x16f: {  	v5 =	vld [tilespmem:s0+$0x3080]  }
0x170: {  	v6 =	vld [tilespmem:s0+$0x3100]  }
0x171: {  	v7 =	vld [tilespmem:s0+$0x3180]  }
0x172: {  	v8 =	vld [tilespmem:s0+$0x3200]  }
0x173: {  	v9 =	vld [tilespmem:s0+$0x3280]  }
0x174: {  	v10 =	vld [tilespmem:s0+$0x3300]  }
0x175: {  	v12 =	vld [tilespmem:s0+$0x3380]  }
0x176: {  	v13 =	vld [tilespmem:s0+$0x3C00]  }
0x177: {  	v17 =	vld [tilespmem:s0+$0x3D80]  }
0x178: {  	v20 =	vld [tilespmem:s0+$0x3E80]  }
0x179: {  	v49 =	vld [tilespmem:s0+$0x100];
	v11 =	vcvt.s32.f32 v2  }
0x17a: {  	v50 =	vld [tilespmem:s0+$0x180];
	v14 =	vcvt.s32.f32 v3;
	v15 =	vadd.s32 $0x2000, v3;
	v16 =	vcvt.s32.f32 v5  }
0x17b: {  	v52 =	vld [tilespmem:s0+$0x200];
	v5 =	vadd.s32 $0x2000, v5;
	v18 =	vcvt.s32.f32 v6;
	v31 =	vadd.s32 $0x2000, v6  }
0x17c: {  	v54 =	vld [tilespmem:s0+$0x380];
	v19 =	vcvt.s32.f32 v7;
	v32 =	vadd.s32 $0x2000, v7;
	v7 =	vcvt.s32.f32 v8  }
0x17d: {  	v3 =	vld [tilespmem:s0+$0x3D00];
	v29 =	vadd.s32 $0x2000, v8;
	v8 =	vcvt.s32.f32 v9;
	v30 =	vadd.s32 $0x2000, v9  }
0x17e: {  	v6 =	vld [tilespmem:s0+$0x3E00];
	v9 =	vcvt.s32.f32 v10;
	v28 =	vadd.s32 $0x2000, v10;
	v22 =	vcvt.s32.f32 v12  }
0x17f: {  	v26 =	vadd.s32 $0x2000, v12;
	v48 =	vcvt.s32.f32 v13;
	v4 =	vsub.f32 v4, v11;
	v11 =	vld [tilespmem:s0+$0x3C80]  }
0x180: {  	v10 =	vld [tilespmem:s0+$0x0];
	v27 =	vadd.s32 $0x2000, v13;
	v51 =	vcvt.s32.f32 v17;
	v23 =	vadd.s32 $0x2000, v17  }
0x181: {  	v55 =	vld [tilespmem:s0+$0xC00];
	v17 =	vadd.s32 $0x2000, v2;
	v2 =	vadd.s32 $0x2000, v20;
	v18 =	vsub.f32 v49, v18  }
0x182: {  	v21 =	vld [tilespmem:s0+$0x3F00];
	v19 =	vsub.f32 v50, v19;
	v7 =	vsub.f32 v52, v7;
	v4 =	vand.u32 $0x7FFFFFFF, v4  }
0x183: {  	v12 =	vld [tilespmem:s0+$0x80];
	v22 =	vsub.f32 v54, v22;
	v4 =	vmul.f32 $1.280000000e+02, v4;
	v24 =	vadd.s32 $0x2000, v3  }
0x184: {  	v56 =	vld [tilespmem:s0+$0xC80];
	v53 =	vcvt.s32.f32 v6;
	v13 =	vcvt.s32.f32 v11;
	v25 =	vadd.s32 $0x2000, v11  }
0x185: {  	v11 =	vcvt.s32.f32 v3;
	v3 =	vadd.s32 $0x2000, v6;
	v6 =	vsub.f32 v10, v14;
	v14 =	vld [tilespmem:s0+$0x280]  }
0x186: {  	v33 =	vsub.f32 v55, v48;
	v18 =	vand.u32 $0x7FFFFFFF, v18;
	v10 =	vcvt.s32.f32 v20;
	v20 =	vld [tilespmem:s0+$0x300]  }
0x187: {  	v57 =	vld [tilespmem:s0+$0xE00];
	v19 =	vand.u32 $0x7FFFFFFF, v19;
	v7 =	vand.u32 $0x7FFFFFFF, v7;
	v4 =	vadd.f32 v1, v4  }
0x188: {  	v58 =	vld [tilespmem:s0+$0xE80];
	v22 =	vand.u32 $0x7FFFFFFF, v22;
	v12 =	vsub.f32 v12, v16;
	v16 =	vcvt.s32.f32 v21  }
0x189: {  	s28 =	simm.s32 $0x2;
	v59 =	vld [tilespmem:s0+$0xF00];
	v18 =	vmul.f32 $1.280000000e+02, v18;
	v7 =	vmul.f32 $1.280000000e+02, v7;
	v4 =	vand.u32 $0x3FFF, v4  }
0x18a: {  	s1 =	sand.u32 $0x2, s28;
	v19 =	vmul.f32 $1.280000000e+02, v19;
	v22 =	vmul.f32 $1.280000000e+02, v22;
	v8 =	vsub.f32 v14, v8;
	v14 =	vld [tilespmem:s0+$0xD00]  }
0x18b: {  	s31 =	smul.u32 $0xC00, s1;
	v12 =	vand.u32 $0x7FFFFFFF, v12;
	v7 =	vadd.f32 v1, v7;
	v9 =	vsub.f32 v20, v9;
	v20 =	vld [tilespmem:s0+$0xD80];
	s0 =	simm.s32 $0x40  }
0x18c: {  	s1 =	simm.s32 $0x8;
	v12 =	vmul.f32 $1.280000000e+02, v12;
	v6 =	vand.u32 $0x7FFFFFFF, v6;
	v13 =	vsub.f32 v56, v13;
	s3 =	sand.u32 $0xC00, s0  }
0x18d: {  	s25 =	sand.u32 $0x70, s1;
	v22 =	vadd.f32 v1, v22;
	v10 =	vsub.f32 v58, v10;
	v6 =	vmul.f32 $1.280000000e+02, v6;
	s2 =	sadd.s32 s3, s31  }
0x18e: {  	v12 =	vadd.f32 v1, v12;
	v13 =	vand.u32 $0x7FFFFFFF, v13;
	[tilespmem:v4+s22+$0x0] =	vst.idx.add.s32.msk $0xffff, v17;
	v4 =	vand.u32 $0x7FFFFFFF, v33;
	s2 =	sor.u32 s25, s2  }
0x18f: {  	v10 =	vand.u32 $0x7FFFFFFF, v10;
	v17 =	vmul.f32 $1.280000000e+02, v4;
	v4 =	vadd.s32 $0x2000, v21;
	v21 =	vld [tilespmem:s2+$0x3100]  }
0x190: {  	v6 =	vadd.f32 v1, v6;
	v12 =	vand.u32 $0x3FFF, v12;
	v10 =	vmul.f32 $1.280000000e+02, v10;
	v60 =	vld [tilespmem:s2+$0x3180]  }
0x191: {  	v34 =	vand.u32 $0x3FFF, v7;
	v41 =	vand.u32 $0x3FFF, v22;
	v13 =	vmul.f32 $1.280000000e+02, v13;
	v62 =	vld [tilespmem:s2+$0x3200]  }
0x192: {  	v8 =	vand.u32 $0x7FFFFFFF, v8;
	v6 =	vand.u32 $0x3FFF, v6;
	v7 =	vadd.f32 v1, v10;
	v10 =	vld [tilespmem:s2+$0x3300]  }
0x193: {  	v9 =	vand.u32 $0x7FFFFFFF, v9;
	v13 =	vadd.f32 v1, v13;
	v8 =	vmul.f32 $1.280000000e+02, v8;
	v63 =	vld [tilespmem:s2+$0x3380]  }
0x194: {  	v9 =	vmul.f32 $1.280000000e+02, v9;
	v22 =	vld [tilespmem:s2+$0x3C00];
	v11 =	vsub.f32 v14, v11;
	v14 =	vsub.f32 v20, v51  }
0x195: {  	v43 =	vand.u32 $0x3FFF, v13;
	[tilespmem:v12+s22+$0x0] =	vst.idx.add.s32.msk $0xffff, v5;
	v12 =	vsub.f32 v59, v16;
	v8 =	vadd.f32 v1, v8  }
0x196: {  	v13 =	vand.u32 $0x3FFF, v7;
	v20 =	vld [tilespmem:s2+$0x3F80];
	v9 =	vadd.f32 v1, v9;
	v17 =	vadd.f32 v1, v17  }
0x197: {  	v11 =	vand.u32 $0x7FFFFFFF, v11;
	[tilespmem:v6+s22+$0x0] =	vst.idx.add.s32.msk $0xffff, v15;
	v6 =	vsub.f32 v57, v53;
	v14 =	vand.u32 $0x7FFFFFFF, v14  }
0x198: {  	v46 =	vld [tilespmem:s2+$0x3D00];
	v12 =	vand.u32 $0x7FFFFFFF, v12;
	v38 =	vand.u32 $0x3FFF, v8;
	v40 =	vand.u32 $0x3FFF, v9  }
0x199: {  	v16 =	vld [tilespmem:s2+$0xF80];
	v42 =	vand.u32 $0x3FFF, v17;
	v5 =	vmul.f32 $1.280000000e+02, v11;
	v11 =	vmul.f32 $1.280000000e+02, v14  }
0x19a: {  	v48 =	vld [tilespmem:s2+$0x3D80];
	v14 =	vadd.f32 v1, v18;
	v18 =	vadd.f32 v1, v19;
	v12 =	vmul.f32 $1.280000000e+02, v12  }
0x19b: {  	v50 =	vld [tilespmem:s2+$0x3E00];
	v6 =	vand.u32 $0x7FFFFFFF, v6;
	v51 =	vcvt.s32.f32 v21;
	v52 =	vcvt.s32.f32 v60  }
0x19c: {  	v54 =	vld [tilespmem:s2+$0x0];
	v7 =	vadd.s32 $0x2000, v21;
	v33 =	vcvt.s32.f32 v62;
	v61 =	vcvt.s32.f32 v20  }
0x19d: {  	v15 =	vld [tilespmem:s2+$0x3000];
	v9 =	vadd.s32 $0x2000, v62;
	v55 =	vcvt.s32.f32 v10;
	v57 =	vcvt.s32.f32 v63  }
0x19e: {  	v17 =	vld [tilespmem:s2+$0x3C80];
	v39 =	vcvt.s32.f32 v22;
	v35 =	vand.u32 $0x3FFF, v14;
	v14 =	vsub.f32 v16, v61  }
0x19f: {  	v19 =	vld [tilespmem:s2+$0x3080];
	v59 =	vcvt.s32.f32 v46;
	v6 =	vmul.f32 $1.280000000e+02, v6;
	v5 =	vadd.f32 v1, v5  }
0x1a0: {  	v53 =	vld [tilespmem:s2+$0x3F00];
	v37 =	vand.u32 $0x3FFF, v18;
	v11 =	vadd.f32 v1, v11;
	v8 =	vand.u32 $0x7FFFFFFF, v14  }
0x1a1: {  	v56 =	vld [tilespmem:s2+$0x80];
	v12 =	vadd.f32 v1, v12;
	v6 =	vadd.f32 v1, v6;
	v8 =	vmul.f32 $1.280000000e+02, v8  }
0x1a2: {  	v21 =	vld [tilespmem:s2+$0x3E80];
	v44 =	vand.u32 $0x3FFF, v5;
	v45 =	vand.u32 $0x3FFF, v11;
	v47 =	vcvt.s32.f32 v15  }
0x1a3: {  	v18 =	vld [tilespmem:s2+$0x3280];
	v12 =	vand.u32 $0x3FFF, v12;
	v15 =	vadd.s32 $0x2000, v15;
	v5 =	vadd.f32 v1, v8  }
0x1a4: {  	v58 =	vcvt.s32.f32 v17;
	v49 =	vcvt.s32.f32 v19;
	v47 =	vsub.f32 v54, v47;
	v54 =	vld [tilespmem:s2+$0x200]  }
0x1a5: {  	v62 =	vld [tilespmem:s2+$0x300];
	v17 =	vadd.s32 $0x2000, v17;
	v61 =	vcvt.s32.f32 v53;
	v11 =	vand.u32 $0x3FFF, v5  }
0x1a6: {  	v16 =	vadd.s32 $0x2000, v19;
	v19 =	vadd.s32 $0x2000, v46;
	v49 =	vsub.f32 v56, v49;
	v56 =	vld [tilespmem:s2+$0x280]  }
0x1a7: {  	[tilespmem:v43+s22+$0x0] =	vst.idx.add.s32.msk $0xffff, v25;
	v46 =	vcvt.s32.f32 v48;
	v14 =	vand.u32 $0x3FFF, v6;
	v6 =	vadd.s32 $0x2000, v10  }
0x1a8: {  	v10 =	vadd.s32 $0x2000, v63;
	v63 =	vld [tilespmem:s2+$0x380];
	v36 =	vcvt.s32.f32 v18;
	v47 =	vand.u32 $0x7FFFFFFF, v47  }
0x1a9: {  	v5 =	vadd.s32 $0x2000, v18;
	v18 =	vadd.s32 $0x2000, v20;
	v33 =	vsub.f32 v54, v33;
	v54 =	vld [tilespmem:s2+$0xC80]  }
0x1aa: {  	v55 =	vsub.f32 v62, v55;
	v8 =	vadd.s32 $0x2000, v60;
	v47 =	vmul.f32 $1.280000000e+02, v47;
	[tilespmem:v11+s22+$0x0] =	vst.idx.add.s32.msk $0xffff, v18  }
0x1ab: {  	v49 =	vand.u32 $0x7FFFFFFF, v49;
	v36 =	vsub.f32 v56, v36;
	v11 =	vadd.s32 $0x2000, v22;
	v22 =	vld [tilespmem:s2+$0x100]  }
0x1ac: {  	v60 =	vld [tilespmem:s2+$0x180];
	v49 =	vmul.f32 $1.280000000e+02, v49;
	v47 =	vadd.f32 v1, v47;
	v33 =	vand.u32 $0x7FFFFFFF, v33  }
0x1ad: {  	[tilespmem:v38+s22+$0x0] =	vst.idx.add.s32.msk $0xffff, v30;
	v62 =	vmul.f32 $1.280000000e+02, v33;
	v33 =	vand.u32 $0x7FFFFFFF, v36;
	v36 =	vsub.f32 v63, v57  }
0x1ae: {  	[tilespmem:v40+s22+$0x0] =	vst.idx.add.s32.msk $0xffff, v28;
	v28 =	vadd.f32 v1, v49;
	v63 =	vmul.f32 $1.280000000e+02, v33;
	v33 =	vand.u32 $0x7FFFFFFF, v55  }
0x1af: {  	v55 =	vmul.f32 $1.280000000e+02, v33;
	v33 =	vand.u32 $0x7FFFFFFF, v36;
	v36 =	vsub.f32 v54, v58;
	v54 =	vld [tilespmem:s2+$0xF00]  }
0x1b0: {  	v20 =	vadd.s32 $0x2000, v50;
	v51 =	vsub.f32 v22, v51;
	v22 =	vadd.s32 $0x2000, v53;
	v53 =	vld [tilespmem:s2+$0xC00]  }
0x1b1: {  	v56 =	vld [tilespmem:s2+$0xD00];
	v25 =	vand.u32 $0x3FFF, v47;
	v52 =	vsub.f32 v60, v52;
	v28 =	vand.u32 $0x3FFF, v28  }
0x1b2: {  	v60 =	vld [tilespmem:s2+$0xD80];
	v18 =	vadd.s32 $0x2000, v48;
	v48 =	vcvt.s32.f32 v50;
	v50 =	vcvt.s32.f32 v21  }
0x1b3: {  	v57 =	vld [tilespmem:s2+$0xE00];
	v21 =	vadd.s32 $0x2000, v21;
	v52 =	vand.u32 $0x7FFFFFFF, v52;
	v38 =	vadd.f32 v1, v62  }
0x1b4: {  	[tilespmem:v35+s22+$0x0] =	vst.idx.add.s32.msk $0xffff, v31;
	v52 =	vmul.f32 $1.280000000e+02, v52;
	v31 =	vand.u32 $0x7FFFFFFF, v36;
	v36 =	vadd.f32 v1, v63  }
0x1b5: {  	v58 =	vmul.f32 $1.280000000e+02, v33;
	v30 =	vsub.f32 v54, v61;
	v39 =	vsub.f32 v53, v39;
	v53 =	vld [tilespmem:s2+$0xE80]  }
0x1b6: {  	[tilespmem:v37+s22+$0x0] =	vst.idx.add.s32.msk $0xffff, v32;
	v37 =	vadd.f32 v1, v55;
	v40 =	vadd.f32 v1, v52;
	v51 =	vand.u32 $0x7FFFFFFF, v51  }
0x1b7: {  	[tilespmem:v41+s22+$0x0] =	vst.idx.add.s32.msk $0xffff, v26;
	v26 =	vand.u32 $0x7FFFFFFF, v30;
	v33 =	vand.u32 $0x7FFFFFFF, v39;
	v39 =	vsub.f32 v56, v59  }
0x1b8: {  	v51 =	vmul.f32 $1.280000000e+02, v51;
	v59 =	vsub.f32 v60, v46;
	v60 =	vsub.f32 v57, v48  }
0x1b9: {  	v56 =	vmul.f32 $1.280000000e+02, v33;
	v33 =	vmul.f32 $1.280000000e+02, v31;
	v31 =	vand.u32 $0x7FFFFFFF, v39  }
0x1ba: {  	[tilespmem:v34+s22+$0x0] =	vst.idx.add.s32.msk $0xffff, v29;
	v29 =	vand.u32 $0x7FFFFFFF, v59;
	v34 =	vmul.f32 $1.280000000e+02, v31;
	v31 =	vsub.f32 v53, v50  }
0x1bb: {  	[tilespmem:v42+s22+$0x0] =	vst.idx.add.s32.msk $0xffff, v27;
	v30 =	vmul.f32 $1.280000000e+02, v26;
	v35 =	vmul.f32 $1.280000000e+02, v29;
	v29 =	vand.u32 $0x7FFFFFFF, v60  }
0x1bc: {  	[tilespmem:v44+s22+$0x0] =	vst.idx.add.s32.msk $0xffff, v24;
	v32 =	vmul.f32 $1.280000000e+02, v29;
	v29 =	vand.u32 $0x7FFFFFFF, v31;
	v31 =	vadd.f32 v1, v51  }
0x1bd: {  	s26 =	simm.s32 $0x4;
	s25 =	simm.s32 $0x10;
	[tilespmem:v45+s22+$0x0] =	vst.idx.add.s32.msk $0xffff, v23;
	v39 =	vadd.f32 v1, v58;
	v27 =	vadd.f32 v1, v56;
	v29 =	vmul.f32 $1.280000000e+02, v29  }
.LBB2_8:
0x1be: {  	s2 =	sand.u32 $0x2, s26;
	s25 =	sadd.s32 $0x10, s25;
	v31 =	vand.u32 $0x3FFF, v31;
	v24 =	vadd.f32 v1, v33;
	v26 =	vadd.f32 v1, v34;
	[tilespmem:v14+s22+$0x0] =	vst.idx.add.s32.msk $0xffff, v3  }
0x1bf: {  	v33 =	vand.u32 $0x3FFF, v40;
	v14 =	vadd.f32 v1, v35;
	v40 =	vadd.f32 v1, v32;
	s0 =	sadd.s32 $0x40, s0;
	s2 =	smul.u32 $0xC00, s2;
	p0 =	slt.u32 s25, $0x2F0;
	[tilespmem:v13+s22+$0x0] =	vst.idx.add.s32.msk $0xffff, v2  }
0x1c0: {  	v34 =	vand.u32 $0x3FFF, v38;
	v41 =	vadd.f32 v1, v29;
	v38 =	vadd.f32 v1, v30;
	s1 =	sadd.s32 $0x8, s1;
	s3 =	sand.u32 $0xC00, s0;
	[tilespmem:v12+s22+$0x0] =	vst.idx.add.s32.msk $0xffff, v4  }
0x1c1: {  	v35 =	vand.u32 $0x3FFF, v36;
	v32 =	vand.u32 $0x3FFF, v37;
	v23 =	vmovc v19;
	s28 =	sand.u32 $0x70, s1;
	v29 =	vand.u32 $0x3FFF, v39;
	s2 =	sadd.s32 s3, s2;
	[tilespmem:v25+s22+$0x0] =	vst.idx.add.s32.msk $0xffff, v15;
	v25 =	vmovc v17  }
0x1c2: {  	v3 =	vmovc v20;
	v30 =	vand.u32 $0x3FFF, v27;
	v27 =	vand.u32 $0x3FFF, v26;
	s2 =	sor.u32 s28, s2;
	[tilespmem:v28+s22+$0x0] =	vst.idx.add.s32.msk $0xffff, v16;
	v28 =	vand.u32 $0x3FFF, v24;
	v24 =	vmovc v18  }
0x1c3: {  	v2 =	vmovc v21;
	v26 =	vand.u32 $0x3FFF, v14;
	v14 =	vand.u32 $0x3FFF, v40;
	v13 =	vand.u32 $0x3FFF, v41;
	v4 =	vmovc v22;
	v20 =	vld [tilespmem:s2+$0x3F80]  }
0x1c4: {  	v12 =	vand.u32 $0x3FFF, v38;
	v15 =	vld [tilespmem:s2+$0x3000]  }
0x1c5: {  	v16 =	vld [tilespmem:s2+$0xF80]  }
0x1c6: {  	v17 =	vld [tilespmem:s2+$0x3080]  }
0x1c7: {  	v18 =	vld [tilespmem:s2+$0x3100]  }
0x1c8: {  	v19 =	vld [tilespmem:s2+$0x3180];
	v21 =	vcvt.s32.f32 v20  }
0x1c9: {  	v36 =	vcvt.s32.f32 v15;
	v15 =	vadd.s32 $0x2000, v15;
	v22 =	vld [tilespmem:s2+$0x3200]  }
0x1ca: {  	v37 =	vld [tilespmem:s2+$0x3280];
	v21 =	vsub.f32 v16, v21  }
0x1cb: {  	v38 =	vcvt.s32.f32 v17;
	v16 =	vadd.s32 $0x2000, v17;
	v17 =	vld [tilespmem:s2+$0x3300]  }
0x1cc: {  	v39 =	vcvt.s32.f32 v18;
	v40 =	vadd.s32 $0x2000, v18;
	v18 =	vld [tilespmem:s2+$0x3380];
	v21 =	vand.u32 $0x7FFFFFFF, v21  }
0x1cd: {  	v41 =	vcvt.s32.f32 v19;
	v42 =	vadd.s32 $0x2000, v19;
	v19 =	vld [tilespmem:s2+$0x3C00];
	v21 =	vmul.f32 $1.280000000e+02, v21  }
0x1ce: {  	v43 =	vcvt.s32.f32 v22;
	v44 =	vadd.s32 $0x2000, v22;
	v22 =	vld [tilespmem:s2+$0x3C80]  }
0x1cf: {  	v45 =	vcvt.s32.f32 v37;
	v37 =	vadd.s32 $0x2000, v37;
	v46 =	vld [tilespmem:s2+$0x3D00];
	v21 =	vadd.f32 v1, v21  }
0x1d0: {  	v47 =	vcvt.s32.f32 v17;
	v48 =	vadd.s32 $0x2000, v17;
	v49 =	vld [tilespmem:s2+$0x3D80]  }
0x1d1: {  	v50 =	vcvt.s32.f32 v18;
	v51 =	vadd.s32 $0x2000, v18;
	v52 =	vld [tilespmem:s2+$0x3E00];
	v21 =	vand.u32 $0x3FFF, v21  }
0x1d2: {  	v53 =	vcvt.s32.f32 v19;
	v54 =	vadd.s32 $0x2000, v19;
	v55 =	vld [tilespmem:s2+$0x3E80]  }
0x1d3: {  	v56 =	vcvt.s32.f32 v22;
	v17 =	vadd.s32 $0x2000, v22;
	v22 =	vld [tilespmem:s2+$0x3F00]  }
0x1d4: {  	v57 =	vld [tilespmem:s2+$0x0];
	v58 =	vcvt.s32.f32 v46;
	v19 =	vadd.s32 $0x2000, v46  }
0x1d5: {  	v46 =	vld [tilespmem:s2+$0x80];
	v59 =	vcvt.s32.f32 v49;
	v18 =	vadd.s32 $0x2000, v49;
	v49 =	vadd.s32 $0x2000, v20  }
0x1d6: {  	v60 =	vcvt.s32.f32 v52;
	v20 =	vadd.s32 $0x2000, v52;
	[tilespmem:v21+s22+$0x0] =	vst.idx.add.s32.msk $0xffff, v49  }
0x1d7: {  	v49 =	vld [tilespmem:s2+$0x100];
	v52 =	vcvt.s32.f32 v55;
	v21 =	vadd.s32 $0x2000, v55  }
0x1d8: {  	v55 =	vld [tilespmem:s2+$0x180];
	v61 =	vcvt.s32.f32 v22;
	v22 =	vadd.s32 $0x2000, v22  }
0x1d9: {  	v36 =	vsub.f32 v57, v36;
	v57 =	vld [tilespmem:s2+$0x200]  }
0x1da: {  	v38 =	vsub.f32 v46, v38;
	v46 =	vld [tilespmem:s2+$0x280]  }
0x1db: {  	v36 =	vand.u32 $0x7FFFFFFF, v36;
	v62 =	vld [tilespmem:s2+$0x300]  }
0x1dc: {  	v36 =	vmul.f32 $1.280000000e+02, v36;
	v38 =	vand.u32 $0x7FFFFFFF, v38;
	v39 =	vsub.f32 v49, v39;
	v49 =	vld [tilespmem:s2+$0x380]  }
0x1dd: {  	v38 =	vmul.f32 $1.280000000e+02, v38;
	v41 =	vsub.f32 v55, v41;
	v55 =	vld [tilespmem:s2+$0xC00]  }
0x1de: {  	v36 =	vadd.f32 v1, v36;
	v39 =	vand.u32 $0x7FFFFFFF, v39;
	v43 =	vsub.f32 v57, v43;
	v57 =	vld [tilespmem:s2+$0xC80]  }
0x1df: {  	v39 =	vmul.f32 $1.280000000e+02, v39;
	v41 =	vand.u32 $0x7FFFFFFF, v41;
	v45 =	vsub.f32 v46, v45;
	v46 =	vld [tilespmem:s2+$0xD00]  }
0x1e0: {  	v41 =	vmul.f32 $1.280000000e+02, v41;
	v43 =	vand.u32 $0x7FFFFFFF, v43;
	v47 =	vsub.f32 v62, v47;
	v62 =	vld [tilespmem:s2+$0xD80]  }
0x1e1: {  	v43 =	vmul.f32 $1.280000000e+02, v43;
	v45 =	vand.u32 $0x7FFFFFFF, v45;
	v49 =	vsub.f32 v49, v50;
	v50 =	vld [tilespmem:s2+$0xE00]  }
0x1e2: {  	v45 =	vmul.f32 $1.280000000e+02, v45;
	v47 =	vand.u32 $0x7FFFFFFF, v47;
	v53 =	vsub.f32 v55, v53;
	v55 =	vld [tilespmem:s2+$0xE80]  }
0x1e3: {  	v47 =	vmul.f32 $1.280000000e+02, v47;
	v49 =	vand.u32 $0x7FFFFFFF, v49;
	v56 =	vsub.f32 v57, v56;
	v57 =	vld [tilespmem:s2+$0xF00]  }
0x1e4: {  	v49 =	vmul.f32 $1.280000000e+02, v49;
	v53 =	vand.u32 $0x7FFFFFFF, v53;
	v46 =	vsub.f32 v46, v58;
	[tilespmem:v31+s22+$0x0] =	vst.idx.add.s32.msk $0xffff, v7;
	v7 =	vmovc v40  }
0x1e5: {  	v53 =	vmul.f32 $1.280000000e+02, v53;
	v31 =	vand.u32 $0x7FFFFFFF, v56;
	v40 =	vsub.f32 v62, v59;
	[tilespmem:v33+s22+$0x0] =	vst.idx.add.s32.msk $0xffff, v8;
	v8 =	vmovc v42  }
0x1e6: {  	v33 =	vmul.f32 $1.280000000e+02, v31;
	v31 =	vand.u32 $0x7FFFFFFF, v46;
	v42 =	vsub.f32 v50, v60;
	[tilespmem:v34+s22+$0x0] =	vst.idx.add.s32.msk $0xffff, v9;
	v9 =	vmovc v44  }
0x1e7: {  	v34 =	vmul.f32 $1.280000000e+02, v31;
	v31 =	vand.u32 $0x7FFFFFFF, v40;
	v40 =	vsub.f32 v55, v52;
	[tilespmem:v35+s22+$0x0] =	vst.idx.add.s32.msk $0xffff, v5;
	v5 =	vmovc v37  }
0x1e8: {  	v35 =	vmul.f32 $1.280000000e+02, v31;
	v31 =	vand.u32 $0x7FFFFFFF, v42;
	v37 =	vsub.f32 v57, v61;
	[tilespmem:v32+s22+$0x0] =	vst.idx.add.s32.msk $0xffff, v6;
	v6 =	vmovc v48  }
.Ltmp3:
0x1e9: {  	v42 =	vadd.f32 v1, v38;
	v32 =	vmul.f32 $1.280000000e+02, v31;
	v38 =	vand.u32 $0x7FFFFFFF, v40;
	[tilespmem:v29+s22+$0x0] =	vst.idx.add.s32.msk $0xffff, v10;
	v10 =	vmovc v51;
	(pc) =	sbr.rel @p0 .LBB2_8-.Ltmp3, $4  }
0x1ea: {  	v31 =	vadd.f32 v1, v39;
	v29 =	vmul.f32 $1.280000000e+02, v38;
	v37 =	vand.u32 $0x7FFFFFFF, v37;
	[tilespmem:v30+s22+$0x0] =	vst.idx.add.s32.msk $0xffff, v11;
	v11 =	vmovc v54  }
0x1eb: {  	v40 =	vadd.f32 v1, v41;
	v38 =	vadd.f32 v1, v43;
	v30 =	vmul.f32 $1.280000000e+02, v37;
	[tilespmem:v28+s22+$0x0] =	vst.idx.add.s32.msk $0xffff, v25  }
0x1ec: {  	v25 =	vand.u32 $0x3FFF, v36;
	v36 =	vadd.f32 v1, v45;
	v37 =	vadd.f32 v1, v47;
	[tilespmem:v27+s22+$0x0] =	vst.idx.add.s32.msk $0xffff, v23  }
0x1ed: {  	s26 =	sadd.s32 $0x2, s26;
	v39 =	vadd.f32 v1, v49;
	v28 =	vand.u32 $0x3FFF, v42;
	v27 =	vadd.f32 v1, v53;
	[tilespmem:v26+s22+$0x0] =	vst.idx.add.s32.msk $0xffff, v24  }
0x1ee: {  	_ =	sdelay $0x3  }
0x1ef: {  	v23 =	vand.u32 $0x3FFF, v31;
	[tilespmem:v14+s22+$0x0] =	vst.idx.add.s32.msk $0xffff, v3  }
0x1f0: {  	v3 =	vand.u32 $0x3FFF, v40;
	[tilespmem:v13+s22+$0x0] =	vst.idx.add.s32.msk $0xffff, v2  }
0x1f1: {  	v2 =	vand.u32 $0x3FFF, v38;
	[tilespmem:v12+s22+$0x0] =	vst.idx.add.s32.msk $0xffff, v4  }
0x1f2: {  	[tilespmem:v25+s22+$0x0] =	vst.idx.add.s32.msk $0xffff, v15;
	v4 =	vand.u32 $0x3FFF, v36  }
0x1f3: {  	v12 =	vand.u32 $0x3FFF, v37;
	[tilespmem:v28+s22+$0x0] =	vst.idx.add.s32.msk $0xffff, v16  }
0x1f4: {  	v13 =	vadd.f32 v1, v33;
	v14 =	vand.u32 $0x3FFF, v39;
	[tilespmem:v23+s22+$0x0] =	vst.idx.add.s32.msk $0xffff, v7  }
0x1f5: {  	v15 =	vand.u32 $0x3FFF, v27;
	v7 =	vadd.f32 v1, v34;
	[tilespmem:v3+s22+$0x0] =	vst.idx.add.s32.msk $0xffff, v8  }
0x1f6: {  	v3 =	vadd.f32 v1, v35;
	v8 =	vand.u32 $0x3FFF, v13;
	[tilespmem:v2+s22+$0x0] =	vst.idx.add.s32.msk $0xffff, v9  }
0x1f7: {  	v2 =	vadd.f32 v1, v32;
	[tilespmem:v4+s22+$0x0] =	vst.idx.add.s32.msk $0xffff, v5;
	v7 =	vand.u32 $0x3FFF, v7  }
0x1f8: {  	v4 =	vadd.f32 v1, v29;
	[tilespmem:v12+s22+$0x0] =	vst.idx.add.s32.msk $0xffff, v6;
	v3 =	vand.u32 $0x3FFF, v3  }
0x1f9: {  	v5 =	vadd.f32 v1, v30;
	[tilespmem:v14+s22+$0x0] =	vst.idx.add.s32.msk $0xffff, v10;
	v2 =	vand.u32 $0x3FFF, v2  }
0x1fa: {  	[tilespmem:v15+s22+$0x0] =	vst.idx.add.s32.msk $0xffff, v11;
	v4 =	vand.u32 $0x3FFF, v4  }
0x1fb: {  	v5 =	vand.u32 $0x3FFF, v5;
	[tilespmem:v8+s22+$0x0] =	vst.idx.add.s32.msk $0xffff, v17  }
0x1fc: {  	[tilespmem:v7+s22+$0x0] =	vst.idx.add.s32.msk $0xffff, v19  }
0x1fd: {  	[tilespmem:v3+s22+$0x0] =	vst.idx.add.s32.msk $0xffff, v18  }
0x1fe: {  	[tilespmem:v2+s22+$0x0] =	vst.idx.add.s32.msk $0xffff, v20  }
0x1ff: {  	[tilespmem:v4+s22+$0x0] =	vst.idx.add.s32.msk $0xffff, v21  }
0x200: {  	s0 =	simm.s32 $0x0;
	[tilespmem:v5+s22+$0x0] =	vst.idx.add.s32.msk $0xffff, v22  }
0x201: {  	[tilespmem:s0], [sflag:$0x1] =	stream.linear.gather [hbm4b:s11+s0], $0x3000, $0x38;
	[tilespmem:$0x10800] =	vst v63  }
0x202: {  	_ = 	snop  }
0x203: {  	[tilespmem:s17], [sflag:$0x2] =	stream.linear.gather [hbm4b:s12+s0], $0x3000, $0x38;
	[tilespmem:$0x10800] =	vst v63  }
0x204: {  	_ =	swait.ge [sflag:s23], $0x3000  }
0x205: {  	s1 =	sand.u32 $0x2, s0;
	[sflag:s23] =	ssyncset.done $0x0  }
0x206: {  	s1 =	smul.u32 $0xC00, s1;
	[sflag:s23] =	ssyncadd.s32 $0xFFFFD000  }
0x207: {  	s2 =	sand.u32 $0xC00, s0;
	_ =	swait.ge [sflag:s24], $0x3000  }
0x208: {  	s1 =	sadd.s32 s2, s1;
	s0 =	sand.u32 $0x70, s0;
	[sflag:s24] =	ssyncset.done $0x0  }
0x209: {  	s0 =	sor.u32 s0, s1;
	[sflag:s24] =	ssyncadd.s32 $0xFFFFD000  }
0x20a: {  	v2 =	vld [tilespmem:s0+$0x9F80]  }
0x20b: {  	v3 =	vld [tilespmem:s0+$0x9000]  }
0x20c: {  	v4 =	vld [tilespmem:s0+$0x6F80]  }
0x20d: {  	v5 =	vld [tilespmem:s0+$0x9080]  }
0x20e: {  	v6 =	vld [tilespmem:s0+$0x9100]  }
0x20f: {  	v7 =	vld [tilespmem:s0+$0x9180]  }
0x210: {  	v8 =	vld [tilespmem:s0+$0x9200]  }
0x211: {  	v9 =	vld [tilespmem:s0+$0x9280]  }
0x212: {  	v10 =	vld [tilespmem:s0+$0x9300]  }
0x213: {  	v12 =	vld [tilespmem:s0+$0x9380]  }
0x214: {  	v13 =	vld [tilespmem:s0+$0x9C00]  }
0x215: {  	v17 =	vld [tilespmem:s0+$0x9D80]  }
0x216: {  	v20 =	vld [tilespmem:s0+$0x9E80]  }
0x217: {  	v49 =	vld [tilespmem:s0+$0x6100];
	v11 =	vcvt.s32.f32 v2  }
0x218: {  	v50 =	vld [tilespmem:s0+$0x6180];
	v14 =	vcvt.s32.f32 v3;
	v15 =	vadd.s32 $0x2000, v3;
	v16 =	vcvt.s32.f32 v5  }
0x219: {  	v52 =	vld [tilespmem:s0+$0x6200];
	v5 =	vadd.s32 $0x2000, v5;
	v18 =	vcvt.s32.f32 v6;
	v31 =	vadd.s32 $0x2000, v6  }
0x21a: {  	v54 =	vld [tilespmem:s0+$0x6380];
	v19 =	vcvt.s32.f32 v7;
	v32 =	vadd.s32 $0x2000, v7;
	v7 =	vcvt.s32.f32 v8  }
0x21b: {  	v3 =	vld [tilespmem:s0+$0x9D00];
	v29 =	vadd.s32 $0x2000, v8;
	v8 =	vcvt.s32.f32 v9;
	v30 =	vadd.s32 $0x2000, v9  }
0x21c: {  	v6 =	vld [tilespmem:s0+$0x9E00];
	v9 =	vcvt.s32.f32 v10;
	v28 =	vadd.s32 $0x2000, v10;
	v22 =	vcvt.s32.f32 v12  }
0x21d: {  	v26 =	vadd.s32 $0x2000, v12;
	v48 =	vcvt.s32.f32 v13;
	v4 =	vsub.f32 v4, v11;
	v11 =	vld [tilespmem:s0+$0x9C80]  }
0x21e: {  	v10 =	vld [tilespmem:s0+$0x6000];
	v27 =	vadd.s32 $0x2000, v13;
	v51 =	vcvt.s32.f32 v17;
	v23 =	vadd.s32 $0x2000, v17  }
0x21f: {  	v55 =	vld [tilespmem:s0+$0x6C00];
	v17 =	vadd.s32 $0x2000, v2;
	v2 =	vadd.s32 $0x2000, v20;
	v18 =	vsub.f32 v49, v18  }
0x220: {  	v21 =	vld [tilespmem:s0+$0x9F00];
	v19 =	vsub.f32 v50, v19;
	v7 =	vsub.f32 v52, v7;
	v4 =	vand.u32 $0x7FFFFFFF, v4  }
0x221: {  	v12 =	vld [tilespmem:s0+$0x6080];
	v22 =	vsub.f32 v54, v22;
	v4 =	vmul.f32 $1.280000000e+02, v4;
	v24 =	vadd.s32 $0x2000, v3  }
0x222: {  	v56 =	vld [tilespmem:s0+$0x6C80];
	v53 =	vcvt.s32.f32 v6;
	v13 =	vcvt.s32.f32 v11;
	v25 =	vadd.s32 $0x2000, v11  }
0x223: {  	v11 =	vcvt.s32.f32 v3;
	v3 =	vadd.s32 $0x2000, v6;
	v6 =	vsub.f32 v10, v14;
	v14 =	vld [tilespmem:s0+$0x6280]  }
0x224: {  	v33 =	vsub.f32 v55, v48;
	v18 =	vand.u32 $0x7FFFFFFF, v18;
	v10 =	vcvt.s32.f32 v20;
	v20 =	vld [tilespmem:s0+$0x6300]  }
0x225: {  	v57 =	vld [tilespmem:s0+$0x6E00];
	v19 =	vand.u32 $0x7FFFFFFF, v19;
	v7 =	vand.u32 $0x7FFFFFFF, v7;
	v4 =	vadd.f32 v1, v4  }
0x226: {  	v58 =	vld [tilespmem:s0+$0x6E80];
	v22 =	vand.u32 $0x7FFFFFFF, v22;
	v12 =	vsub.f32 v12, v16;
	v16 =	vcvt.s32.f32 v21  }
0x227: {  	s28 =	simm.s32 $0x2;
	v59 =	vld [tilespmem:s0+$0x6F00];
	v18 =	vmul.f32 $1.280000000e+02, v18;
	v7 =	vmul.f32 $1.280000000e+02, v7;
	v4 =	vand.u32 $0x3FFF, v4  }
0x228: {  	s1 =	sand.u32 $0x2, s28;
	v19 =	vmul.f32 $1.280000000e+02, v19;
	v22 =	vmul.f32 $1.280000000e+02, v22;
	v8 =	vsub.f32 v14, v8;
	v14 =	vld [tilespmem:s0+$0x6D00]  }
0x229: {  	s31 =	smul.u32 $0xC00, s1;
	v12 =	vand.u32 $0x7FFFFFFF, v12;
	v7 =	vadd.f32 v1, v7;
	v9 =	vsub.f32 v20, v9;
	v20 =	vld [tilespmem:s0+$0x6D80];
	s0 =	simm.s32 $0x40  }
0x22a: {  	s1 =	simm.s32 $0x8;
	v12 =	vmul.f32 $1.280000000e+02, v12;
	v6 =	vand.u32 $0x7FFFFFFF, v6;
	v13 =	vsub.f32 v56, v13;
	s3 =	sand.u32 $0xC00, s0  }
0x22b: {  	s25 =	sand.u32 $0x70, s1;
	v22 =	vadd.f32 v1, v22;
	v10 =	vsub.f32 v58, v10;
	v6 =	vmul.f32 $1.280000000e+02, v6;
	s2 =	sadd.s32 s3, s31  }
0x22c: {  	v12 =	vadd.f32 v1, v12;
	v13 =	vand.u32 $0x7FFFFFFF, v13;
	[tilespmem:v4+s22+$0x0] =	vst.idx.add.s32.msk $0xffff, v17;
	v4 =	vand.u32 $0x7FFFFFFF, v33;
	s2 =	sor.u32 s25, s2  }
0x22d: {  	v10 =	vand.u32 $0x7FFFFFFF, v10;
	v17 =	vmul.f32 $1.280000000e+02, v4;
	v4 =	vadd.s32 $0x2000, v21;
	v21 =	vld [tilespmem:s2+$0x9100]  }
0x22e: {  	v6 =	vadd.f32 v1, v6;
	v12 =	vand.u32 $0x3FFF, v12;
	v10 =	vmul.f32 $1.280000000e+02, v10;
	v60 =	vld [tilespmem:s2+$0x9180]  }
0x22f: {  	v34 =	vand.u32 $0x3FFF, v7;
	v41 =	vand.u32 $0x3FFF, v22;
	v13 =	vmul.f32 $1.280000000e+02, v13;
	v62 =	vld [tilespmem:s2+$0x9200]  }
0x230: {  	v8 =	vand.u32 $0x7FFFFFFF, v8;
	v6 =	vand.u32 $0x3FFF, v6;
	v7 =	vadd.f32 v1, v10;
	v10 =	vld [tilespmem:s2+$0x9300]  }
0x231: {  	v9 =	vand.u32 $0x7FFFFFFF, v9;
	v13 =	vadd.f32 v1, v13;
	v8 =	vmul.f32 $1.280000000e+02, v8;
	v63 =	vld [tilespmem:s2+$0x9380]  }
0x232: {  	v9 =	vmul.f32 $1.280000000e+02, v9;
	v22 =	vld [tilespmem:s2+$0x9C00];
	v11 =	vsub.f32 v14, v11;
	v14 =	vsub.f32 v20, v51  }
0x233: {  	v43 =	vand.u32 $0x3FFF, v13;
	[tilespmem:v12+s22+$0x0] =	vst.idx.add.s32.msk $0xffff, v5;
	v12 =	vsub.f32 v59, v16;
	v8 =	vadd.f32 v1, v8  }
0x234: {  	v13 =	vand.u32 $0x3FFF, v7;
	v20 =	vld [tilespmem:s2+$0x9F80];
	v9 =	vadd.f32 v1, v9;
	v17 =	vadd.f32 v1, v17  }
0x235: {  	v11 =	vand.u32 $0x7FFFFFFF, v11;
	[tilespmem:v6+s22+$0x0] =	vst.idx.add.s32.msk $0xffff, v15;
	v6 =	vsub.f32 v57, v53;
	v14 =	vand.u32 $0x7FFFFFFF, v14  }
0x236: {  	v46 =	vld [tilespmem:s2+$0x9D00];
	v12 =	vand.u32 $0x7FFFFFFF, v12;
	v38 =	vand.u32 $0x3FFF, v8;
	v40 =	vand.u32 $0x3FFF, v9  }
0x237: {  	v16 =	vld [tilespmem:s2+$0x6F80];
	v42 =	vand.u32 $0x3FFF, v17;
	v5 =	vmul.f32 $1.280000000e+02, v11;
	v11 =	vmul.f32 $1.280000000e+02, v14  }
0x238: {  	v48 =	vld [tilespmem:s2+$0x9D80];
	v14 =	vadd.f32 v1, v18;
	v18 =	vadd.f32 v1, v19;
	v12 =	vmul.f32 $1.280000000e+02, v12  }
0x239: {  	v50 =	vld [tilespmem:s2+$0x9E00];
	v6 =	vand.u32 $0x7FFFFFFF, v6;
	v51 =	vcvt.s32.f32 v21;
	v52 =	vcvt.s32.f32 v60  }
0x23a: {  	v54 =	vld [tilespmem:s2+$0x6000];
	v7 =	vadd.s32 $0x2000, v21;
	v33 =	vcvt.s32.f32 v62;
	v61 =	vcvt.s32.f32 v20  }
0x23b: {  	v15 =	vld [tilespmem:s2+$0x9000];
	v9 =	vadd.s32 $0x2000, v62;
	v55 =	vcvt.s32.f32 v10;
	v57 =	vcvt.s32.f32 v63  }
0x23c: {  	v17 =	vld [tilespmem:s2+$0x9C80];
	v39 =	vcvt.s32.f32 v22;
	v35 =	vand.u32 $0x3FFF, v14;
	v14 =	vsub.f32 v16, v61  }
0x23d: {  	v19 =	vld [tilespmem:s2+$0x9080];
	v59 =	vcvt.s32.f32 v46;
	v6 =	vmul.f32 $1.280000000e+02, v6;
	v5 =	vadd.f32 v1, v5  }
0x23e: {  	v53 =	vld [tilespmem:s2+$0x9F00];
	v37 =	vand.u32 $0x3FFF, v18;
	v11 =	vadd.f32 v1, v11;
	v8 =	vand.u32 $0x7FFFFFFF, v14  }
0x23f: {  	v56 =	vld [tilespmem:s2+$0x6080];
	v12 =	vadd.f32 v1, v12;
	v6 =	vadd.f32 v1, v6;
	v8 =	vmul.f32 $1.280000000e+02, v8  }
0x240: {  	v21 =	vld [tilespmem:s2+$0x9E80];
	v44 =	vand.u32 $0x3FFF, v5;
	v45 =	vand.u32 $0x3FFF, v11;
	v47 =	vcvt.s32.f32 v15  }
0x241: {  	v18 =	vld [tilespmem:s2+$0x9280];
	v12 =	vand.u32 $0x3FFF, v12;
	v15 =	vadd.s32 $0x2000, v15;
	v5 =	vadd.f32 v1, v8  }
0x242: {  	v58 =	vcvt.s32.f32 v17;
	v49 =	vcvt.s32.f32 v19;
	v47 =	vsub.f32 v54, v47;
	v54 =	vld [tilespmem:s2+$0x6200]  }
0x243: {  	v62 =	vld [tilespmem:s2+$0x6300];
	v17 =	vadd.s32 $0x2000, v17;
	v61 =	vcvt.s32.f32 v53;
	v11 =	vand.u32 $0x3FFF, v5  }
0x244: {  	v16 =	vadd.s32 $0x2000, v19;
	v19 =	vadd.s32 $0x2000, v46;
	v49 =	vsub.f32 v56, v49;
	v56 =	vld [tilespmem:s2+$0x6280]  }
0x245: {  	[tilespmem:v43+s22+$0x0] =	vst.idx.add.s32.msk $0xffff, v25;
	v46 =	vcvt.s32.f32 v48;
	v14 =	vand.u32 $0x3FFF, v6;
	v6 =	vadd.s32 $0x2000, v10  }
0x246: {  	v10 =	vadd.s32 $0x2000, v63;
	v63 =	vld [tilespmem:s2+$0x6380];
	v36 =	vcvt.s32.f32 v18;
	v47 =	vand.u32 $0x7FFFFFFF, v47  }
0x247: {  	v5 =	vadd.s32 $0x2000, v18;
	v18 =	vadd.s32 $0x2000, v20;
	v33 =	vsub.f32 v54, v33;
	v54 =	vld [tilespmem:s2+$0x6C80]  }
0x248: {  	v55 =	vsub.f32 v62, v55;
	v8 =	vadd.s32 $0x2000, v60;
	v47 =	vmul.f32 $1.280000000e+02, v47;
	[tilespmem:v11+s22+$0x0] =	vst.idx.add.s32.msk $0xffff, v18  }
0x249: {  	v49 =	vand.u32 $0x7FFFFFFF, v49;
	v36 =	vsub.f32 v56, v36;
	v11 =	vadd.s32 $0x2000, v22;
	v22 =	vld [tilespmem:s2+$0x6100]  }
0x24a: {  	v60 =	vld [tilespmem:s2+$0x6180];
	v49 =	vmul.f32 $1.280000000e+02, v49;
	v47 =	vadd.f32 v1, v47;
	v33 =	vand.u32 $0x7FFFFFFF, v33  }
0x24b: {  	[tilespmem:v38+s22+$0x0] =	vst.idx.add.s32.msk $0xffff, v30;
	v62 =	vmul.f32 $1.280000000e+02, v33;
	v33 =	vand.u32 $0x7FFFFFFF, v36;
	v36 =	vsub.f32 v63, v57  }
0x24c: {  	[tilespmem:v40+s22+$0x0] =	vst.idx.add.s32.msk $0xffff, v28;
	v28 =	vadd.f32 v1, v49;
	v63 =	vmul.f32 $1.280000000e+02, v33;
	v33 =	vand.u32 $0x7FFFFFFF, v55  }
0x24d: {  	v55 =	vmul.f32 $1.280000000e+02, v33;
	v33 =	vand.u32 $0x7FFFFFFF, v36;
	v36 =	vsub.f32 v54, v58;
	v54 =	vld [tilespmem:s2+$0x6F00]  }
0x24e: {  	v20 =	vadd.s32 $0x2000, v50;
	v51 =	vsub.f32 v22, v51;
	v22 =	vadd.s32 $0x2000, v53;
	v53 =	vld [tilespmem:s2+$0x6C00]  }
0x24f: {  	v56 =	vld [tilespmem:s2+$0x6D00];
	v25 =	vand.u32 $0x3FFF, v47;
	v52 =	vsub.f32 v60, v52;
	v28 =	vand.u32 $0x3FFF, v28  }
0x250: {  	v60 =	vld [tilespmem:s2+$0x6D80];
	v18 =	vadd.s32 $0x2000, v48;
	v48 =	vcvt.s32.f32 v50;
	v50 =	vcvt.s32.f32 v21  }
0x251: {  	v57 =	vld [tilespmem:s2+$0x6E00];
	v21 =	vadd.s32 $0x2000, v21;
	v52 =	vand.u32 $0x7FFFFFFF, v52;
	v38 =	vadd.f32 v1, v62  }
0x252: {  	[tilespmem:v35+s22+$0x0] =	vst.idx.add.s32.msk $0xffff, v31;
	v52 =	vmul.f32 $1.280000000e+02, v52;
	v31 =	vand.u32 $0x7FFFFFFF, v36;
	v36 =	vadd.f32 v1, v63  }
0x253: {  	v58 =	vmul.f32 $1.280000000e+02, v33;
	v30 =	vsub.f32 v54, v61;
	v39 =	vsub.f32 v53, v39;
	v53 =	vld [tilespmem:s2+$0x6E80]  }
0x254: {  	[tilespmem:v37+s22+$0x0] =	vst.idx.add.s32.msk $0xffff, v32;
	v37 =	vadd.f32 v1, v55;
	v40 =	vadd.f32 v1, v52;
	v51 =	vand.u32 $0x7FFFFFFF, v51  }
0x255: {  	[tilespmem:v41+s22+$0x0] =	vst.idx.add.s32.msk $0xffff, v26;
	v26 =	vand.u32 $0x7FFFFFFF, v30;
	v33 =	vand.u32 $0x7FFFFFFF, v39;
	v39 =	vsub.f32 v56, v59  }
0x256: {  	v51 =	vmul.f32 $1.280000000e+02, v51;
	v59 =	vsub.f32 v60, v46;
	v60 =	vsub.f32 v57, v48  }
0x257: {  	v56 =	vmul.f32 $1.280000000e+02, v33;
	v33 =	vmul.f32 $1.280000000e+02, v31;
	v31 =	vand.u32 $0x7FFFFFFF, v39  }
0x258: {  	[tilespmem:v34+s22+$0x0] =	vst.idx.add.s32.msk $0xffff, v29;
	v29 =	vand.u32 $0x7FFFFFFF, v59;
	v34 =	vmul.f32 $1.280000000e+02, v31;
	v31 =	vsub.f32 v53, v50  }
0x259: {  	[tilespmem:v42+s22+$0x0] =	vst.idx.add.s32.msk $0xffff, v27;
	v30 =	vmul.f32 $1.280000000e+02, v26;
	v35 =	vmul.f32 $1.280000000e+02, v29;
	v29 =	vand.u32 $0x7FFFFFFF, v60  }
0x25a: {  	[tilespmem:v44+s22+$0x0] =	vst.idx.add.s32.msk $0xffff, v24;
	v32 =	vmul.f32 $1.280000000e+02, v29;
	v29 =	vand.u32 $0x7FFFFFFF, v31;
	v31 =	vadd.f32 v1, v51  }
0x25b: {  	s26 =	simm.s32 $0x4;
	s25 =	simm.s32 $0x10;
	[tilespmem:v45+s22+$0x0] =	vst.idx.add.s32.msk $0xffff, v23;
	v39 =	vadd.f32 v1, v58;
	v27 =	vadd.f32 v1, v56;
	v29 =	vmul.f32 $1.280000000e+02, v29  }
.LBB2_10:
0x25c: {  	s2 =	sand.u32 $0x2, s26;
	s25 =	sadd.s32 $0x10, s25;
	v31 =	vand.u32 $0x3FFF, v31;
	v24 =	vadd.f32 v1, v33;
	v26 =	vadd.f32 v1, v34;
	[tilespmem:v14+s22+$0x0] =	vst.idx.add.s32.msk $0xffff, v3  }
0x25d: {  	v33 =	vand.u32 $0x3FFF, v40;
	v14 =	vadd.f32 v1, v35;
	v40 =	vadd.f32 v1, v32;
	s0 =	sadd.s32 $0x40, s0;
	s2 =	smul.u32 $0xC00, s2;
	p0 =	slt.u32 s25, $0x2F0;
	[tilespmem:v13+s22+$0x0] =	vst.idx.add.s32.msk $0xffff, v2  }
0x25e: {  	v34 =	vand.u32 $0x3FFF, v38;
	v41 =	vadd.f32 v1, v29;
	v38 =	vadd.f32 v1, v30;
	s1 =	sadd.s32 $0x8, s1;
	s3 =	sand.u32 $0xC00, s0;
	[tilespmem:v12+s22+$0x0] =	vst.idx.add.s32.msk $0xffff, v4  }
0x25f: {  	v35 =	vand.u32 $0x3FFF, v36;
	v32 =	vand.u32 $0x3FFF, v37;
	v23 =	vmovc v19;
	s28 =	sand.u32 $0x70, s1;
	v29 =	vand.u32 $0x3FFF, v39;
	s2 =	sadd.s32 s3, s2;
	[tilespmem:v25+s22+$0x0] =	vst.idx.add.s32.msk $0xffff, v15;
	v25 =	vmovc v17  }
0x260: {  	v3 =	vmovc v20;
	v30 =	vand.u32 $0x3FFF, v27;
	v27 =	vand.u32 $0x3FFF, v26;
	s2 =	sor.u32 s28, s2;
	[tilespmem:v28+s22+$0x0] =	vst.idx.add.s32.msk $0xffff, v16;
	v28 =	vand.u32 $0x3FFF, v24;
	v24 =	vmovc v18  }
0x261: {  	v2 =	vmovc v21;
	v26 =	vand.u32 $0x3FFF, v14;
	v14 =	vand.u32 $0x3FFF, v40;
	v13 =	vand.u32 $0x3FFF, v41;
	v4 =	vmovc v22;
	v20 =	vld [tilespmem:s2+$0x9F80]  }
0x262: {  	v12 =	vand.u32 $0x3FFF, v38;
	v15 =	vld [tilespmem:s2+$0x9000]  }
0x263: {  	v16 =	vld [tilespmem:s2+$0x6F80]  }
0x264: {  	v17 =	vld [tilespmem:s2+$0x9080]  }
0x265: {  	v18 =	vld [tilespmem:s2+$0x9100]  }
0x266: {  	v19 =	vld [tilespmem:s2+$0x9180];
	v21 =	vcvt.s32.f32 v20  }
0x267: {  	v36 =	vcvt.s32.f32 v15;
	v15 =	vadd.s32 $0x2000, v15;
	v22 =	vld [tilespmem:s2+$0x9200]  }
0x268: {  	v37 =	vld [tilespmem:s2+$0x9280];
	v21 =	vsub.f32 v16, v21  }
0x269: {  	v38 =	vcvt.s32.f32 v17;
	v16 =	vadd.s32 $0x2000, v17;
	v17 =	vld [tilespmem:s2+$0x9300]  }
0x26a: {  	v39 =	vcvt.s32.f32 v18;
	v40 =	vadd.s32 $0x2000, v18;
	v18 =	vld [tilespmem:s2+$0x9380];
	v21 =	vand.u32 $0x7FFFFFFF, v21  }
0x26b: {  	v41 =	vcvt.s32.f32 v19;
	v42 =	vadd.s32 $0x2000, v19;
	v19 =	vld [tilespmem:s2+$0x9C00];
	v21 =	vmul.f32 $1.280000000e+02, v21  }
0x26c: {  	v43 =	vcvt.s32.f32 v22;
	v44 =	vadd.s32 $0x2000, v22;
	v22 =	vld [tilespmem:s2+$0x9C80]  }
0x26d: {  	v45 =	vcvt.s32.f32 v37;
	v37 =	vadd.s32 $0x2000, v37;
	v46 =	vld [tilespmem:s2+$0x9D00];
	v21 =	vadd.f32 v1, v21  }
0x26e: {  	v47 =	vcvt.s32.f32 v17;
	v48 =	vadd.s32 $0x2000, v17;
	v49 =	vld [tilespmem:s2+$0x9D80]  }
0x26f: {  	v50 =	vcvt.s32.f32 v18;
	v51 =	vadd.s32 $0x2000, v18;
	v52 =	vld [tilespmem:s2+$0x9E00];
	v21 =	vand.u32 $0x3FFF, v21  }
0x270: {  	v53 =	vcvt.s32.f32 v19;
	v54 =	vadd.s32 $0x2000, v19;
	v55 =	vld [tilespmem:s2+$0x9E80]  }
0x271: {  	v56 =	vcvt.s32.f32 v22;
	v17 =	vadd.s32 $0x2000, v22;
	v22 =	vld [tilespmem:s2+$0x9F00]  }
0x272: {  	v57 =	vld [tilespmem:s2+$0x6000];
	v58 =	vcvt.s32.f32 v46;
	v19 =	vadd.s32 $0x2000, v46  }
0x273: {  	v46 =	vld [tilespmem:s2+$0x6080];
	v59 =	vcvt.s32.f32 v49;
	v18 =	vadd.s32 $0x2000, v49;
	v49 =	vadd.s32 $0x2000, v20  }
0x274: {  	v60 =	vcvt.s32.f32 v52;
	v20 =	vadd.s32 $0x2000, v52;
	[tilespmem:v21+s22+$0x0] =	vst.idx.add.s32.msk $0xffff, v49  }
0x275: {  	v49 =	vld [tilespmem:s2+$0x6100];
	v52 =	vcvt.s32.f32 v55;
	v21 =	vadd.s32 $0x2000, v55  }
0x276: {  	v55 =	vld [tilespmem:s2+$0x6180];
	v61 =	vcvt.s32.f32 v22;
	v22 =	vadd.s32 $0x2000, v22  }
0x277: {  	v36 =	vsub.f32 v57, v36;
	v57 =	vld [tilespmem:s2+$0x6200]  }
0x278: {  	v38 =	vsub.f32 v46, v38;
	v46 =	vld [tilespmem:s2+$0x6280]  }
0x279: {  	v36 =	vand.u32 $0x7FFFFFFF, v36;
	v62 =	vld [tilespmem:s2+$0x6300]  }
0x27a: {  	v36 =	vmul.f32 $1.280000000e+02, v36;
	v38 =	vand.u32 $0x7FFFFFFF, v38;
	v39 =	vsub.f32 v49, v39;
	v49 =	vld [tilespmem:s2+$0x6380]  }
0x27b: {  	v38 =	vmul.f32 $1.280000000e+02, v38;
	v41 =	vsub.f32 v55, v41;
	v55 =	vld [tilespmem:s2+$0x6C00]  }
0x27c: {  	v36 =	vadd.f32 v1, v36;
	v39 =	vand.u32 $0x7FFFFFFF, v39;
	v43 =	vsub.f32 v57, v43;
	v57 =	vld [tilespmem:s2+$0x6C80]  }
0x27d: {  	v39 =	vmul.f32 $1.280000000e+02, v39;
	v41 =	vand.u32 $0x7FFFFFFF, v41;
	v45 =	vsub.f32 v46, v45;
	v46 =	vld [tilespmem:s2+$0x6D00]  }
0x27e: {  	v41 =	vmul.f32 $1.280000000e+02, v41;
	v43 =	vand.u32 $0x7FFFFFFF, v43;
	v47 =	vsub.f32 v62, v47;
	v62 =	vld [tilespmem:s2+$0x6D80]  }
0x27f: {  	v43 =	vmul.f32 $1.280000000e+02, v43;
	v45 =	vand.u32 $0x7FFFFFFF, v45;
	v49 =	vsub.f32 v49, v50;
	v50 =	vld [tilespmem:s2+$0x6E00]  }
0x280: {  	v45 =	vmul.f32 $1.280000000e+02, v45;
	v47 =	vand.u32 $0x7FFFFFFF, v47;
	v53 =	vsub.f32 v55, v53;
	v55 =	vld [tilespmem:s2+$0x6E80]  }
0x281: {  	v47 =	vmul.f32 $1.280000000e+02, v47;
	v49 =	vand.u32 $0x7FFFFFFF, v49;
	v56 =	vsub.f32 v57, v56;
	v57 =	vld [tilespmem:s2+$0x6F00]  }
0x282: {  	v49 =	vmul.f32 $1.280000000e+02, v49;
	v53 =	vand.u32 $0x7FFFFFFF, v53;
	v46 =	vsub.f32 v46, v58;
	[tilespmem:v31+s22+$0x0] =	vst.idx.add.s32.msk $0xffff, v7;
	v7 =	vmovc v40  }
0x283: {  	v53 =	vmul.f32 $1.280000000e+02, v53;
	v31 =	vand.u32 $0x7FFFFFFF, v56;
	v40 =	vsub.f32 v62, v59;
	[tilespmem:v33+s22+$0x0] =	vst.idx.add.s32.msk $0xffff, v8;
	v8 =	vmovc v42  }
0x284: {  	v33 =	vmul.f32 $1.280000000e+02, v31;
	v31 =	vand.u32 $0x7FFFFFFF, v46;
	v42 =	vsub.f32 v50, v60;
	[tilespmem:v34+s22+$0x0] =	vst.idx.add.s32.msk $0xffff, v9;
	v9 =	vmovc v44  }
0x285: {  	v34 =	vmul.f32 $1.280000000e+02, v31;
	v31 =	vand.u32 $0x7FFFFFFF, v40;
	v40 =	vsub.f32 v55, v52;
	[tilespmem:v35+s22+$0x0] =	vst.idx.add.s32.msk $0xffff, v5;
	v5 =	vmovc v37  }
0x286: {  	v35 =	vmul.f32 $1.280000000e+02, v31;
	v31 =	vand.u32 $0x7FFFFFFF, v42;
	v37 =	vsub.f32 v57, v61;
	[tilespmem:v32+s22+$0x0] =	vst.idx.add.s32.msk $0xffff, v6;
	v6 =	vmovc v48  }
.Ltmp4:
0x287: {  	v42 =	vadd.f32 v1, v38;
	v32 =	vmul.f32 $1.280000000e+02, v31;
	v38 =	vand.u32 $0x7FFFFFFF, v40;
	[tilespmem:v29+s22+$0x0] =	vst.idx.add.s32.msk $0xffff, v10;
	v10 =	vmovc v51;
	(pc) =	sbr.rel @p0 .LBB2_10-.Ltmp4, $4  }
0x288: {  	v31 =	vadd.f32 v1, v39;
	v29 =	vmul.f32 $1.280000000e+02, v38;
	v37 =	vand.u32 $0x7FFFFFFF, v37;
	[tilespmem:v30+s22+$0x0] =	vst.idx.add.s32.msk $0xffff, v11;
	v11 =	vmovc v54  }
0x289: {  	v40 =	vadd.f32 v1, v41;
	v38 =	vadd.f32 v1, v43;
	v30 =	vmul.f32 $1.280000000e+02, v37;
	[tilespmem:v28+s22+$0x0] =	vst.idx.add.s32.msk $0xffff, v25  }
0x28a: {  	v25 =	vand.u32 $0x3FFF, v36;
	v36 =	vadd.f32 v1, v45;
	v37 =	vadd.f32 v1, v47;
	[tilespmem:v27+s22+$0x0] =	vst.idx.add.s32.msk $0xffff, v23  }
0x28b: {  	s26 =	sadd.s32 $0x2, s26;
	v39 =	vadd.f32 v1, v49;
	v28 =	vand.u32 $0x3FFF, v42;
	v27 =	vadd.f32 v1, v53;
	[tilespmem:v26+s22+$0x0] =	vst.idx.add.s32.msk $0xffff, v24  }
0x28c: {  	_ =	sdelay $0x3  }
0x28d: {  	v23 =	vand.u32 $0x3FFF, v31;
	[tilespmem:v14+s22+$0x0] =	vst.idx.add.s32.msk $0xffff, v3  }
0x28e: {  	v3 =	vand.u32 $0x3FFF, v40;
	[tilespmem:v13+s22+$0x0] =	vst.idx.add.s32.msk $0xffff, v2  }
0x28f: {  	v2 =	vand.u32 $0x3FFF, v38;
	[tilespmem:v12+s22+$0x0] =	vst.idx.add.s32.msk $0xffff, v4  }
0x290: {  	[tilespmem:v25+s22+$0x0] =	vst.idx.add.s32.msk $0xffff, v15;
	v4 =	vand.u32 $0x3FFF, v36  }
0x291: {  	v12 =	vand.u32 $0x3FFF, v37;
	[tilespmem:v28+s22+$0x0] =	vst.idx.add.s32.msk $0xffff, v16  }
0x292: {  	v13 =	vadd.f32 v1, v33;
	v14 =	vand.u32 $0x3FFF, v39;
	[tilespmem:v23+s22+$0x0] =	vst.idx.add.s32.msk $0xffff, v7  }
0x293: {  	v15 =	vand.u32 $0x3FFF, v27;
	v7 =	vadd.f32 v1, v34;
	[tilespmem:v3+s22+$0x0] =	vst.idx.add.s32.msk $0xffff, v8  }
0x294: {  	v3 =	vadd.f32 v1, v35;
	v8 =	vand.u32 $0x3FFF, v13;
	[tilespmem:v2+s22+$0x0] =	vst.idx.add.s32.msk $0xffff, v9  }
0x295: {  	v2 =	vadd.f32 v1, v32;
	[tilespmem:v4+s22+$0x0] =	vst.idx.add.s32.msk $0xffff, v5;
	v7 =	vand.u32 $0x3FFF, v7  }
0x296: {  	v4 =	vadd.f32 v1, v29;
	[tilespmem:v12+s22+$0x0] =	vst.idx.add.s32.msk $0xffff, v6;
	v3 =	vand.u32 $0x3FFF, v3  }
0x297: {  	v5 =	vadd.f32 v1, v30;
	[tilespmem:v14+s22+$0x0] =	vst.idx.add.s32.msk $0xffff, v10;
	v2 =	vand.u32 $0x3FFF, v2  }
0x298: {  	[tilespmem:v15+s22+$0x0] =	vst.idx.add.s32.msk $0xffff, v11;
	v4 =	vand.u32 $0x3FFF, v4  }
0x299: {  	v5 =	vand.u32 $0x3FFF, v5;
	[tilespmem:v8+s22+$0x0] =	vst.idx.add.s32.msk $0xffff, v17  }
0x29a: {  	[tilespmem:v7+s22+$0x0] =	vst.idx.add.s32.msk $0xffff, v19  }
0x29b: {  	[tilespmem:v3+s22+$0x0] =	vst.idx.add.s32.msk $0xffff, v18  }
0x29c: {  	[tilespmem:v2+s22+$0x0] =	vst.idx.add.s32.msk $0xffff, v20  }
0x29d: {  	[tilespmem:v4+s22+$0x0] =	vst.idx.add.s32.msk $0xffff, v21  }
0x29e: {  	s0 =	simm.s32 $0x0;
	[tilespmem:v5+s22+$0x0] =	vst.idx.add.s32.msk $0xffff, v22  }
0x29f: {  	[tilespmem:s18], [sflag:$0x3] =	stream.linear.gather [hbm4b:s13+s0], $0x3000, $0x38;
	[tilespmem:$0x10800] =	vst v63  }
0x2a0: {  	_ = 	snop  }
0x2a1: {  	[tilespmem:s19], [sflag:$0x4] =	stream.linear.gather [hbm4b:s14+s0], $0x3000, $0x38;
	[tilespmem:$0x10800] =	vst v63  }
0x2a2: {  	_ =	swait.ge [sflag:s20], $0x3000  }
0x2a3: {  	s1 =	sand.u32 $0x2, s0;
	[sflag:s20] =	ssyncset.done $0x0  }
0x2a4: {  	s1 =	smul.u32 $0xC00, s1;
	[sflag:s20] =	ssyncadd.s32 $0xFFFFD000  }
0x2a5: {  	s2 =	sand.u32 $0xC00, s0;
	_ =	swait.ge [sflag:s21], $0x3000  }
0x2a6: {  	s1 =	sadd.s32 s2, s1;
	s0 =	sand.u32 $0x70, s0;
	[sflag:s21] =	ssyncset.done $0x0  }
0x2a7: {  	s0 =	sor.u32 s0, s1;
	[sflag:s21] =	ssyncadd.s32 $0xFFFFD000  }
0x2a8: {  	v2 =	vld [tilespmem:s0+$0x3F80]  }
0x2a9: {  	v3 =	vld [tilespmem:s0+$0x3000]  }
0x2aa: {  	v4 =	vld [tilespmem:s0+$0xF80]  }
0x2ab: {  	v5 =	vld [tilespmem:s0+$0x3080]  }
0x2ac: {  	v6 =	vld [tilespmem:s0+$0x3100]  }
0x2ad: {  	v7 =	vld [tilespmem:s0+$0x3180]  }
0x2ae: {  	v8 =	vld [tilespmem:s0+$0x3200]  }
0x2af: {  	v9 =	vld [tilespmem:s0+$0x3280]  }
0x2b0: {  	v10 =	vld [tilespmem:s0+$0x3300]  }
0x2b1: {  	v12 =	vld [tilespmem:s0+$0x3380]  }
0x2b2: {  	v13 =	vld [tilespmem:s0+$0x3C00]  }
0x2b3: {  	v17 =	vld [tilespmem:s0+$0x3D80]  }
0x2b4: {  	v20 =	vld [tilespmem:s0+$0x3E80]  }
0x2b5: {  	v49 =	vld [tilespmem:s0+$0x100];
	v11 =	vcvt.s32.f32 v2  }
0x2b6: {  	v50 =	vld [tilespmem:s0+$0x180];
	v14 =	vcvt.s32.f32 v3;
	v15 =	vadd.s32 $0x2000, v3;
	v16 =	vcvt.s32.f32 v5  }
0x2b7: {  	v52 =	vld [tilespmem:s0+$0x200];
	v5 =	vadd.s32 $0x2000, v5;
	v18 =	vcvt.s32.f32 v6;
	v31 =	vadd.s32 $0x2000, v6  }
0x2b8: {  	v54 =	vld [tilespmem:s0+$0x380];
	v19 =	vcvt.s32.f32 v7;
	v32 =	vadd.s32 $0x2000, v7;
	v7 =	vcvt.s32.f32 v8  }
0x2b9: {  	v3 =	vld [tilespmem:s0+$0x3D00];
	v29 =	vadd.s32 $0x2000, v8;
	v8 =	vcvt.s32.f32 v9;
	v30 =	vadd.s32 $0x2000, v9  }
0x2ba: {  	v6 =	vld [tilespmem:s0+$0x3E00];
	v9 =	vcvt.s32.f32 v10;
	v28 =	vadd.s32 $0x2000, v10;
	v22 =	vcvt.s32.f32 v12  }
0x2bb: {  	v26 =	vadd.s32 $0x2000, v12;
	v48 =	vcvt.s32.f32 v13;
	v4 =	vsub.f32 v4, v11;
	v11 =	vld [tilespmem:s0+$0x3C80]  }
0x2bc: {  	v10 =	vld [tilespmem:s0+$0x0];
	v27 =	vadd.s32 $0x2000, v13;
	v51 =	vcvt.s32.f32 v17;
	v23 =	vadd.s32 $0x2000, v17  }
0x2bd: {  	v55 =	vld [tilespmem:s0+$0xC00];
	v17 =	vadd.s32 $0x2000, v2;
	v2 =	vadd.s32 $0x2000, v20;
	v18 =	vsub.f32 v49, v18  }
0x2be: {  	v21 =	vld [tilespmem:s0+$0x3F00];
	v19 =	vsub.f32 v50, v19;
	v7 =	vsub.f32 v52, v7;
	v4 =	vand.u32 $0x7FFFFFFF, v4  }
0x2bf: {  	v12 =	vld [tilespmem:s0+$0x80];
	v22 =	vsub.f32 v54, v22;
	v4 =	vmul.f32 $1.280000000e+02, v4;
	v24 =	vadd.s32 $0x2000, v3  }
0x2c0: {  	v56 =	vld [tilespmem:s0+$0xC80];
	v53 =	vcvt.s32.f32 v6;
	v13 =	vcvt.s32.f32 v11;
	v25 =	vadd.s32 $0x2000, v11  }
0x2c1: {  	v11 =	vcvt.s32.f32 v3;
	v3 =	vadd.s32 $0x2000, v6;
	v6 =	vsub.f32 v10, v14;
	v14 =	vld [tilespmem:s0+$0x280]  }
0x2c2: {  	v33 =	vsub.f32 v55, v48;
	v18 =	vand.u32 $0x7FFFFFFF, v18;
	v10 =	vcvt.s32.f32 v20;
	v20 =	vld [tilespmem:s0+$0x300]  }
0x2c3: {  	v57 =	vld [tilespmem:s0+$0xE00];
	v19 =	vand.u32 $0x7FFFFFFF, v19;
	v7 =	vand.u32 $0x7FFFFFFF, v7;
	v4 =	vadd.f32 v1, v4  }
0x2c4: {  	v58 =	vld [tilespmem:s0+$0xE80];
	v22 =	vand.u32 $0x7FFFFFFF, v22;
	v12 =	vsub.f32 v12, v16;
	v16 =	vcvt.s32.f32 v21  }
0x2c5: {  	s28 =	simm.s32 $0x2;
	v59 =	vld [tilespmem:s0+$0xF00];
	v18 =	vmul.f32 $1.280000000e+02, v18;
	v7 =	vmul.f32 $1.280000000e+02, v7;
	v4 =	vand.u32 $0x3FFF, v4  }
0x2c6: {  	s1 =	sand.u32 $0x2, s28;
	v19 =	vmul.f32 $1.280000000e+02, v19;
	v22 =	vmul.f32 $1.280000000e+02, v22;
	v8 =	vsub.f32 v14, v8;
	v14 =	vld [tilespmem:s0+$0xD00]  }
0x2c7: {  	s31 =	smul.u32 $0xC00, s1;
	v12 =	vand.u32 $0x7FFFFFFF, v12;
	v7 =	vadd.f32 v1, v7;
	v9 =	vsub.f32 v20, v9;
	v20 =	vld [tilespmem:s0+$0xD80];
	s0 =	simm.s32 $0x40  }
0x2c8: {  	s1 =	simm.s32 $0x8;
	v12 =	vmul.f32 $1.280000000e+02, v12;
	v6 =	vand.u32 $0x7FFFFFFF, v6;
	v13 =	vsub.f32 v56, v13;
	s3 =	sand.u32 $0xC00, s0  }
0x2c9: {  	s25 =	sand.u32 $0x70, s1;
	v22 =	vadd.f32 v1, v22;
	v10 =	vsub.f32 v58, v10;
	v6 =	vmul.f32 $1.280000000e+02, v6;
	s2 =	sadd.s32 s3, s31  }
0x2ca: {  	v12 =	vadd.f32 v1, v12;
	v13 =	vand.u32 $0x7FFFFFFF, v13;
	[tilespmem:v4+s22+$0x0] =	vst.idx.add.s32.msk $0xffff, v17;
	v4 =	vand.u32 $0x7FFFFFFF, v33;
	s2 =	sor.u32 s25, s2  }
0x2cb: {  	v10 =	vand.u32 $0x7FFFFFFF, v10;
	v17 =	vmul.f32 $1.280000000e+02, v4;
	v4 =	vadd.s32 $0x2000, v21;
	v21 =	vld [tilespmem:s2+$0x3100]  }
0x2cc: {  	v6 =	vadd.f32 v1, v6;
	v12 =	vand.u32 $0x3FFF, v12;
	v10 =	vmul.f32 $1.280000000e+02, v10;
	v60 =	vld [tilespmem:s2+$0x3180]  }
0x2cd: {  	v34 =	vand.u32 $0x3FFF, v7;
	v41 =	vand.u32 $0x3FFF, v22;
	v13 =	vmul.f32 $1.280000000e+02, v13;
	v62 =	vld [tilespmem:s2+$0x3200]  }
0x2ce: {  	v8 =	vand.u32 $0x7FFFFFFF, v8;
	v6 =	vand.u32 $0x3FFF, v6;
	v7 =	vadd.f32 v1, v10;
	v10 =	vld [tilespmem:s2+$0x3300]  }
0x2cf: {  	v9 =	vand.u32 $0x7FFFFFFF, v9;
	v13 =	vadd.f32 v1, v13;
	v8 =	vmul.f32 $1.280000000e+02, v8;
	v63 =	vld [tilespmem:s2+$0x3380]  }
0x2d0: {  	v9 =	vmul.f32 $1.280000000e+02, v9;
	v22 =	vld [tilespmem:s2+$0x3C00];
	v11 =	vsub.f32 v14, v11;
	v14 =	vsub.f32 v20, v51  }
0x2d1: {  	v43 =	vand.u32 $0x3FFF, v13;
	[tilespmem:v12+s22+$0x0] =	vst.idx.add.s32.msk $0xffff, v5;
	v12 =	vsub.f32 v59, v16;
	v8 =	vadd.f32 v1, v8  }
0x2d2: {  	v13 =	vand.u32 $0x3FFF, v7;
	v20 =	vld [tilespmem:s2+$0x3F80];
	v9 =	vadd.f32 v1, v9;
	v17 =	vadd.f32 v1, v17  }
0x2d3: {  	v11 =	vand.u32 $0x7FFFFFFF, v11;
	[tilespmem:v6+s22+$0x0] =	vst.idx.add.s32.msk $0xffff, v15;
	v6 =	vsub.f32 v57, v53;
	v14 =	vand.u32 $0x7FFFFFFF, v14  }
0x2d4: {  	v46 =	vld [tilespmem:s2+$0x3D00];
	v12 =	vand.u32 $0x7FFFFFFF, v12;
	v38 =	vand.u32 $0x3FFF, v8;
	v40 =	vand.u32 $0x3FFF, v9  }
0x2d5: {  	v16 =	vld [tilespmem:s2+$0xF80];
	v42 =	vand.u32 $0x3FFF, v17;
	v5 =	vmul.f32 $1.280000000e+02, v11;
	v11 =	vmul.f32 $1.280000000e+02, v14  }
0x2d6: {  	v48 =	vld [tilespmem:s2+$0x3D80];
	v14 =	vadd.f32 v1, v18;
	v18 =	vadd.f32 v1, v19;
	v12 =	vmul.f32 $1.280000000e+02, v12  }
0x2d7: {  	v50 =	vld [tilespmem:s2+$0x3E00];
	v6 =	vand.u32 $0x7FFFFFFF, v6;
	v51 =	vcvt.s32.f32 v21;
	v52 =	vcvt.s32.f32 v60  }
0x2d8: {  	v54 =	vld [tilespmem:s2+$0x0];
	v7 =	vadd.s32 $0x2000, v21;
	v33 =	vcvt.s32.f32 v62;
	v61 =	vcvt.s32.f32 v20  }
0x2d9: {  	v15 =	vld [tilespmem:s2+$0x3000];
	v9 =	vadd.s32 $0x2000, v62;
	v55 =	vcvt.s32.f32 v10;
	v57 =	vcvt.s32.f32 v63  }
0x2da: {  	v17 =	vld [tilespmem:s2+$0x3C80];
	v39 =	vcvt.s32.f32 v22;
	v35 =	vand.u32 $0x3FFF, v14;
	v14 =	vsub.f32 v16, v61  }
0x2db: {  	v19 =	vld [tilespmem:s2+$0x3080];
	v59 =	vcvt.s32.f32 v46;
	v6 =	vmul.f32 $1.280000000e+02, v6;
	v5 =	vadd.f32 v1, v5  }
0x2dc: {  	v53 =	vld [tilespmem:s2+$0x3F00];
	v37 =	vand.u32 $0x3FFF, v18;
	v11 =	vadd.f32 v1, v11;
	v8 =	vand.u32 $0x7FFFFFFF, v14  }
0x2dd: {  	v56 =	vld [tilespmem:s2+$0x80];
	v12 =	vadd.f32 v1, v12;
	v6 =	vadd.f32 v1, v6;
	v8 =	vmul.f32 $1.280000000e+02, v8  }
0x2de: {  	v21 =	vld [tilespmem:s2+$0x3E80];
	v44 =	vand.u32 $0x3FFF, v5;
	v45 =	vand.u32 $0x3FFF, v11;
	v47 =	vcvt.s32.f32 v15  }
0x2df: {  	v18 =	vld [tilespmem:s2+$0x3280];
	v12 =	vand.u32 $0x3FFF, v12;
	v15 =	vadd.s32 $0x2000, v15;
	v5 =	vadd.f32 v1, v8  }
0x2e0: {  	v58 =	vcvt.s32.f32 v17;
	v49 =	vcvt.s32.f32 v19;
	v47 =	vsub.f32 v54, v47;
	v54 =	vld [tilespmem:s2+$0x200]  }
0x2e1: {  	v62 =	vld [tilespmem:s2+$0x300];
	v17 =	vadd.s32 $0x2000, v17;
	v61 =	vcvt.s32.f32 v53;
	v11 =	vand.u32 $0x3FFF, v5  }
0x2e2: {  	v16 =	vadd.s32 $0x2000, v19;
	v19 =	vadd.s32 $0x2000, v46;
	v49 =	vsub.f32 v56, v49;
	v56 =	vld [tilespmem:s2+$0x280]  }
0x2e3: {  	[tilespmem:v43+s22+$0x0] =	vst.idx.add.s32.msk $0xffff, v25;
	v46 =	vcvt.s32.f32 v48;
	v14 =	vand.u32 $0x3FFF, v6;
	v6 =	vadd.s32 $0x2000, v10  }
0x2e4: {  	v10 =	vadd.s32 $0x2000, v63;
	v63 =	vld [tilespmem:s2+$0x380];
	v36 =	vcvt.s32.f32 v18;
	v47 =	vand.u32 $0x7FFFFFFF, v47  }
0x2e5: {  	v5 =	vadd.s32 $0x2000, v18;
	v18 =	vadd.s32 $0x2000, v20;
	v33 =	vsub.f32 v54, v33;
	v54 =	vld [tilespmem:s2+$0xC80]  }
0x2e6: {  	v55 =	vsub.f32 v62, v55;
	v8 =	vadd.s32 $0x2000, v60;
	v47 =	vmul.f32 $1.280000000e+02, v47;
	[tilespmem:v11+s22+$0x0] =	vst.idx.add.s32.msk $0xffff, v18  }
0x2e7: {  	v49 =	vand.u32 $0x7FFFFFFF, v49;
	v36 =	vsub.f32 v56, v36;
	v11 =	vadd.s32 $0x2000, v22;
	v22 =	vld [tilespmem:s2+$0x100]  }
0x2e8: {  	v60 =	vld [tilespmem:s2+$0x180];
	v49 =	vmul.f32 $1.280000000e+02, v49;
	v47 =	vadd.f32 v1, v47;
	v33 =	vand.u32 $0x7FFFFFFF, v33  }
0x2e9: {  	[tilespmem:v38+s22+$0x0] =	vst.idx.add.s32.msk $0xffff, v30;
	v62 =	vmul.f32 $1.280000000e+02, v33;
	v33 =	vand.u32 $0x7FFFFFFF, v36;
	v36 =	vsub.f32 v63, v57  }
0x2ea: {  	[tilespmem:v40+s22+$0x0] =	vst.idx.add.s32.msk $0xffff, v28;
	v28 =	vadd.f32 v1, v49;
	v63 =	vmul.f32 $1.280000000e+02, v33;
	v33 =	vand.u32 $0x7FFFFFFF, v55  }
0x2eb: {  	v55 =	vmul.f32 $1.280000000e+02, v33;
	v33 =	vand.u32 $0x7FFFFFFF, v36;
	v36 =	vsub.f32 v54, v58;
	v54 =	vld [tilespmem:s2+$0xF00]  }
0x2ec: {  	v20 =	vadd.s32 $0x2000, v50;
	v51 =	vsub.f32 v22, v51;
	v22 =	vadd.s32 $0x2000, v53;
	v53 =	vld [tilespmem:s2+$0xC00]  }
0x2ed: {  	v56 =	vld [tilespmem:s2+$0xD00];
	v25 =	vand.u32 $0x3FFF, v47;
	v52 =	vsub.f32 v60, v52;
	v28 =	vand.u32 $0x3FFF, v28  }
0x2ee: {  	v60 =	vld [tilespmem:s2+$0xD80];
	v18 =	vadd.s32 $0x2000, v48;
	v48 =	vcvt.s32.f32 v50;
	v50 =	vcvt.s32.f32 v21  }
0x2ef: {  	v57 =	vld [tilespmem:s2+$0xE00];
	v21 =	vadd.s32 $0x2000, v21;
	v52 =	vand.u32 $0x7FFFFFFF, v52;
	v38 =	vadd.f32 v1, v62  }
0x2f0: {  	[tilespmem:v35+s22+$0x0] =	vst.idx.add.s32.msk $0xffff, v31;
	v52 =	vmul.f32 $1.280000000e+02, v52;
	v31 =	vand.u32 $0x7FFFFFFF, v36;
	v36 =	vadd.f32 v1, v63  }
0x2f1: {  	v58 =	vmul.f32 $1.280000000e+02, v33;
	v30 =	vsub.f32 v54, v61;
	v39 =	vsub.f32 v53, v39;
	v53 =	vld [tilespmem:s2+$0xE80]  }
0x2f2: {  	[tilespmem:v37+s22+$0x0] =	vst.idx.add.s32.msk $0xffff, v32;
	v37 =	vadd.f32 v1, v55;
	v40 =	vadd.f32 v1, v52;
	v51 =	vand.u32 $0x7FFFFFFF, v51  }
0x2f3: {  	[tilespmem:v41+s22+$0x0] =	vst.idx.add.s32.msk $0xffff, v26;
	v26 =	vand.u32 $0x7FFFFFFF, v30;
	v33 =	vand.u32 $0x7FFFFFFF, v39;
	v39 =	vsub.f32 v56, v59  }
0x2f4: {  	v51 =	vmul.f32 $1.280000000e+02, v51;
	v59 =	vsub.f32 v60, v46;
	v60 =	vsub.f32 v57, v48  }
0x2f5: {  	v56 =	vmul.f32 $1.280000000e+02, v33;
	v33 =	vmul.f32 $1.280000000e+02, v31;
	v31 =	vand.u32 $0x7FFFFFFF, v39  }
0x2f6: {  	[tilespmem:v34+s22+$0x0] =	vst.idx.add.s32.msk $0xffff, v29;
	v29 =	vand.u32 $0x7FFFFFFF, v59;
	v34 =	vmul.f32 $1.280000000e+02, v31;
	v31 =	vsub.f32 v53, v50  }
0x2f7: {  	[tilespmem:v42+s22+$0x0] =	vst.idx.add.s32.msk $0xffff, v27;
	v30 =	vmul.f32 $1.280000000e+02, v26;
	v35 =	vmul.f32 $1.280000000e+02, v29;
	v29 =	vand.u32 $0x7FFFFFFF, v60  }
0x2f8: {  	[tilespmem:v44+s22+$0x0] =	vst.idx.add.s32.msk $0xffff, v24;
	v32 =	vmul.f32 $1.280000000e+02, v29;
	v29 =	vand.u32 $0x7FFFFFFF, v31;
	v31 =	vadd.f32 v1, v51  }
0x2f9: {  	s26 =	simm.s32 $0x4;
	s25 =	simm.s32 $0x10;
	[tilespmem:v45+s22+$0x0] =	vst.idx.add.s32.msk $0xffff, v23;
	v39 =	vadd.f32 v1, v58;
	v27 =	vadd.f32 v1, v56;
	v29 =	vmul.f32 $1.280000000e+02, v29  }
.LBB2_12:
0x2fa: {  	s2 =	sand.u32 $0x2, s26;
	s25 =	sadd.s32 $0x10, s25;
	v31 =	vand.u32 $0x3FFF, v31;
	v24 =	vadd.f32 v1, v33;
	v26 =	vadd.f32 v1, v34;
	[tilespmem:v14+s22+$0x0] =	vst.idx.add.s32.msk $0xffff, v3  }
0x2fb: {  	v33 =	vand.u32 $0x3FFF, v40;
	v14 =	vadd.f32 v1, v35;
	v40 =	vadd.f32 v1, v32;
	s0 =	sadd.s32 $0x40, s0;
	s2 =	smul.u32 $0xC00, s2;
	p0 =	slt.u32 s25, $0x2F0;
	[tilespmem:v13+s22+$0x0] =	vst.idx.add.s32.msk $0xffff, v2  }
0x2fc: {  	v34 =	vand.u32 $0x3FFF, v38;
	v41 =	vadd.f32 v1, v29;
	v38 =	vadd.f32 v1, v30;
	s1 =	sadd.s32 $0x8, s1;
	s3 =	sand.u32 $0xC00, s0;
	[tilespmem:v12+s22+$0x0] =	vst.idx.add.s32.msk $0xffff, v4  }
0x2fd: {  	v35 =	vand.u32 $0x3FFF, v36;
	v32 =	vand.u32 $0x3FFF, v37;
	v23 =	vmovc v19;
	s28 =	sand.u32 $0x70, s1;
	v29 =	vand.u32 $0x3FFF, v39;
	s2 =	sadd.s32 s3, s2;
	[tilespmem:v25+s22+$0x0] =	vst.idx.add.s32.msk $0xffff, v15;
	v25 =	vmovc v17  }
0x2fe: {  	v3 =	vmovc v20;
	v30 =	vand.u32 $0x3FFF, v27;
	v27 =	vand.u32 $0x3FFF, v26;
	s2 =	sor.u32 s28, s2;
	[tilespmem:v28+s22+$0x0] =	vst.idx.add.s32.msk $0xffff, v16;
	v28 =	vand.u32 $0x3FFF, v24;
	v24 =	vmovc v18  }
0x2ff: {  	v2 =	vmovc v21;
	v26 =	vand.u32 $0x3FFF, v14;
	v14 =	vand.u32 $0x3FFF, v40;
	v13 =	vand.u32 $0x3FFF, v41;
	v4 =	vmovc v22;
	v20 =	vld [tilespmem:s2+$0x3F80]  }
0x300: {  	v12 =	vand.u32 $0x3FFF, v38;
	v15 =	vld [tilespmem:s2+$0x3000]  }
0x301: {  	v16 =	vld [tilespmem:s2+$0xF80]  }
0x302: {  	v17 =	vld [tilespmem:s2+$0x3080]  }
0x303: {  	v18 =	vld [tilespmem:s2+$0x3100]  }
0x304: {  	v19 =	vld [tilespmem:s2+$0x3180];
	v21 =	vcvt.s32.f32 v20  }
0x305: {  	v36 =	vcvt.s32.f32 v15;
	v15 =	vadd.s32 $0x2000, v15;
	v22 =	vld [tilespmem:s2+$0x3200]  }
0x306: {  	v37 =	vld [tilespmem:s2+$0x3280];
	v21 =	vsub.f32 v16, v21  }
0x307: {  	v38 =	vcvt.s32.f32 v17;
	v16 =	vadd.s32 $0x2000, v17;
	v17 =	vld [tilespmem:s2+$0x3300]  }
0x308: {  	v39 =	vcvt.s32.f32 v18;
	v40 =	vadd.s32 $0x2000, v18;
	v18 =	vld [tilespmem:s2+$0x3380];
	v21 =	vand.u32 $0x7FFFFFFF, v21  }
0x309: {  	v41 =	vcvt.s32.f32 v19;
	v42 =	vadd.s32 $0x2000, v19;
	v19 =	vld [tilespmem:s2+$0x3C00];
	v21 =	vmul.f32 $1.280000000e+02, v21  }
0x30a: {  	v43 =	vcvt.s32.f32 v22;
	v44 =	vadd.s32 $0x2000, v22;
	v22 =	vld [tilespmem:s2+$0x3C80]  }
0x30b: {  	v45 =	vcvt.s32.f32 v37;
	v37 =	vadd.s32 $0x2000, v37;
	v46 =	vld [tilespmem:s2+$0x3D00];
	v21 =	vadd.f32 v1, v21  }
0x30c: {  	v47 =	vcvt.s32.f32 v17;
	v48 =	vadd.s32 $0x2000, v17;
	v49 =	vld [tilespmem:s2+$0x3D80]  }
0x30d: {  	v50 =	vcvt.s32.f32 v18;
	v51 =	vadd.s32 $0x2000, v18;
	v52 =	vld [tilespmem:s2+$0x3E00];
	v21 =	vand.u32 $0x3FFF, v21  }
0x30e: {  	v53 =	vcvt.s32.f32 v19;
	v54 =	vadd.s32 $0x2000, v19;
	v55 =	vld [tilespmem:s2+$0x3E80]  }
0x30f: {  	v56 =	vcvt.s32.f32 v22;
	v17 =	vadd.s32 $0x2000, v22;
	v22 =	vld [tilespmem:s2+$0x3F00]  }
0x310: {  	v57 =	vld [tilespmem:s2+$0x0];
	v58 =	vcvt.s32.f32 v46;
	v19 =	vadd.s32 $0x2000, v46  }
0x311: {  	v46 =	vld [tilespmem:s2+$0x80];
	v59 =	vcvt.s32.f32 v49;
	v18 =	vadd.s32 $0x2000, v49;
	v49 =	vadd.s32 $0x2000, v20  }
0x312: {  	v60 =	vcvt.s32.f32 v52;
	v20 =	vadd.s32 $0x2000, v52;
	[tilespmem:v21+s22+$0x0] =	vst.idx.add.s32.msk $0xffff, v49  }
0x313: {  	v49 =	vld [tilespmem:s2+$0x100];
	v52 =	vcvt.s32.f32 v55;
	v21 =	vadd.s32 $0x2000, v55  }
0x314: {  	v55 =	vld [tilespmem:s2+$0x180];
	v61 =	vcvt.s32.f32 v22;
	v22 =	vadd.s32 $0x2000, v22  }
0x315: {  	v36 =	vsub.f32 v57, v36;
	v57 =	vld [tilespmem:s2+$0x200]  }
0x316: {  	v38 =	vsub.f32 v46, v38;
	v46 =	vld [tilespmem:s2+$0x280]  }
0x317: {  	v36 =	vand.u32 $0x7FFFFFFF, v36;
	v62 =	vld [tilespmem:s2+$0x300]  }
0x318: {  	v36 =	vmul.f32 $1.280000000e+02, v36;
	v38 =	vand.u32 $0x7FFFFFFF, v38;
	v39 =	vsub.f32 v49, v39;
	v49 =	vld [tilespmem:s2+$0x380]  }
0x319: {  	v38 =	vmul.f32 $1.280000000e+02, v38;
	v41 =	vsub.f32 v55, v41;
	v55 =	vld [tilespmem:s2+$0xC00]  }
0x31a: {  	v36 =	vadd.f32 v1, v36;
	v39 =	vand.u32 $0x7FFFFFFF, v39;
	v43 =	vsub.f32 v57, v43;
	v57 =	vld [tilespmem:s2+$0xC80]  }
0x31b: {  	v39 =	vmul.f32 $1.280000000e+02, v39;
	v41 =	vand.u32 $0x7FFFFFFF, v41;
	v45 =	vsub.f32 v46, v45;
	v46 =	vld [tilespmem:s2+$0xD00]  }
0x31c: {  	v41 =	vmul.f32 $1.280000000e+02, v41;
	v43 =	vand.u32 $0x7FFFFFFF, v43;
	v47 =	vsub.f32 v62, v47;
	v62 =	vld [tilespmem:s2+$0xD80]  }
0x31d: {  	v43 =	vmul.f32 $1.280000000e+02, v43;
	v45 =	vand.u32 $0x7FFFFFFF, v45;
	v49 =	vsub.f32 v49, v50;
	v50 =	vld [tilespmem:s2+$0xE00]  }
0x31e: {  	v45 =	vmul.f32 $1.280000000e+02, v45;
	v47 =	vand.u32 $0x7FFFFFFF, v47;
	v53 =	vsub.f32 v55, v53;
	v55 =	vld [tilespmem:s2+$0xE80]  }
0x31f: {  	v47 =	vmul.f32 $1.280000000e+02, v47;
	v49 =	vand.u32 $0x7FFFFFFF, v49;
	v56 =	vsub.f32 v57, v56;
	v57 =	vld [tilespmem:s2+$0xF00]  }
0x320: {  	v49 =	vmul.f32 $1.280000000e+02, v49;
	v53 =	vand.u32 $0x7FFFFFFF, v53;
	v46 =	vsub.f32 v46, v58;
	[tilespmem:v31+s22+$0x0] =	vst.idx.add.s32.msk $0xffff, v7;
	v7 =	vmovc v40  }
0x321: {  	v53 =	vmul.f32 $1.280000000e+02, v53;
	v31 =	vand.u32 $0x7FFFFFFF, v56;
	v40 =	vsub.f32 v62, v59;
	[tilespmem:v33+s22+$0x0] =	vst.idx.add.s32.msk $0xffff, v8;
	v8 =	vmovc v42  }
0x322: {  	v33 =	vmul.f32 $1.280000000e+02, v31;
	v31 =	vand.u32 $0x7FFFFFFF, v46;
	v42 =	vsub.f32 v50, v60;
	[tilespmem:v34+s22+$0x0] =	vst.idx.add.s32.msk $0xffff, v9;
	v9 =	vmovc v44  }
0x323: {  	v34 =	vmul.f32 $1.280000000e+02, v31;
	v31 =	vand.u32 $0x7FFFFFFF, v40;
	v40 =	vsub.f32 v55, v52;
	[tilespmem:v35+s22+$0x0] =	vst.idx.add.s32.msk $0xffff, v5;
	v5 =	vmovc v37  }
0x324: {  	v35 =	vmul.f32 $1.280000000e+02, v31;
	v31 =	vand.u32 $0x7FFFFFFF, v42;
	v37 =	vsub.f32 v57, v61;
	[tilespmem:v32+s22+$0x0] =	vst.idx.add.s32.msk $0xffff, v6;
	v6 =	vmovc v48  }
.Ltmp5:
0x325: {  	v42 =	vadd.f32 v1, v38;
	v32 =	vmul.f32 $1.280000000e+02, v31;
	v38 =	vand.u32 $0x7FFFFFFF, v40;
	[tilespmem:v29+s22+$0x0] =	vst.idx.add.s32.msk $0xffff, v10;
	v10 =	vmovc v51;
	(pc) =	sbr.rel @p0 .LBB2_12-.Ltmp5, $4  }
0x326: {  	v31 =	vadd.f32 v1, v39;
	v29 =	vmul.f32 $1.280000000e+02, v38;
	v37 =	vand.u32 $0x7FFFFFFF, v37;
	[tilespmem:v30+s22+$0x0] =	vst.idx.add.s32.msk $0xffff, v11;
	v11 =	vmovc v54  }
0x327: {  	v40 =	vadd.f32 v1, v41;
	v38 =	vadd.f32 v1, v43;
	v30 =	vmul.f32 $1.280000000e+02, v37;
	[tilespmem:v28+s22+$0x0] =	vst.idx.add.s32.msk $0xffff, v25  }
0x328: {  	v25 =	vand.u32 $0x3FFF, v36;
	v36 =	vadd.f32 v1, v45;
	v37 =	vadd.f32 v1, v47;
	[tilespmem:v27+s22+$0x0] =	vst.idx.add.s32.msk $0xffff, v23  }
0x329: {  	s26 =	sadd.s32 $0x2, s26;
	v39 =	vadd.f32 v1, v49;
	v28 =	vand.u32 $0x3FFF, v42;
	v27 =	vadd.f32 v1, v53;
	[tilespmem:v26+s22+$0x0] =	vst.idx.add.s32.msk $0xffff, v24  }
0x32a: {  	_ =	sdelay $0x3  }
0x32b: {  	v23 =	vand.u32 $0x3FFF, v31;
	[tilespmem:v14+s22+$0x0] =	vst.idx.add.s32.msk $0xffff, v3  }
0x32c: {  	v3 =	vand.u32 $0x3FFF, v40;
	[tilespmem:v13+s22+$0x0] =	vst.idx.add.s32.msk $0xffff, v2  }
0x32d: {  	v2 =	vand.u32 $0x3FFF, v38;
	[tilespmem:v12+s22+$0x0] =	vst.idx.add.s32.msk $0xffff, v4  }
0x32e: {  	[tilespmem:v25+s22+$0x0] =	vst.idx.add.s32.msk $0xffff, v15;
	v4 =	vand.u32 $0x3FFF, v36  }
0x32f: {  	v12 =	vand.u32 $0x3FFF, v37;
	[tilespmem:v28+s22+$0x0] =	vst.idx.add.s32.msk $0xffff, v16  }
0x330: {  	v13 =	vadd.f32 v1, v33;
	v14 =	vand.u32 $0x3FFF, v39;
	[tilespmem:v23+s22+$0x0] =	vst.idx.add.s32.msk $0xffff, v7  }
0x331: {  	v15 =	vand.u32 $0x3FFF, v27;
	v7 =	vadd.f32 v1, v34;
	[tilespmem:v3+s22+$0x0] =	vst.idx.add.s32.msk $0xffff, v8  }
0x332: {  	v3 =	vadd.f32 v1, v35;
	v8 =	vand.u32 $0x3FFF, v13;
	[tilespmem:v2+s22+$0x0] =	vst.idx.add.s32.msk $0xffff, v9  }
0x333: {  	v2 =	vadd.f32 v1, v32;
	[tilespmem:v4+s22+$0x0] =	vst.idx.add.s32.msk $0xffff, v5;
	v7 =	vand.u32 $0x3FFF, v7  }
0x334: {  	v4 =	vadd.f32 v1, v29;
	[tilespmem:v12+s22+$0x0] =	vst.idx.add.s32.msk $0xffff, v6;
	v3 =	vand.u32 $0x3FFF, v3  }
0x335: {  	v5 =	vadd.f32 v1, v30;
	[tilespmem:v14+s22+$0x0] =	vst.idx.add.s32.msk $0xffff, v10;
	v2 =	vand.u32 $0x3FFF, v2  }
0x336: {  	[tilespmem:v15+s22+$0x0] =	vst.idx.add.s32.msk $0xffff, v11;
	v4 =	vand.u32 $0x3FFF, v4  }
0x337: {  	v5 =	vand.u32 $0x3FFF, v5;
	[tilespmem:v8+s22+$0x0] =	vst.idx.add.s32.msk $0xffff, v17  }
0x338: {  	[tilespmem:v7+s22+$0x0] =	vst.idx.add.s32.msk $0xffff, v19  }
0x339: {  	[tilespmem:v3+s22+$0x0] =	vst.idx.add.s32.msk $0xffff, v18  }
0x33a: {  	[tilespmem:v2+s22+$0x0] =	vst.idx.add.s32.msk $0xffff, v20  }
0x33b: {  	[tilespmem:v4+s22+$0x0] =	vst.idx.add.s32.msk $0xffff, v21  }
0x33c: {  	[tilespmem:v5+s22+$0x0] =	vst.idx.add.s32.msk $0xffff, v22  }
0x33d: {  	s1 =	simm.s32 $0x0;
	_ =	swait.ge [sflag:s23], $0x3000  }
0x33e: {  	s0 =	sand.u32 $0x2, s1;
	[sflag:s23] =	ssyncset.done $0x0  }
0x33f: {  	s0 =	smul.u32 $0xC00, s0;
	[sflag:s23] =	ssyncadd.s32 $0xFFFFD000  }
0x340: {  	s2 =	sand.u32 $0xC00, s1;
	_ =	swait.ge [sflag:s24], $0x3000  }
0x341: {  	s3 =	sand.u32 $0x70, s1;
	s0 =	sadd.s32 s2, s0;
	[sflag:s24] =	ssyncset.done $0x0  }
0x342: {  	s0 =	sor.u32 s3, s0;
	[sflag:s24] =	ssyncadd.s32 $0xFFFFD000  }
0x343: {  	v2 =	vld [tilespmem:s0+$0x9F80]  }
0x344: {  	v3 =	vld [tilespmem:s0+$0x9000]  }
0x345: {  	v4 =	vld [tilespmem:s0+$0x6F80]  }
0x346: {  	v5 =	vld [tilespmem:s0+$0x9080]  }
0x347: {  	v6 =	vld [tilespmem:s0+$0x9100]  }
0x348: {  	v7 =	vld [tilespmem:s0+$0x9180]  }
0x349: {  	v8 =	vld [tilespmem:s0+$0x9200]  }
0x34a: {  	v9 =	vld [tilespmem:s0+$0x9280]  }
0x34b: {  	v10 =	vld [tilespmem:s0+$0x9300]  }
0x34c: {  	v12 =	vld [tilespmem:s0+$0x9380]  }
0x34d: {  	v13 =	vld [tilespmem:s0+$0x9C00]  }
0x34e: {  	v17 =	vld [tilespmem:s0+$0x9D80]  }
0x34f: {  	v20 =	vld [tilespmem:s0+$0x9E80]  }
0x350: {  	v49 =	vld [tilespmem:s0+$0x6100];
	v11 =	vcvt.s32.f32 v2  }
0x351: {  	v50 =	vld [tilespmem:s0+$0x6180];
	v14 =	vcvt.s32.f32 v3;
	v15 =	vadd.s32 $0x2000, v3;
	v16 =	vcvt.s32.f32 v5  }
0x352: {  	v52 =	vld [tilespmem:s0+$0x6200];
	v5 =	vadd.s32 $0x2000, v5;
	v18 =	vcvt.s32.f32 v6;
	v31 =	vadd.s32 $0x2000, v6  }
0x353: {  	v54 =	vld [tilespmem:s0+$0x6380];
	v19 =	vcvt.s32.f32 v7;
	v32 =	vadd.s32 $0x2000, v7;
	v7 =	vcvt.s32.f32 v8  }
0x354: {  	v55 =	vld [tilespmem:s0+$0x6C00];
	v29 =	vadd.s32 $0x2000, v8;
	v8 =	vcvt.s32.f32 v9;
	v30 =	vadd.s32 $0x2000, v9  }
0x355: {  	v3 =	vld [tilespmem:s0+$0x9D00];
	v9 =	vcvt.s32.f32 v10;
	v28 =	vadd.s32 $0x2000, v10;
	v22 =	vcvt.s32.f32 v12  }
0x356: {  	v6 =	vld [tilespmem:s0+$0x9E00];
	v26 =	vadd.s32 $0x2000, v12;
	v48 =	vcvt.s32.f32 v13;
	v27 =	vadd.s32 $0x2000, v13  }
0x357: {  	v51 =	vcvt.s32.f32 v17;
	v23 =	vadd.s32 $0x2000, v17;
	v4 =	vsub.f32 v4, v11;
	v11 =	vld [tilespmem:s0+$0x9C80]  }
0x358: {  	v10 =	vld [tilespmem:s0+$0x6000];
	v17 =	vadd.s32 $0x2000, v2;
	v2 =	vadd.s32 $0x2000, v20;
	v18 =	vsub.f32 v49, v18  }
0x359: {  	v19 =	vsub.f32 v50, v19;
	v7 =	vsub.f32 v52, v7;
	v4 =	vand.u32 $0x7FFFFFFF, v4  }
0x35a: {  	v21 =	vld [tilespmem:s0+$0x9F00];
	v22 =	vsub.f32 v54, v22;
	v33 =	vsub.f32 v55, v48;
	v4 =	vmul.f32 $1.280000000e+02, v4  }
0x35b: {  	v12 =	vld [tilespmem:s0+$0x6080];
	v18 =	vand.u32 $0x7FFFFFFF, v18;
	v24 =	vadd.s32 $0x2000, v3;
	v53 =	vcvt.s32.f32 v6  }
0x35c: {  	v58 =	vld [tilespmem:s0+$0x6E80];
	v4 =	vadd.f32 v1, v4;
	v13 =	vcvt.s32.f32 v11;
	v25 =	vadd.s32 $0x2000, v11  }
0x35d: {  	v11 =	vcvt.s32.f32 v3;
	v3 =	vadd.s32 $0x2000, v6;
	v6 =	vsub.f32 v10, v14;
	v14 =	vld [tilespmem:s0+$0x6280]  }
0x35e: {  	v19 =	vand.u32 $0x7FFFFFFF, v19;
	v7 =	vand.u32 $0x7FFFFFFF, v7;
	v10 =	vcvt.s32.f32 v20;
	v20 =	vld [tilespmem:s0+$0x6300]  }
0x35f: {  	s26 =	simm.s32 $0x2;
	v56 =	vld [tilespmem:s0+$0x6C80];
	v22 =	vand.u32 $0x7FFFFFFF, v22;
	v7 =	vmul.f32 $1.280000000e+02, v7;
	v4 =	vand.u32 $0x3FFF, v4  }
0x360: {  	s2 =	sand.u32 $0x2, s26;
	v57 =	vld [tilespmem:s0+$0x6E00];
	v12 =	vsub.f32 v12, v16;
	v16 =	vcvt.s32.f32 v21;
	v18 =	vmul.f32 $1.280000000e+02, v18  }
0x361: {  	s25 =	simm.s32 $0x40;
	s3 =	smul.u32 $0xC00, s2;
	v59 =	vld [tilespmem:s0+$0x6F00];
	v19 =	vmul.f32 $1.280000000e+02, v19;
	v22 =	vmul.f32 $1.280000000e+02, v22;
	v7 =	vadd.f32 v1, v7  }
0x362: {  	s4 =	sand.u32 $0xC00, s25;
	s26 =	simm.s32 $0x8;
	v12 =	vand.u32 $0x7FFFFFFF, v12;
	v10 =	vsub.f32 v58, v10;
	v8 =	vsub.f32 v14, v8;
	v14 =	vld [tilespmem:s0+$0x6D00]  }
0x363: {  	s5 =	sand.u32 $0x70, s26;
	v12 =	vmul.f32 $1.280000000e+02, v12;
	v6 =	vand.u32 $0x7FFFFFFF, v6;
	v9 =	vsub.f32 v20, v9;
	v20 =	vld [tilespmem:s0+$0x6D80];
	s0 =	sadd.s32 s4, s3  }
0x364: {  	v22 =	vadd.f32 v1, v22;
	v6 =	vmul.f32 $1.280000000e+02, v6;
	v10 =	vand.u32 $0x7FFFFFFF, v10;
	s0 =	sor.u32 s5, s0;
	[tilespmem:v4+s22+$0x0] =	vst.idx.add.s32.msk $0xffff, v17  }
0x365: {  	v13 =	vsub.f32 v56, v13;
	v12 =	vadd.f32 v1, v12;
	v10 =	vmul.f32 $1.280000000e+02, v10;
	v60 =	vld [tilespmem:s0+$0x9180]  }
0x366: {  	v34 =	vand.u32 $0x3FFF, v7;
	v41 =	vand.u32 $0x3FFF, v22;
	v6 =	vadd.f32 v1, v6;
	v62 =	vld [tilespmem:s0+$0x9200]  }
0x367: {  	v13 =	vand.u32 $0x7FFFFFFF, v13;
	v12 =	vand.u32 $0x3FFF, v12;
	v7 =	vadd.f32 v1, v10;
	v10 =	vld [tilespmem:s0+$0x9300]  }
0x368: {  	v13 =	vmul.f32 $1.280000000e+02, v13;
	v8 =	vand.u32 $0x7FFFFFFF, v8;
	v6 =	vand.u32 $0x3FFF, v6;
	v63 =	vld [tilespmem:s0+$0x9380]  }
0x369: {  	v9 =	vand.u32 $0x7FFFFFFF, v9;
	v4 =	vand.u32 $0x7FFFFFFF, v33;
	v22 =	vld [tilespmem:s0+$0x9C00];
	v8 =	vmul.f32 $1.280000000e+02, v8  }
0x36a: {  	v13 =	vadd.f32 v1, v13;
	v46 =	vld [tilespmem:s0+$0x9D00];
	v9 =	vmul.f32 $1.280000000e+02, v9;
	v17 =	vmul.f32 $1.280000000e+02, v4  }
0x36b: {  	v48 =	vld [tilespmem:s0+$0x9D80];
	v4 =	vadd.s32 $0x2000, v21;
	v11 =	vsub.f32 v14, v11;
	v14 =	vsub.f32 v20, v51  }
0x36c: {  	v43 =	vand.u32 $0x3FFF, v13;
	[tilespmem:v12+s22+$0x0] =	vst.idx.add.s32.msk $0xffff, v5;
	v12 =	vsub.f32 v59, v16;
	v8 =	vadd.f32 v1, v8  }
0x36d: {  	v13 =	vand.u32 $0x3FFF, v7;
	v20 =	vld [tilespmem:s0+$0x9F80];
	v9 =	vadd.f32 v1, v9;
	v17 =	vadd.f32 v1, v17  }
0x36e: {  	v11 =	vand.u32 $0x7FFFFFFF, v11;
	[tilespmem:v6+s22+$0x0] =	vst.idx.add.s32.msk $0xffff, v15;
	v6 =	vsub.f32 v57, v53;
	v14 =	vand.u32 $0x7FFFFFFF, v14  }
0x36f: {  	v21 =	vld [tilespmem:s0+$0x9100];
	v12 =	vand.u32 $0x7FFFFFFF, v12;
	v38 =	vand.u32 $0x3FFF, v8;
	v52 =	vcvt.s32.f32 v60  }
0x370: {  	v16 =	vld [tilespmem:s0+$0x6F80];
	v40 =	vand.u32 $0x3FFF, v9;
	v33 =	vcvt.s32.f32 v62;
	v55 =	vcvt.s32.f32 v10  }
0x371: {  	v50 =	vld [tilespmem:s0+$0x9E00];
	v42 =	vand.u32 $0x3FFF, v17;
	v57 =	vcvt.s32.f32 v63;
	v39 =	vcvt.s32.f32 v22  }
0x372: {  	v54 =	vld [tilespmem:s0+$0x6000];
	v9 =	vadd.s32 $0x2000, v62;
	v59 =	vcvt.s32.f32 v46;
	v5 =	vmul.f32 $1.280000000e+02, v11  }
0x373: {  	v56 =	vld [tilespmem:s0+$0x6080];
	v11 =	vmul.f32 $1.280000000e+02, v14;
	v14 =	vadd.f32 v1, v18;
	v61 =	vcvt.s32.f32 v20  }
0x374: {  	v15 =	vld [tilespmem:s0+$0x9000];
	v18 =	vadd.f32 v1, v19;
	v12 =	vmul.f32 $1.280000000e+02, v12;
	v51 =	vcvt.s32.f32 v21  }
0x375: {  	v17 =	vld [tilespmem:s0+$0x9C80];
	v6 =	vand.u32 $0x7FFFFFFF, v6;
	v35 =	vand.u32 $0x3FFF, v14;
	v14 =	vsub.f32 v16, v61  }
0x376: {  	v19 =	vld [tilespmem:s0+$0x9080];
	v7 =	vadd.s32 $0x2000, v21;
	v6 =	vmul.f32 $1.280000000e+02, v6;
	v5 =	vadd.f32 v1, v5  }
0x377: {  	v53 =	vld [tilespmem:s0+$0x9F00];
	v37 =	vand.u32 $0x3FFF, v18;
	v11 =	vadd.f32 v1, v11;
	v8 =	vand.u32 $0x7FFFFFFF, v14  }
0x378: {  	v62 =	vld [tilespmem:s0+$0x6300];
	v12 =	vadd.f32 v1, v12;
	v6 =	vadd.f32 v1, v6;
	v8 =	vmul.f32 $1.280000000e+02, v8  }
0x379: {  	[tilespmem:v41+s22+$0x0] =	vst.idx.add.s32.msk $0xffff, v26;
	v44 =	vand.u32 $0x3FFF, v5;
	v45 =	vand.u32 $0x3FFF, v11;
	v47 =	vcvt.s32.f32 v15  }
0x37a: {  	v18 =	vld [tilespmem:s0+$0x9280];
	v12 =	vand.u32 $0x3FFF, v12;
	v15 =	vadd.s32 $0x2000, v15;
	v5 =	vadd.f32 v1, v8  }
0x37b: {  	v58 =	vcvt.s32.f32 v17;
	v49 =	vcvt.s32.f32 v19;
	v47 =	vsub.f32 v54, v47;
	v54 =	vld [tilespmem:s0+$0x6200]  }
0x37c: {  	v21 =	vld [tilespmem:s0+$0x9E80];
	v17 =	vadd.s32 $0x2000, v17;
	v61 =	vcvt.s32.f32 v53;
	v11 =	vand.u32 $0x3FFF, v5  }
0x37d: {  	v55 =	vsub.f32 v62, v55;
	v16 =	vadd.s32 $0x2000, v19;
	v49 =	vsub.f32 v56, v49;
	v56 =	vld [tilespmem:s0+$0x6280]  }
0x37e: {  	v14 =	vand.u32 $0x3FFF, v6;
	v6 =	vadd.s32 $0x2000, v10;
	v10 =	vadd.s32 $0x2000, v63;
	v63 =	vld [tilespmem:s0+$0x6380]  }
0x37f: {  	v36 =	vcvt.s32.f32 v18;
	v47 =	vand.u32 $0x7FFFFFFF, v47;
	v8 =	vadd.s32 $0x2000, v60;
	v60 =	vld [tilespmem:s0+$0x6180]  }
0x380: {  	v5 =	vadd.s32 $0x2000, v18;
	v18 =	vadd.s32 $0x2000, v20;
	v33 =	vsub.f32 v54, v33;
	v54 =	vld [tilespmem:s0+$0x6C80]  }
0x381: {  	v19 =	vadd.s32 $0x2000, v46;
	v46 =	vcvt.s32.f32 v48;
	v47 =	vmul.f32 $1.280000000e+02, v47;
	[tilespmem:v11+s22+$0x0] =	vst.idx.add.s32.msk $0xffff, v18  }
0x382: {  	v49 =	vand.u32 $0x7FFFFFFF, v49;
	v36 =	vsub.f32 v56, v36;
	v11 =	vadd.s32 $0x2000, v22;
	v22 =	vld [tilespmem:s0+$0x6100]  }
0x383: {  	[tilespmem:v43+s22+$0x0] =	vst.idx.add.s32.msk $0xffff, v25;
	v49 =	vmul.f32 $1.280000000e+02, v49;
	v20 =	vadd.s32 $0x2000, v50;
	v33 =	vand.u32 $0x7FFFFFFF, v33  }
0x384: {  	[tilespmem:v38+s22+$0x0] =	vst.idx.add.s32.msk $0xffff, v30;
	v62 =	vmul.f32 $1.280000000e+02, v33;
	v33 =	vand.u32 $0x7FFFFFFF, v36;
	v36 =	vsub.f32 v63, v57  }
0x385: {  	[tilespmem:v35+s22+$0x0] =	vst.idx.add.s32.msk $0xffff, v31;
	v47 =	vadd.f32 v1, v47;
	v63 =	vmul.f32 $1.280000000e+02, v33;
	v33 =	vand.u32 $0x7FFFFFFF, v55  }
0x386: {  	v55 =	vmul.f32 $1.280000000e+02, v33;
	v33 =	vand.u32 $0x7FFFFFFF, v36;
	v36 =	vsub.f32 v54, v58;
	v54 =	vld [tilespmem:s0+$0x6F00]  }
0x387: {  	v52 =	vsub.f32 v60, v52;
	v51 =	vsub.f32 v22, v51;
	v22 =	vadd.s32 $0x2000, v53;
	v53 =	vld [tilespmem:s0+$0x6C00]  }
0x388: {  	v56 =	vld [tilespmem:s0+$0x6D00];
	v25 =	vand.u32 $0x3FFF, v47;
	v18 =	vadd.s32 $0x2000, v48;
	v48 =	vcvt.s32.f32 v50  }
0x389: {  	v60 =	vld [tilespmem:s0+$0x6D80];
	v50 =	vcvt.s32.f32 v21;
	v52 =	vand.u32 $0x7FFFFFFF, v52;
	v38 =	vadd.f32 v1, v62  }
0x38a: {  	v57 =	vld [tilespmem:s0+$0x6E00];
	v52 =	vmul.f32 $1.280000000e+02, v52;
	v31 =	vand.u32 $0x7FFFFFFF, v36;
	v36 =	vadd.f32 v1, v55  }
0x38b: {  	[tilespmem:v40+s22+$0x0] =	vst.idx.add.s32.msk $0xffff, v28;
	v21 =	vadd.s32 $0x2000, v21;
	v30 =	vsub.f32 v54, v61;
	v61 =	vadd.f32 v1, v49  }
0x38c: {  	v58 =	vmul.f32 $1.280000000e+02, v33;
	v40 =	vadd.f32 v1, v52;
	v39 =	vsub.f32 v53, v39;
	v53 =	vld [tilespmem:s0+$0x6E80]  }
0x38d: {  	[tilespmem:v37+s22+$0x0] =	vst.idx.add.s32.msk $0xffff, v32;
	v51 =	vand.u32 $0x7FFFFFFF, v51;
	v26 =	vand.u32 $0x7FFFFFFF, v30;
	v37 =	vand.u32 $0x3FFF, v61  }
0x38e: {  	v51 =	vmul.f32 $1.280000000e+02, v51;
	v33 =	vand.u32 $0x7FFFFFFF, v39;
	v39 =	vsub.f32 v56, v59  }
0x38f: {  	v30 =	vmul.f32 $1.280000000e+02, v26;
	v59 =	vsub.f32 v60, v46;
	v60 =	vsub.f32 v57, v48  }
0x390: {  	v56 =	vmul.f32 $1.280000000e+02, v33;
	v33 =	vmul.f32 $1.280000000e+02, v31;
	v31 =	vand.u32 $0x7FFFFFFF, v39  }
0x391: {  	[tilespmem:v34+s22+$0x0] =	vst.idx.add.s32.msk $0xffff, v29;
	v29 =	vand.u32 $0x7FFFFFFF, v59;
	v34 =	vmul.f32 $1.280000000e+02, v31;
	v31 =	vsub.f32 v53, v50  }
0x392: {  	[tilespmem:v42+s22+$0x0] =	vst.idx.add.s32.msk $0xffff, v27;
	v39 =	vadd.f32 v1, v58;
	v35 =	vmul.f32 $1.280000000e+02, v29;
	v29 =	vand.u32 $0x7FFFFFFF, v60  }
0x393: {  	s31 =	simm.s32 $0x10400;
	[tilespmem:v44+s22+$0x0] =	vst.idx.add.s32.msk $0xffff, v24;
	v27 =	vadd.f32 v1, v56;
	v28 =	vand.u32 $0x7FFFFFFF, v31;
	v31 =	vadd.f32 v1, v51  }
0x394: {  	s28 =	simm.s32 $0x10;
	s2 =	simm.s32 $0x4;
	[tilespmem:v45+s22+$0x0] =	vst.idx.add.s32.msk $0xffff, v23;
	s0 =	simm.s32 $0xE010;
	v32 =	vmul.f32 $1.280000000e+02, v29;
	v29 =	vmul.f32 $1.280000000e+02, v28;
	v28 =	vadd.f32 v1, v63  }
.LBB2_14:
0x395: {  	s3 =	sand.u32 $0x2, s2;
	s28 =	sadd.s32 $0x10, s28;
	v31 =	vand.u32 $0x3FFF, v31;
	v24 =	vadd.f32 v1, v33;
	v26 =	vadd.f32 v1, v34;
	[tilespmem:v14+s22+$0x0] =	vst.idx.add.s32.msk $0xffff, v3  }
0x396: {  	v33 =	vand.u32 $0x3FFF, v40;
	v14 =	vadd.f32 v1, v35;
	v40 =	vadd.f32 v1, v32;
	s25 =	sadd.s32 $0x40, s25;
	s3 =	smul.u32 $0xC00, s3;
	p0 =	slt.u32 s28, $0x2F0;
	[tilespmem:v13+s22+$0x0] =	vst.idx.add.s32.msk $0xffff, v2  }
0x397: {  	v34 =	vand.u32 $0x3FFF, v38;
	v41 =	vadd.f32 v1, v29;
	v38 =	vadd.f32 v1, v30;
	s26 =	sadd.s32 $0x8, s26;
	s4 =	sand.u32 $0xC00, s25;
	[tilespmem:v12+s22+$0x0] =	vst.idx.add.s32.msk $0xffff, v4  }
0x398: {  	v35 =	vand.u32 $0x3FFF, v28;
	v32 =	vand.u32 $0x3FFF, v36;
	v23 =	vmovc v19;
	s5 =	sand.u32 $0x70, s26;
	v29 =	vand.u32 $0x3FFF, v39;
	s3 =	sadd.s32 s4, s3;
	[tilespmem:v25+s22+$0x0] =	vst.idx.add.s32.msk $0xffff, v15;
	v25 =	vmovc v17  }
0x399: {  	v3 =	vmovc v20;
	v30 =	vand.u32 $0x3FFF, v27;
	v28 =	vand.u32 $0x3FFF, v24;
	v27 =	vand.u32 $0x3FFF, v26;
	s3 =	sor.u32 s5, s3;
	[tilespmem:v37+s22+$0x0] =	vst.idx.add.s32.msk $0xffff, v16;
	v24 =	vmovc v18  }
0x39a: {  	v2 =	vmovc v21;
	v26 =	vand.u32 $0x3FFF, v14;
	v14 =	vand.u32 $0x3FFF, v40;
	v13 =	vand.u32 $0x3FFF, v41;
	v4 =	vmovc v22;
	v20 =	vld [tilespmem:s3+$0x9F80]  }
0x39b: {  	v12 =	vand.u32 $0x3FFF, v38;
	v15 =	vld [tilespmem:s3+$0x9000]  }
0x39c: {  	v16 =	vld [tilespmem:s3+$0x6F80]  }
0x39d: {  	v17 =	vld [tilespmem:s3+$0x9080]  }
0x39e: {  	v18 =	vld [tilespmem:s3+$0x9100]  }
0x39f: {  	v19 =	vld [tilespmem:s3+$0x9180];
	v21 =	vcvt.s32.f32 v20  }
0x3a0: {  	v36 =	vcvt.s32.f32 v15;
	v15 =	vadd.s32 $0x2000, v15;
	v22 =	vld [tilespmem:s3+$0x9200]  }
0x3a1: {  	v37 =	vld [tilespmem:s3+$0x9280];
	v21 =	vsub.f32 v16, v21  }
0x3a2: {  	v38 =	vcvt.s32.f32 v17;
	v16 =	vadd.s32 $0x2000, v17;
	v17 =	vld [tilespmem:s3+$0x9300]  }
0x3a3: {  	v39 =	vcvt.s32.f32 v18;
	v40 =	vadd.s32 $0x2000, v18;
	v18 =	vld [tilespmem:s3+$0x9380];
	v21 =	vand.u32 $0x7FFFFFFF, v21  }
0x3a4: {  	v41 =	vcvt.s32.f32 v19;
	v42 =	vadd.s32 $0x2000, v19;
	v19 =	vld [tilespmem:s3+$0x9C00];
	v21 =	vmul.f32 $1.280000000e+02, v21  }
0x3a5: {  	v43 =	vcvt.s32.f32 v22;
	v44 =	vadd.s32 $0x2000, v22;
	v22 =	vld [tilespmem:s3+$0x9C80]  }
0x3a6: {  	v45 =	vcvt.s32.f32 v37;
	v37 =	vadd.s32 $0x2000, v37;
	v46 =	vld [tilespmem:s3+$0x9D00];
	v21 =	vadd.f32 v1, v21  }
0x3a7: {  	v47 =	vcvt.s32.f32 v17;
	v48 =	vadd.s32 $0x2000, v17;
	v49 =	vld [tilespmem:s3+$0x9D80]  }
0x3a8: {  	v50 =	vcvt.s32.f32 v18;
	v51 =	vadd.s32 $0x2000, v18;
	v52 =	vld [tilespmem:s3+$0x9E00];
	v21 =	vand.u32 $0x3FFF, v21  }
0x3a9: {  	v53 =	vcvt.s32.f32 v19;
	v54 =	vadd.s32 $0x2000, v19;
	v55 =	vld [tilespmem:s3+$0x9E80]  }
0x3aa: {  	v56 =	vcvt.s32.f32 v22;
	v17 =	vadd.s32 $0x2000, v22;
	v22 =	vld [tilespmem:s3+$0x9F00]  }
0x3ab: {  	v57 =	vld [tilespmem:s3+$0x6000];
	v58 =	vcvt.s32.f32 v46;
	v19 =	vadd.s32 $0x2000, v46  }
0x3ac: {  	v46 =	vld [tilespmem:s3+$0x6080];
	v59 =	vcvt.s32.f32 v49;
	v18 =	vadd.s32 $0x2000, v49;
	v49 =	vadd.s32 $0x2000, v20  }
0x3ad: {  	v60 =	vcvt.s32.f32 v52;
	v20 =	vadd.s32 $0x2000, v52;
	[tilespmem:v21+s22+$0x0] =	vst.idx.add.s32.msk $0xffff, v49  }
0x3ae: {  	v49 =	vld [tilespmem:s3+$0x6100];
	v52 =	vcvt.s32.f32 v55;
	v21 =	vadd.s32 $0x2000, v55  }
0x3af: {  	v55 =	vld [tilespmem:s3+$0x6180];
	v61 =	vcvt.s32.f32 v22;
	v22 =	vadd.s32 $0x2000, v22  }
0x3b0: {  	v36 =	vsub.f32 v57, v36;
	v57 =	vld [tilespmem:s3+$0x6200]  }
0x3b1: {  	v38 =	vsub.f32 v46, v38;
	v46 =	vld [tilespmem:s3+$0x6280]  }
0x3b2: {  	v36 =	vand.u32 $0x7FFFFFFF, v36;
	v62 =	vld [tilespmem:s3+$0x6300]  }
0x3b3: {  	v36 =	vmul.f32 $1.280000000e+02, v36;
	v38 =	vand.u32 $0x7FFFFFFF, v38;
	v39 =	vsub.f32 v49, v39;
	v49 =	vld [tilespmem:s3+$0x6380]  }
0x3b4: {  	v38 =	vmul.f32 $1.280000000e+02, v38;
	v41 =	vsub.f32 v55, v41;
	v55 =	vld [tilespmem:s3+$0x6C00]  }
0x3b5: {  	v36 =	vadd.f32 v1, v36;
	v39 =	vand.u32 $0x7FFFFFFF, v39;
	v43 =	vsub.f32 v57, v43;
	v57 =	vld [tilespmem:s3+$0x6C80]  }
0x3b6: {  	v39 =	vmul.f32 $1.280000000e+02, v39;
	v41 =	vand.u32 $0x7FFFFFFF, v41;
	v45 =	vsub.f32 v46, v45;
	v46 =	vld [tilespmem:s3+$0x6D00]  }
0x3b7: {  	v41 =	vmul.f32 $1.280000000e+02, v41;
	v43 =	vand.u32 $0x7FFFFFFF, v43;
	v47 =	vsub.f32 v62, v47;
	v62 =	vld [tilespmem:s3+$0x6D80]  }
0x3b8: {  	v43 =	vmul.f32 $1.280000000e+02, v43;
	v45 =	vand.u32 $0x7FFFFFFF, v45;
	v49 =	vsub.f32 v49, v50;
	v50 =	vld [tilespmem:s3+$0x6E00]  }
0x3b9: {  	v45 =	vmul.f32 $1.280000000e+02, v45;
	v47 =	vand.u32 $0x7FFFFFFF, v47;
	v53 =	vsub.f32 v55, v53;
	v55 =	vld [tilespmem:s3+$0x6E80]  }
0x3ba: {  	v47 =	vmul.f32 $1.280000000e+02, v47;
	v49 =	vand.u32 $0x7FFFFFFF, v49;
	v56 =	vsub.f32 v57, v56;
	v57 =	vld [tilespmem:s3+$0x6F00]  }
0x3bb: {  	v49 =	vmul.f32 $1.280000000e+02, v49;
	v53 =	vand.u32 $0x7FFFFFFF, v53;
	v46 =	vsub.f32 v46, v58;
	[tilespmem:v31+s22+$0x0] =	vst.idx.add.s32.msk $0xffff, v7;
	v7 =	vmovc v40  }
0x3bc: {  	v53 =	vmul.f32 $1.280000000e+02, v53;
	v31 =	vand.u32 $0x7FFFFFFF, v56;
	v40 =	vsub.f32 v62, v59;
	[tilespmem:v33+s22+$0x0] =	vst.idx.add.s32.msk $0xffff, v8;
	v8 =	vmovc v42  }
0x3bd: {  	v33 =	vmul.f32 $1.280000000e+02, v31;
	v31 =	vand.u32 $0x7FFFFFFF, v46;
	v42 =	vsub.f32 v50, v60;
	[tilespmem:v34+s22+$0x0] =	vst.idx.add.s32.msk $0xffff, v9;
	v9 =	vmovc v44  }
0x3be: {  	v34 =	vmul.f32 $1.280000000e+02, v31;
	v31 =	vand.u32 $0x7FFFFFFF, v40;
	v40 =	vsub.f32 v55, v52;
	[tilespmem:v35+s22+$0x0] =	vst.idx.add.s32.msk $0xffff, v5;
	v5 =	vmovc v37  }
0x3bf: {  	v35 =	vmul.f32 $1.280000000e+02, v31;
	v31 =	vand.u32 $0x7FFFFFFF, v42;
	v37 =	vsub.f32 v57, v61;
	[tilespmem:v32+s22+$0x0] =	vst.idx.add.s32.msk $0xffff, v6;
	v6 =	vmovc v48  }
.Ltmp6:
0x3c0: {  	v42 =	vadd.f32 v1, v38;
	v32 =	vmul.f32 $1.280000000e+02, v31;
	v38 =	vand.u32 $0x7FFFFFFF, v40;
	[tilespmem:v29+s22+$0x0] =	vst.idx.add.s32.msk $0xffff, v10;
	v10 =	vmovc v51;
	(pc) =	sbr.rel @p0 .LBB2_14-.Ltmp6, $4  }
0x3c1: {  	v31 =	vadd.f32 v1, v39;
	v29 =	vmul.f32 $1.280000000e+02, v38;
	v37 =	vand.u32 $0x7FFFFFFF, v37;
	[tilespmem:v30+s22+$0x0] =	vst.idx.add.s32.msk $0xffff, v11;
	v11 =	vmovc v54  }
0x3c2: {  	v40 =	vadd.f32 v1, v41;
	v38 =	vadd.f32 v1, v43;
	v30 =	vmul.f32 $1.280000000e+02, v37;
	[tilespmem:v28+s22+$0x0] =	vst.idx.add.s32.msk $0xffff, v25  }
0x3c3: {  	v25 =	vand.u32 $0x3FFF, v36;
	v28 =	vadd.f32 v1, v45;
	v36 =	vadd.f32 v1, v47;
	[tilespmem:v27+s22+$0x0] =	vst.idx.add.s32.msk $0xffff, v23  }
0x3c4: {  	s2 =	sadd.s32 $0x2, s2;
	v39 =	vadd.f32 v1, v49;
	v37 =	vand.u32 $0x3FFF, v42;
	v27 =	vadd.f32 v1, v53;
	[tilespmem:v26+s22+$0x0] =	vst.idx.add.s32.msk $0xffff, v24  }
0x3c5: {  	_ =	sdelay $0x3  }
0x3c6: {  	v23 =	vand.u32 $0x3FFF, v31;
	[tilespmem:v14+s22+$0x0] =	vst.idx.add.s32.msk $0xffff, v3  }
0x3c7: {  	v3 =	vand.u32 $0x3FFF, v40;
	[tilespmem:v13+s22+$0x0] =	vst.idx.add.s32.msk $0xffff, v2  }
0x3c8: {  	v2 =	vand.u32 $0x3FFF, v38;
	[tilespmem:v12+s22+$0x0] =	vst.idx.add.s32.msk $0xffff, v4  }
0x3c9: {  	[tilespmem:v25+s22+$0x0] =	vst.idx.add.s32.msk $0xffff, v15;
	v4 =	vand.u32 $0x3FFF, v28  }
0x3ca: {  	v12 =	vand.u32 $0x3FFF, v36;
	[tilespmem:v37+s22+$0x0] =	vst.idx.add.s32.msk $0xffff, v16  }
0x3cb: {  	v13 =	vadd.f32 v1, v33;
	v14 =	vand.u32 $0x3FFF, v39;
	[tilespmem:v23+s22+$0x0] =	vst.idx.add.s32.msk $0xffff, v7  }
0x3cc: {  	v15 =	vand.u32 $0x3FFF, v27;
	v7 =	vadd.f32 v1, v34;
	[tilespmem:v3+s22+$0x0] =	vst.idx.add.s32.msk $0xffff, v8  }
0x3cd: {  	v3 =	vadd.f32 v1, v35;
	v8 =	vand.u32 $0x3FFF, v13;
	[tilespmem:v2+s22+$0x0] =	vst.idx.add.s32.msk $0xffff, v9  }
0x3ce: {  	v2 =	vadd.f32 v1, v32;
	[tilespmem:v4+s22+$0x0] =	vst.idx.add.s32.msk $0xffff, v5;
	v7 =	vand.u32 $0x3FFF, v7  }
0x3cf: {  	v4 =	vadd.f32 v1, v29;
	[tilespmem:v12+s22+$0x0] =	vst.idx.add.s32.msk $0xffff, v6;
	v3 =	vand.u32 $0x3FFF, v3  }
0x3d0: {  	v5 =	vadd.f32 v1, v30;
	[tilespmem:v14+s22+$0x0] =	vst.idx.add.s32.msk $0xffff, v10;
	v2 =	vand.u32 $0x3FFF, v2  }
0x3d1: {  	[tilespmem:v15+s22+$0x0] =	vst.idx.add.s32.msk $0xffff, v11;
	v4 =	vand.u32 $0x3FFF, v4  }
0x3d2: {  	v5 =	vand.u32 $0x3FFF, v5;
	[tilespmem:v8+s22+$0x0] =	vst.idx.add.s32.msk $0xffff, v17  }
0x3d3: {  	[tilespmem:v7+s22+$0x0] =	vst.idx.add.s32.msk $0xffff, v19  }
0x3d4: {  	[tilespmem:v3+s22+$0x0] =	vst.idx.add.s32.msk $0xffff, v18  }
0x3d5: {  	[tilespmem:v2+s22+$0x0] =	vst.idx.add.s32.msk $0xffff, v20  }
0x3d6: {  	[tilespmem:v4+s22+$0x0] =	vst.idx.add.s32.msk $0xffff, v21  }
0x3d7: {  	s1 =	sand.u32 $0x3E0, s1;
	[tilespmem:v5+s22+$0x0] =	vst.idx.add.s32.msk $0xffff, v22  }
0x3d8: {  	v2 =	vld [tilespmem:s1+$0xFC00]  }
0x3d9: {  	v4 =	vld [tilespmem:s1+$0xF800]  }
0x3da: {  	v7 =	vld [tilespmem:s1+$0xF400]  }
0x3db: {  	v9 =	vld [tilespmem:s1+$0xF000]  }
0x3dc: {  	v11 =	vld [tilespmem:s1+$0xEC00]  }
0x3dd: {  	v13 =	vld [tilespmem:s1+$0xE800]  }
0x3de: {  	v15 =	vld [tilespmem:s1+$0xE400]  }
0x3df: {  	v17 =	vld [tilespmem:s1+$0xE000]  }
0x3e0: {  	v19 =	vld [tilespmem:s1+$0xDC00]  }
0x3e1: {  	v21 =	vld [tilespmem:s1+$0xD800]  }
0x3e2: {  	v23 =	vld [tilespmem:s1+$0xD400]  }
0x3e3: {  	v24 =	vld [tilespmem:s1+$0xD000]  }
0x3e4: {  	v25 =	vld [tilespmem:s1+$0xCC00];
	v3 =	vshra.s32 v2, $0xD;
	v2 =	vand.u32 $0x1FFF, v2  }
0x3e5: {  	v26 =	vld [tilespmem:s1+$0xC800];
	v6 =	vshra.s32 v7, $0xD;
	v5 =	vshra.s32 v4, $0xD;
	v4 =	vand.u32 $0x1FFF, v4  }
0x3e6: {  	v27 =	vld [tilespmem:s0+$0xFFFFE000];
	v8 =	vshra.s32 v9, $0xD;
	v9 =	vand.u32 $0x1FFF, v9;
	v7 =	vand.u32 $0x1FFF, v7  }
0x3e7: {  	v28 =	vld [tilespmem:s0+$0xFFFFE400];
	v12 =	vshra.s32 v13, $0xD;
	v10 =	vshra.s32 v11, $0xD;
	v11 =	vand.u32 $0x1FFF, v11  }
0x3e8: {  	v62 =	vld [tilespmem:s0+$0xFFFFF800];
	v14 =	vshra.s32 v15, $0xD;
	v15 =	vand.u32 $0x1FFF, v15;
	v13 =	vand.u32 $0x1FFF, v13  }
0x3e9: {  	v63 =	vld [tilespmem:s0+$0xFFFFFC00];
	v18 =	vshra.s32 v19, $0xD;
	v16 =	vshra.s32 v17, $0xD;
	v17 =	vand.u32 $0x1FFF, v17  }
0x3ea: {  	v48 =	vld [tilespmem:s0+$0x400];
	v20 =	vshra.s32 v21, $0xD;
	v21 =	vand.u32 $0x1FFF, v21;
	v19 =	vand.u32 $0x1FFF, v19  }
0x3eb: {  	v43 =	vld [tilespmem:s0+$0xFFFFE3F0];
	v30 =	vshra.s32 v24, $0xD;
	v22 =	vshra.s32 v23, $0xD;
	v23 =	vand.u32 $0x1FFF, v23  }
0x3ec: {  	v44 =	vld [tilespmem:s0+$0xFFFFDFF0];
	v32 =	vshra.s32 v25, $0xD;
	v33 =	vand.u32 $0x1FFF, v25;
	v34 =	vand.u32 $0x1FFF, v24  }
0x3ed: {  	v29 =	vld [tilespmem:s0+$0xFFFFE800];
	v35 =	vshra.s32 v26, $0xD;
	v36 =	vand.u32 $0x1FFF, v26;
	v25 =	vshra.s32 v27, $0xD  }
0x3ee: {  	v26 =	vand.u32 $0x1FFF, v27;
	v27 =	vshra.s32 v28, $0xD;
	v28 =	vand.u32 $0x1FFF, v28  }
0x3ef: {  	v31 =	vld [tilespmem:s0+$0xFFFFEC00];
	v41 =	vand.u32 $0x1FFF, v63;
	v42 =	vand.u32 $0x1FFF, v48;
	v38 =	vshra.s32 v62, $0xD  }
0x3f0: {  	v24 =	vld [tilespmem:s0+$0xFFFFF000];
	v39 =	vshra.s32 v63, $0xD;
	v57 =	vshra.s32 v43, $0xD;
	v58 =	vand.u32 $0x1FFF, v43  }
0x3f1: {  	v37 =	vld [tilespmem:s0+$0xFFFFF400];
	v59 =	vshra.s32 v44, $0xD;
	v60 =	vand.u32 $0x1FFF, v44;
	v40 =	vshra.s32 v48, $0xD  }
0x3f2: {  	v25 =	vadd.s32 v25, v27;
	v26 =	vadd.s32 v26, v28;
	v27 =	vand.u32 $0x1FFF, v29  }
0x3f3: {  	v28 =	vshra.s32 v29, $0xD;
	v61 =	vadd.s32 v59, v57;
	v26 =	vadd.s32 v27, v26  }
0x3f4: {  	v29 =	vld [tilespmem:s0+$0x0];
	v27 =	vand.u32 $0x1FFF, v31;
	v25 =	vadd.s32 v28, v25;
	v28 =	vshra.s32 v31, $0xD  }
0x3f5: {  	v35 =	vadd.s32 v35, v61;
	v26 =	vadd.s32 v27, v26;
	v27 =	vand.u32 $0x1FFF, v24  }
0x3f6: {  	v31 =	vld [tilespmem:s0+$0x800];
	v25 =	vadd.s32 v28, v25;
	v26 =	vadd.s32 v27, v26;
	v27 =	vand.u32 $0x1FFF, v37  }
0x3f7: {  	v28 =	vld [tilespmem:s0+$0xC00];
	v24 =	vshra.s32 v24, $0xD;
	v26 =	vadd.s32 v27, v26;
	v27 =	vand.u32 $0x1FFF, v62  }
0x3f8: {  	v32 =	vadd.s32 v32, v35;
	v24 =	vadd.s32 v24, v25;
	v26 =	vadd.s32 v27, v26;
	v27 =	vld [tilespmem:s0+$0x1000]  }
0x3f9: {  	v49 =	vand.u32 $0x1FFF, v29;
	v37 =	vshra.s32 v37, $0xD;
	v25 =	vadd.s32 v41, v26;
	v26 =	vld [tilespmem:s0+$0x1400]  }
0x3fa: {  	v29 =	vshra.s32 v29, $0xD;
	v37 =	vadd.s32 v37, v24;
	v41 =	vadd.s32 v49, v25;
	v25 =	vld [tilespmem:s0+$0x1800]  }
0x3fb: {  	v50 =	vand.u32 $0x1FFF, v31;
	v24 =	vld [tilespmem:s0+$0x1C00];
	v62 =	vadd.s32 v60, v58;
	v41 =	vadd.s32 v42, v41  }
0x3fc: {  	v63 =	vshra.s32 v31, $0xD;
	v51 =	vand.u32 $0x1FFF, v28;
	v41 =	vadd.s32 v50, v41  }
0x3fd: {  	v37 =	vadd.s32 v38, v37;
	v52 =	vadd.s32 v51, v41;
	v53 =	vand.u32 $0x1FFF, v27  }
0x3fe: {  	v36 =	vadd.s32 v36, v62;
	v38 =	vadd.s32 v53, v52;
	v54 =	vand.u32 $0x1FFF, v26  }
0x3ff: {  	v37 =	vadd.s32 v39, v37;
	v38 =	vadd.s32 v54, v38;
	v55 =	vand.u32 $0x1FFF, v25  }
0x400: {  	v29 =	vadd.s32 v29, v37;
	v56 =	vand.u32 $0x1FFF, v24;
	v38 =	vadd.s32 v55, v38  }
0x401: {  	v33 =	vadd.s32 v33, v36;
	v29 =	vadd.s32 v40, v29;
	v38 =	vadd.s32 v56, v38  }
0x402: {  	s2 =	simm.s32 $0x20;
	s1 =	simm.s32 $0x0;
	v30 =	vadd.s32 v30, v32;
	v31 =	vadd.s32 v34, v33;
	v29 =	vadd.s32 v63, v29;
	[tilespmem:s31+$0x10] =	vst v38  }
.LBB2_16:
0x403: {  	s3 =	sand.u32 $0x3E0, s2;
	v22 =	vadd.s32 v22, v30;
	v23 =	vadd.s32 v23, v31;
	v28 =	vshra.s32 v28, $0xD  }
0x404: {  	v30 =	vld [tilespmem:s3+$0xFC00];
	v20 =	vadd.s32 v20, v22;
	v21 =	vadd.s32 v21, v23;
	v22 =	vadd.s32 v28, v29  }
0x405: {  	v23 =	vld [tilespmem:s3+$0xF800];
	v18 =	vadd.s32 v18, v20;
	v19 =	vadd.s32 v19, v21;
	v20 =	vshra.s32 v27, $0xD  }
0x406: {  	v21 =	vld [tilespmem:s3+$0xF400];
	v16 =	vadd.s32 v16, v18;
	v17 =	vadd.s32 v17, v19;
	v18 =	vadd.s32 v20, v22  }
0x407: {  	v19 =	vld [tilespmem:s3+$0xF000];
	v14 =	vadd.s32 v14, v16;
	v15 =	vadd.s32 v15, v17;
	v16 =	vshra.s32 v26, $0xD  }
0x408: {  	v17 =	vld [tilespmem:s3+$0xEC00];
	v12 =	vadd.s32 v12, v14;
	v13 =	vadd.s32 v13, v15;
	v14 =	vadd.s32 v16, v18  }
0x409: {  	v16 =	vld [tilespmem:s3+$0xE800];
	v10 =	vadd.s32 v10, v12;
	v11 =	vadd.s32 v11, v13;
	v12 =	vshra.s32 v25, $0xD  }
0x40a: {  	v13 =	vld [tilespmem:s3+$0xE400];
	v8 =	vadd.s32 v8, v10;
	v9 =	vadd.s32 v9, v11;
	v10 =	vadd.s32 v12, v14  }
0x40b: {  	v20 =	vld [tilespmem:s3+$0xE000];
	v6 =	vadd.s32 v6, v8;
	v7 =	vadd.s32 v7, v9;
	v8 =	vshra.s32 v24, $0xD  }
0x40c: {  	v22 =	vld [tilespmem:s3+$0xDC00];
	v5 =	vadd.s32 v5, v6;
	v4 =	vadd.s32 v4, v7;
	v6 =	vadd.s32 v8, v10  }
0x40d: {  	v24 =	vld [tilespmem:s3+$0xD800];
	v5 =	vadd.s32 v3, v5;
	v7 =	vadd.s32 v2, v4;
	[tilespmem:s31+$0xFFFFFC10] =	vst v6  }
0x40e: {  	v3 =	vshra.s32 v30, $0xD;
	v2 =	vand.u32 $0x1FFF, v30;
	v25 =	vld [tilespmem:s3+$0xD400];
	[tilespmem:s31+$0xFFFFFC00] =	vst v5  }
0x40f: {  	v6 =	vshra.s32 v21, $0xD;
	v4 =	vand.u32 $0x1FFF, v23;
	v5 =	vshra.s32 v23, $0xD;
	v26 =	vld [tilespmem:s3+$0xD000];
	[tilespmem:s31+$0x0] =	vst v7  }
0x410: {  	v8 =	vshra.s32 v19, $0xD;
	v9 =	vand.u32 $0x1FFF, v19;
	v7 =	vand.u32 $0x1FFF, v21;
	v27 =	vld [tilespmem:s3+$0xCC00]  }
0x411: {  	s0 =	sadd.s32 $0x20, s0;
	v10 =	vshra.s32 v17, $0xD;
	v11 =	vand.u32 $0x1FFF, v17;
	v12 =	vshra.s32 v16, $0xD;
	v28 =	vld [tilespmem:s3+$0xC800]  }
0x412: {  	v14 =	vshra.s32 v13, $0xD;
	v15 =	vand.u32 $0x1FFF, v13;
	v13 =	vand.u32 $0x1FFF, v16;
	v29 =	vld [tilespmem:s0+$0xFFFFE000]  }
0x413: {  	s1 =	sadd.s32 $0x2, s1;
	v16 =	vshra.s32 v20, $0xD;
	v17 =	vand.u32 $0x1FFF, v20;
	v18 =	vshra.s32 v22, $0xD;
	v30 =	vld [tilespmem:s0+$0xFFFFE400]  }
0x414: {  	p0 =	slt.u32 s1, $0x3E;
	v19 =	vand.u32 $0x1FFF, v22;
	v20 =	vshra.s32 v24, $0xD;
	v21 =	vand.u32 $0x1FFF, v24;
	v24 =	vld [tilespmem:s0+$0xFFFFE800]  }
0x415: {  	v22 =	vshra.s32 v25, $0xD;
	v23 =	vand.u32 $0x1FFF, v25;
	v31 =	vshra.s32 v26, $0xD;
	v25 =	vld [tilespmem:s0+$0xFFFFEC00]  }
0x416: {  	v34 =	vand.u32 $0x1FFF, v26;
	v32 =	vshra.s32 v27, $0xD;
	v33 =	vand.u32 $0x1FFF, v27;
	v26 =	vld [tilespmem:s0+$0xFFFFF000]  }
0x417: {  	v35 =	vshra.s32 v28, $0xD;
	v36 =	vand.u32 $0x1FFF, v28;
	v27 =	vshra.s32 v29, $0xD;
	v37 =	vld [tilespmem:s0+$0xFFFFF400]  }
0x418: {  	v28 =	vand.u32 $0x1FFF, v29;
	v29 =	vshra.s32 v30, $0xD;
	v30 =	vand.u32 $0x1FFF, v30;
	v38 =	vld [tilespmem:s0+$0xFFFFF800]  }
0x419: {  	v27 =	vadd.s32 v27, v29;
	v28 =	vadd.s32 v28, v30;
	v29 =	vand.u32 $0x1FFF, v24;
	v30 =	vld [tilespmem:s0+$0xFFFFFC00]  }
0x41a: {  	v24 =	vshra.s32 v24, $0xD;
	v28 =	vadd.s32 v29, v28;
	v29 =	vand.u32 $0x1FFF, v25;
	v39 =	vld [tilespmem:s0+$0x0]  }
0x41b: {  	v24 =	vadd.s32 v24, v27;
	v27 =	vadd.s32 v29, v28;
	v28 =	vand.u32 $0x1FFF, v26;
	v29 =	vld [tilespmem:s0+$0x400]  }
0x41c: {  	v25 =	vshra.s32 v25, $0xD;
	v27 =	vadd.s32 v28, v27;
	v28 =	vand.u32 $0x1FFF, v37;
	v40 =	vld [tilespmem:s0+$0x800]  }
0x41d: {  	v24 =	vadd.s32 v25, v24;
	v25 =	vadd.s32 v28, v27;
	v27 =	vand.u32 $0x1FFF, v38;
	v28 =	vld [tilespmem:s0+$0xC00]  }
0x41e: {  	v26 =	vshra.s32 v26, $0xD;
	v25 =	vadd.s32 v27, v25;
	v41 =	vand.u32 $0x1FFF, v30;
	v27 =	vld [tilespmem:s0+$0x1000]  }
0x41f: {  	v24 =	vadd.s32 v26, v24;
	v25 =	vadd.s32 v41, v25;
	v41 =	vand.u32 $0x1FFF, v39;
	v26 =	vld [tilespmem:s0+$0x1400]  }
0x420: {  	v37 =	vshra.s32 v37, $0xD;
	v41 =	vadd.s32 v41, v25;
	v42 =	vand.u32 $0x1FFF, v29;
	v25 =	vld [tilespmem:s0+$0x1800]  }
0x421: {  	v37 =	vadd.s32 v37, v24;
	v41 =	vadd.s32 v42, v41;
	v42 =	vand.u32 $0x1FFF, v40;
	v24 =	vld [tilespmem:s0+$0x1C00]  }
0x422: {  	v38 =	vshra.s32 v38, $0xD;
	v43 =	vld [tilespmem:s0+$0xFFFFE3F0];
	v41 =	vadd.s32 v42, v41;
	v42 =	vand.u32 $0x1FFF, v28  }
0x423: {  	v37 =	vadd.s32 v38, v37;
	v44 =	vld [tilespmem:s0+$0xFFFFDFF0];
	v38 =	vadd.s32 v42, v41;
	v41 =	vand.u32 $0x1FFF, v27  }
0x424: {  	v30 =	vshra.s32 v30, $0xD;
	v38 =	vadd.s32 v41, v38;
	v41 =	vand.u32 $0x1FFF, v26  }
0x425: {  	v30 =	vadd.s32 v30, v37;
	v37 =	vadd.s32 v41, v38;
	v38 =	vand.u32 $0x1FFF, v25  }
0x426: {  	v39 =	vshra.s32 v39, $0xD;
	v37 =	vadd.s32 v38, v37;
	v38 =	vand.u32 $0x1FFF, v24  }
0x427: {  	s31 =	sadd.s32 $0x20, s31;
	v41 =	vshra.s32 v43, $0xD;
	v42 =	vand.u32 $0x1FFF, v43;
	v37 =	vadd.s32 v38, v37  }
.Ltmp7:
0x428: {  	v30 =	vadd.s32 v39, v30;
	v38 =	vshra.s32 v44, $0xD;
	v43 =	vand.u32 $0x1FFF, v44;
	[tilespmem:s31+$0x10] =	vst v37;
	(pc) =	sbr.rel @p0 .LBB2_16-.Ltmp7, $4  }
0x429: {  	v29 =	vshra.s32 v29, $0xD;
	v37 =	vadd.s32 v38, v41;
	v38 =	vadd.s32 v43, v42  }
0x42a: {  	v29 =	vadd.s32 v29, v30;
	v35 =	vadd.s32 v35, v37;
	v36 =	vadd.s32 v36, v38  }
0x42b: {  	v30 =	vadd.s32 v32, v35;
	v32 =	vadd.s32 v33, v36;
	v33 =	vshra.s32 v40, $0xD  }
0x42c: {  	s2 =	sadd.s32 $0x20, s2;
	v30 =	vadd.s32 v31, v30;
	v31 =	vadd.s32 v34, v32;
	v29 =	vadd.s32 v33, v29  }
0x42d: {  	v22 =	vadd.s32 v22, v30;
	v23 =	vadd.s32 v23, v31  }
0x42e: {  	v28 =	vshra.s32 v28, $0xD;
	v56 =	vshra.s32 v27, $0xD;
	v20 =	vadd.s32 v20, v22  }
0x42f: {  	v58 =	vshra.s32 v26, $0xD;
	v21 =	vadd.s32 v21, v23;
	v18 =	vadd.s32 v18, v20  }
0x430: {  	v60 =	vshra.s32 v25, $0xD;
	v19 =	vadd.s32 v19, v21;
	v16 =	vadd.s32 v16, v18  }
0x431: {  	v62 =	vshra.s32 v24, $0xD;
	v17 =	vadd.s32 v17, v19;
	v14 =	vadd.s32 v14, v16  }
0x432: {  	v55 =	vadd.s32 v28, v29;
	v15 =	vadd.s32 v15, v17;
	v12 =	vadd.s32 v12, v14  }
0x433: {  	v57 =	vadd.s32 v56, v55;
	v13 =	vadd.s32 v13, v15;
	v10 =	vadd.s32 v10, v12  }
0x434: {  	v59 =	vadd.s32 v58, v57;
	v11 =	vadd.s32 v11, v13;
	v8 =	vadd.s32 v8, v10  }
0x435: {  	v61 =	vadd.s32 v60, v59;
	v9 =	vadd.s32 v9, v11;
	v6 =	vadd.s32 v6, v8  }
0x436: {  	v63 =	vadd.s32 v62, v61;
	v7 =	vadd.s32 v7, v9;
	v5 =	vadd.s32 v5, v6  }
0x437: {  	s30 =	sadd.s32 $0x1, s30;
	[tilespmem:s31+$0xFFFFFC10] =	vst v63;
	v4 =	vadd.s32 v4, v7;
	v3 =	vadd.s32 v3, v5  }
0x438: {  	s0 =	simm.s32 $0x80;
	p0 =	sne.s32 s30, s16;
	v2 =	vadd.s32 v2, v4;
	[tilespmem:s31+$0xFFFFFC00] =	vst v3  }
.Ltmp8:
0x439: {  	s1 =	simm.s32 $0x400;
	s2 =	simm.s32 $0x10000;
	[tilespmem:s31+$0x0] =	vst v2;
	(pc) =	sbr.rel @p0 .LBB2_1-.Ltmp8, $4  }
0x43a: {  	[hbm4b:s15+s0] =	stream.strided.scatter [tilespmem:s2], [sflag:$0x5], $0x800, s1, s0, $0x38;
	[tilespmem:$0x10800] =	vst v63  }
0x43b: {  	_ =	swait.ge [sflag:s29], $0x800  }
0x43c: {  	[sflag:s29] =	ssyncset.done $0x0  }
0x43d: {  	[sflag:s29] =	ssyncadd.s32 $0xFFFFF800  }
0x43e: {  	_ =	sfence.sel $0x180000  }
0x43f: {  	[bflag:$0x0] =	sbarrier.arrive $0xFFFF  }
0x440: {  	_ =	strace $0x90000047  }
0x441: {  	s0 =	stileid.u32;
	[bflag:$0x2] =	sbarrier.arrive $0xFFFF  }
0x442: {  	p0 =	sne.s32 s0, $0x0;
	s0 =	rddreg [dreg:$0x3]  }
0x443: {  	s0 =	sadd.s32 @!p0 $0x100000, s0  }
0x444: {  	[sflag:s0] =	ssyncadd.tile.s32 @!p0 $0x1;
	_ =	shalt  }
.Lfunc_end2:
_tile_overlayer_lowered:
.L_overlay_start_2:
0x445: {  	(tag) =	ssettag $0x2  }
0x446: {  	s0 =	rddreg [dreg:$0x0];
	s2 =	stileid.u32  }
0x447: {  	s1 =	rddreg [dreg:$0x1];
	p0 =	sne.s32 s2, $0x0  }
0x448: {  	s3 =	rddreg [dreg:$0x2];
	[bflag:$0x3] =	sbarrier.arrive $0xFFFF;
	s2 =	simm.s32 @!p0 $0x1C05  }
0x449: {  	[timem:s3], [sflag:s2] =	dma.local @!p0 [hbm:s0], s1  }
0x44a: {  	s0 =	simm.s32 @!p0 $0x5  }
0x44b: {  	_ =	swait.ge @!p0 [sflag:s0], s1  }
0x44c: {  	s1 =	ssub.s32 @!p0 $0x0, s1;
	[sflag:s0] =	ssyncset.done @!p0 $0x0  }
0x44d: {  	[sflag:s0] =	ssyncadd.s32 @!p0 s1  }
0x44e: {  	[bflag:$0x3] =	sbarrier.arrive $0xFFFF  }
0x44f: {  	_ =	shalt  }

</sc_bundles>
